<compile_context>
chip_gen: v7x
topology: tpu7x:2x2x1
jax: 0.10.2.dev20260603
libtpu: 0.0.44.dev20260713+nightly
codegen_flags: <defaults>
</compile_context>

<pallas_src>
import functools

import jax
import jax.numpy as jnp
from jax import lax
from jax.experimental import pallas as pl
from jax.experimental.pallas import tpu as pltpu
from jax.experimental.pallas import tpu_sc as plsc

N = 10000
E = 320000
D_IN = 128
D_HID = 16

NC = 2
NS = 16
NW = NC * NS
CHUNK = 128
NCH = 80
Q = NCH * CHUNK
EPAD = NW * Q
NPAD = 10240
RPS = NPAD // NS
SUP = 8
NSUP = NCH // SUP

_mesh = plsc.VectorSubcoreMesh(core_axis_name="c", subcore_axis_name="s")
_sc_params = pltpu.CompilerParams(use_tc_tiling_on_sc=False,
                                  needs_layout_passes=False)


DROWS = 640


@functools.partial(
    pl.kernel,
    out_type=jax.ShapeDtypeStruct((NC, NPAD, 16), jnp.float32),
    mesh=_mesh,
    scratch_types=[
        pltpu.VMEM((NSUP, SUP * CHUNK), jnp.int32),
        pltpu.VMEM((DROWS, 16), jnp.float32),
        pltpu.VMEM((1, DROWS), jnp.int32),
        pltpu.VMEM((DROWS // NS, 16), jnp.float32),
        pltpu.VMEM((RPS, 16), jnp.float32),
        pltpu.VMEM_SHARED((DROWS, 16), jnp.float32),
        pltpu.SemaphoreType.DMA,
    ],
    compiler_params=_sc_params,
)
def _sc_degree(dst_hbm, zeros_hbm, out_hbm, idx_v, hist_v, iota_v, pk_v,
               bc_v, acc_sh, dsem):
    c = lax.axis_index("c")
    s = lax.axis_index("s")
    wid = c * NS + s
    di = pltpu.async_copy(dst_hbm.at[pl.ds(wid * NSUP, NSUP)], idx_v, dsem)
    zvec = jnp.zeros((16,), jnp.float32)

    @pl.loop(0, DROWS)
    def _(r):
        hist_v[r, :] = zvec

    @pl.loop(0, DROWS // 16)
    def _(m):
        iota_v[0, pl.ds(m * 16, 16)] = lax.iota(jnp.int32, 16) + m * 16

    @pl.when(s == 0)
    def _():
        pltpu.sync_copy(zeros_hbm.at[pl.ds(0, DROWS)], acc_sh)

    ones_vec = jnp.ones((16,), jnp.float32)
    di.wait()

    @pl.loop(0, NSUP)
    def _(j):
        for k in range(SUP * CHUNK // 16):
            d = idx_v[j, pl.ds(k * 16, 16)]
            plsc.addupdate_scatter(hist_v, [d >> 4, d & 15], ones_vec)

    plsc.subcore_barrier()
    pltpu.async_copy(hist_v, acc_sh.at[iota_v.at[0]], dsem, add=True).wait()
    plsc.subcore_barrier()
    pltpu.sync_copy(acc_sh.at[pl.ds(s * (DROWS // NS), DROWS // NS)], pk_v)

    @pl.loop(0, RPS)
    def _(i):
        bc_v[i, :] = plsc.load_gather(
            pk_v, [jnp.full((16,), i >> 4, jnp.int32),
                   jnp.full((16,), i & 15, jnp.int32)])

    pltpu.sync_copy(bc_v, out_hbm.at[c].at[pl.ds(s * RPS, RPS)])


@functools.partial(
    pl.kernel,
    out_type=jax.ShapeDtypeStruct((NC, NPAD, D_HID), jnp.float32),
    mesh=_mesh,
    scratch_types=[
        pltpu.VMEM((NSUP, SUP * CHUNK), jnp.int32),
        pltpu.VMEM((NSUP, SUP * CHUNK), jnp.int32),
        [pltpu.VMEM((SUP * CHUNK, D_HID), jnp.float32) for _ in range(4)],
        pltpu.VMEM_SHARED((NPAD, D_HID), jnp.float32),
        pltpu.VMEM_SHARED((NPAD, D_HID), jnp.float32),
        [pltpu.SemaphoreType.DMA for _ in range(4)],
        [pltpu.SemaphoreType.DMA for _ in range(4)],
        pltpu.SemaphoreType.DMA,
        pltpu.SemaphoreType.DMA,
        pltpu.SemaphoreType.DMA,
    ],
    compiler_params=_sc_params,
)
def _sc_edge_pass(g_hbm, src_hbm, dst_hbm, zeros_hbm, out_hbm,
                  src_v, dst_v, rows_v, acc_sh, g_sh, gsems, ssems,
                  isem, tsem, asem):
    c = lax.axis_index("c")
    s = lax.axis_index("s")
    wid = c * NS + s
    s_off = s * RPS
    tail = N - (NS - 1) * RPS
    di1 = pltpu.async_copy(src_hbm.at[pl.ds(wid * NSUP, NSUP)], src_v, isem)
    di2 = pltpu.async_copy(dst_hbm.at[pl.ds(wid * NSUP, NSUP)], dst_v, isem)

    @pl.when(s < NS - 1)
    def _():
        pltpu.async_copy(g_hbm.at[pl.ds(s_off, RPS)],
                         g_sh.at[pl.ds(s_off, RPS)], tsem)

    @pl.when(s == NS - 1)
    def _():
        pltpu.async_copy(g_hbm.at[pl.ds(s_off, tail)],
                         g_sh.at[pl.ds(s_off, tail)], tsem)
        pltpu.async_copy(zeros_hbm.at[pl.ds(0, NPAD - N)],
                         g_sh.at[pl.ds(N, NPAD - N)], tsem)

    @pl.when((c == 0) & (s < NS - 1))
    def _():
        pltpu.async_copy(g_hbm.at[pl.ds(s_off, RPS)],
                         acc_sh.at[pl.ds(s_off, RPS)], asem)

    @pl.when((c == 0) & (s == NS - 1))
    def _():
        pltpu.async_copy(g_hbm.at[pl.ds(s_off, tail)],
                         acc_sh.at[pl.ds(s_off, tail)], asem)
        pltpu.async_copy(zeros_hbm.at[pl.ds(0, NPAD - N)],
                         acc_sh.at[pl.ds(N, NPAD - N)], asem)

    @pl.when(c == 1)
    def _():
        pltpu.async_copy(zeros_hbm.at[pl.ds(s_off, RPS)],
                         acc_sh.at[pl.ds(s_off, RPS)], asem)

    di1.wait()
    di2.wait()
    pltpu.make_async_copy(zeros_hbm.at[pl.ds(0, RPS)],
                          g_sh.at[pl.ds(s_off, RPS)], tsem).wait()
    pltpu.make_async_copy(zeros_hbm.at[pl.ds(0, RPS)],
                          acc_sh.at[pl.ds(s_off, RPS)], asem).wait()
    plsc.subcore_barrier()

    def gath(m, b):
        return pltpu.async_copy(g_sh.at[src_v.at[m]], rows_v[b], gsems[b])

    def scat(m, b):
        return pltpu.async_copy(rows_v[b], acc_sh.at[dst_v.at[m]],
                                ssems[b], add=True)

    gd = [None] * NSUP
    sd = [None] * NSUP
    for m in range(NSUP):
        b = m % 4
        if m >= 4:
            sd[m - 4].wait()
        gd[m] = gath(m, b)
        if m >= 1:
            gd[m - 1].wait()
            sd[m - 1] = scat(m - 1, (m - 1) % 4)
    gd[NSUP - 1].wait()
    sd[NSUP - 1] = scat(NSUP - 1, (NSUP - 1) % 4)
    for m in range(NSUP - 4, NSUP):
        sd[m].wait()

    plsc.subcore_barrier()
    pltpu.sync_copy(acc_sh.at[pl.ds(s * RPS, RPS)],
                    out_hbm.at[c].at[pl.ds(s * RPS, RPS)])


def _tc_stage1(x_ref, w_ref, deg_ref, g_ref, dis_ref):
    deg = (deg_ref[0] + deg_ref[1])[:N] + 1.0
    dis = lax.rsqrt(deg)
    h = jnp.dot(x_ref[...], w_ref[...], preferred_element_type=jnp.float32)
    g_ref[...] = h * dis
    dis_ref[...] = dis


def _tc_stage2(acc_ref, dis_ref, b_ref, w_ref, g2_ref):
    dis = dis_ref[...]
    srow = (acc_ref[0] + acc_ref[1])[:N]
    h = jnp.maximum(srow * dis + b_ref[...][None, :], 0.0)
    g2_ref[...] = jnp.dot(h, w_ref[...],
                          preferred_element_type=jnp.float32) * dis


def _tc_stage3(acc_ref, dis_ref, b_ref, out_ref):
    srow = (acc_ref[0] + acc_ref[1])[:N]
    out_ref[...] = srow * dis_ref[...] + b_ref[...][None, :]


def kernel(x, edge_index, W1, b1, W2, b2):
    ei = edge_index.astype(jnp.int32)
    pad = jnp.full((EPAD - E,), N, jnp.int32)
    src = jnp.concatenate([ei[0], pad]).reshape(NW * NSUP, SUP * CHUNK)
    dst = jnp.concatenate([ei[1], pad]).reshape(NW * NSUP, SUP * CHUNK)
    zeros_nd = jnp.zeros((NPAD, D_HID), jnp.float32)

    deg2 = _sc_degree(dst, zeros_nd)

    g1, dis = pl.pallas_call(
        _tc_stage1,
        out_shape=(jax.ShapeDtypeStruct((N, D_HID), jnp.float32),
                   jax.ShapeDtypeStruct((N, D_HID), jnp.float32)),
    )(x, W1, deg2)

    acc1 = _sc_edge_pass(g1, src, dst, zeros_nd)

    g2 = pl.pallas_call(
        _tc_stage2,
        out_shape=jax.ShapeDtypeStruct((N, D_HID), jnp.float32),
    )(acc1, dis, b1, W2)

    acc2 = _sc_edge_pass(g2, src, dst, zeros_nd)

    return pl.pallas_call(
        _tc_stage3,
        out_shape=jax.ShapeDtypeStruct((N, D_HID), jnp.float32),
    )(acc2, dis, b2)

# --- scband reference (transcript-rebuilt; emitter-appended) ---
"""Pipeline reference for scband-gnnrecommender-58729382805523 (READ-ONLY COPY).

The authoritative reference and input builder live on the scoring server;
editing this copy changes nothing except your own understanding.
"""

import jax, jax.numpy as jnp
import numpy as np

N_NODES = 10000
N_EDGES = 320000
D_IN = 128
D_HID = 16


def gcn_conv(x, edge_index, W, b):
    # Faithful GCNConv: x' = D^{-1/2} (A + I) D^{-1/2} X W + b
    n = x.shape[0]
    loop = jnp.arange(n, dtype=edge_index.dtype)
    src = jnp.concatenate([edge_index[0], loop])
    dst = jnp.concatenate([edge_index[1], loop])
    # degree (with self loops, unit edge weights), computed on dst like PyG
    deg = jnp.zeros((n,), dtype=x.dtype).at[dst].add(1.0)
    deg_inv_sqrt = deg ** -0.5
    deg_inv_sqrt = jnp.where(jnp.isinf(deg_inv_sqrt), 0.0, deg_inv_sqrt)
    norm = deg_inv_sqrt[src] * deg_inv_sqrt[dst]
    h = x @ W
    msg = h[src] * norm[:, None]
    out = jnp.zeros((n, h.shape[1]), dtype=x.dtype).at[dst].add(msg)
    return out + b


def setup_inputs(seed: int = 0) -> dict:
    key = jax.random.key(seed)
    k_x, k_e, k_w1, k_w2 = jax.random.split(key, 4)
    x = jax.random.normal(k_x, (N_NODES, D_IN), dtype=jnp.float32)
    edge_index = jax.random.randint(k_e, (2, N_EDGES), 0, N_NODES, dtype=jnp.int64)
    # glorot-style init for the two GCNConv weight matrices
    W1 = jax.random.normal(k_w1, (D_IN, D_HID), dtype=jnp.float32) * (1.0 / np.sqrt(D_IN))
    b1 = jnp.zeros((D_HID,), dtype=jnp.float32)
    W2 = jax.random.normal(k_w2, (D_HID, D_HID), dtype=jnp.float32) * (1.0 / np.sqrt(D_HID))
    b2 = jnp.zeros((D_HID,), dtype=jnp.float32)
    return {"x": x, "edge_index": edge_index, "W1": W1, "b1": b1, "W2": W2, "b2": b2}


def reference(x, edge_index, W1, b1, W2, b2):
    h = gcn_conv(x, edge_index, W1, b1)
    h = jax.nn.relu(h)
    out = gcn_conv(h, edge_index, W2, b2)
    return out

if __name__ == "__main__":
    import jax
    _d = setup_inputs()
    print(jax.jit(kernel)(*tuple(_d.values())))

</pallas_src>

<mosaic_0001>
#map = affine_map<(d0, d1) -> (0, 0)>
#map1 = affine_map<(d0, d1) -> (0, 0, 0)>
module attributes {stable_mosaic.version = 14 : i64} {
  func.func @_sc_degree(%arg0: i32, %arg1: i32, %arg2: memref<320x1024xi32, #tpu.memory_space<hbm>>, %arg3: memref<10240x16xf32, #tpu.memory_space<hbm>>, %arg4: memref<2x10240x16xf32, #tpu.memory_space<hbm>>, %arg5: memref<10x1024xi32, #tpu.memory_space<vmem>>, %arg6: memref<640x16xf32, #tpu.memory_space<vmem>>, %arg7: memref<1x640xi32, #tpu.memory_space<vmem>>, %arg8: memref<40x16xf32, #tpu.memory_space<vmem>>, %arg9: memref<640x16xf32, #tpu.memory_space<vmem>>, %arg10: memref<640x16xf32, #tpu.memory_space<vmem_shared>>, %arg11: memref<!tpu.dma_semaphore, #tpu.memory_space<semaphore_mem>>) attributes {dimension_semantics = [#tpu.dimension_semantics<core_parallel>, #tpu.dimension_semantics<subcore_parallel>], iteration_bounds = array<i64: 2, 16>, scalar_prefetch = 0 : i64, scratch_operands = 7 : i64, tpu.core_type = #tpu.core_type<sc_vector_subcore>, window_params = [{transform_indices = #map}, {transform_indices = #map}, {transform_indices = #map1}]} {
    %mul3A = arith.constant 16 : i32
    %mul3A_0 = arith.muli %arg0, %mul3A : i32
    %add3A = arith.addi %mul3A_0, %arg1 : i32
    %mul3A_1 = arith.constant 10 : i32
    %mul3A_2 = arith.muli %add3A, %mul3A_1 : i32
    %dma_start3A = arith.constant 0 : i32
    %dma_start3A_3 = tpu.memref_slice %arg2[%mul3A_2, %dma_start3A] : memref<320x1024xi32, #tpu.memory_space<hbm>> -> memref<10x1024xi32, #tpu.memory_space<hbm>>
    %dma_start3A_4 = arith.constant 0 : i32
    %dma_start3A_5 = tpu.memref_slice %arg2[%mul3A_2, %dma_start3A_4] : memref<320x1024xi32, #tpu.memory_space<hbm>> -> memref<10x1024xi32, #tpu.memory_space<hbm>>
    tpu.enqueue_dma source(%dma_start3A_5 : memref<10x1024xi32, #tpu.memory_space<hbm>>) target(%arg5 : memref<10x1024xi32, #tpu.memory_space<vmem>>) target_semaphore(%arg11 : memref<!tpu.dma_semaphore, #tpu.memory_space<semaphore_mem>>)
    %broadcast_in_dim3A = arith.constant 0.000000e+00 : f32
    %broadcast_in_dim3A_6 = vector.broadcast %broadcast_in_dim3A : f32 to vector<16xf32>
    %scan3A = arith.constant 0 : i32
    %scan3A_7 = arith.constant 640 : i32
    %scan3A_8 = arith.addi %scan3A, %scan3A_7 : i32
    %scan3A_9 = arith.constant 1 : i32
    scf.for %scan3A_52 = %scan3A to %scan3A_8 step %scan3A_9  : i32 {
      %mul3A_53 = arith.constant 1 : i32
      %mul3A_54 = arith.muli %scan3A_52, %mul3A_53 : i32
      %add3A_55 = arith.constant 0 : i32
      %add3A_56 = arith.addi %add3A_55, %mul3A_54 : i32
      %swap3A = arith.index_cast %add3A_56 : i32 to index
      %swap3A_57 = arith.constant 0 : index
      %swap3A_58 = tpu.vector_load %arg6[%swap3A, %swap3A_57] {strides = array<i32>} : memref<640x16xf32, #tpu.memory_space<vmem>>, vector<16xf32>,
      tpu.vector_store %arg6[%swap3A, %swap3A_57], %broadcast_in_dim3A_6 {strides = array<i32>} : memref<640x16xf32, #tpu.memory_space<vmem>>, vector<16xf32>,
    }
    %scan3A_10 = arith.constant 640 : i32
    %scan3A_11 = arith.constant 0 : i32
    %scan3A_12 = arith.constant 40 : i32
    %scan3A_13 = arith.addi %scan3A_11, %scan3A_12 : i32
    %scan3A_14 = arith.constant 1 : i32
    scf.for %scan3A_52 = %scan3A_11 to %scan3A_13 step %scan3A_14  : i32 {
      %mul3A_53 = arith.constant 1 : i32
      %mul3A_54 = arith.muli %scan3A_52, %mul3A_53 : i32
      %add3A_55 = arith.constant 0 : i32
      %add3A_56 = arith.addi %add3A_55, %mul3A_54 : i32
      %iota3A = tpu.iota {dimensions = array<i32: 0>} : vector<16xi32>
      %mul3A_57 = arith.constant 16 : i32
      %mul3A_58 = arith.muli %add3A_56, %mul3A_57 : i32
      %add3A_59 = vector.broadcast %mul3A_58 : i32 to vector<16xi32>
      %add3A_60 = arith.addi %iota3A, %add3A_59 : vector<16xi32>
      %mul3A_61 = arith.constant 16 : i32
      %mul3A_62 = arith.muli %add3A_56, %mul3A_61 : i32
      %swap3A = arith.constant 0 : i32
      %swap3A_63 = arith.index_cast %swap3A : i32 to index
      %swap3A_64 = arith.index_cast %mul3A_62 : i32 to index
      %swap3A_65 = tpu.vector_load %arg7[%swap3A_63, %swap3A_64] {strides = array<i32>} : memref<1x640xi32, #tpu.memory_space<vmem>>, vector<16xi32>,
      tpu.vector_store %arg7[%swap3A_63, %swap3A_64], %add3A_60 {strides = array<i32>} : memref<1x640xi32, #tpu.memory_space<vmem>>, vector<16xi32>,
    }
    %scan3A_15 = arith.constant 40 : i32
    %eq3A = arith.constant 0 : i32
    %eq3A_16 = arith.cmpi eq, %arg1, %eq3A : i32
    %convert_element_type3A = arith.extui %eq3A_16 : i1 to i32
    %cond3A = arith.constant 0 : i32
    %cond3A_17 = arith.cmpi ne, %convert_element_type3A, %cond3A : i32
    scf.if %cond3A_17 {
      "tpu.region"() ({
        %run_scoped3A = tpu.sem_alloc : memref<!tpu.dma_semaphore, #tpu.memory_space<semaphore_mem>>
        %dma_start3A_52 = arith.constant 0 : i32
        %dma_start3A_53 = arith.constant 0 : i32
        %dma_start3A_54 = tpu.memref_slice %arg3[%dma_start3A_52, %dma_start3A_53] : memref<10240x16xf32, #tpu.memory_space<hbm>> -> memref<640x16xf32, #tpu.memory_space<hbm>>
        tpu.enqueue_dma source(%dma_start3A_54 : memref<640x16xf32, #tpu.memory_space<hbm>>) target(%arg10 : memref<640x16xf32, #tpu.memory_space<vmem_shared>>) target_semaphore(%run_scoped3A : memref<!tpu.dma_semaphore, #tpu.memory_space<semaphore_mem>>)
        %dma_wait3A_55 = arith.constant 0 : i32
        %dma_wait3A_56 = arith.constant 0 : i32
        %dma_wait3A_57 = tpu.memref_slice %arg3[%dma_wait3A_55, %dma_wait3A_56] : memref<10240x16xf32, #tpu.memory_space<hbm>> -> memref<640x16xf32, #tpu.memory_space<hbm>>
        tpu.wait_dma2 semaphore(%run_scoped3A : memref<!tpu.dma_semaphore, #tpu.memory_space<semaphore_mem>>) src(%dma_wait3A_57 : memref<640x16xf32, #tpu.memory_space<hbm>>) dst(%arg10 : memref<640x16xf32, #tpu.memory_space<vmem_shared>>)
        tpu.yield
      }) : () -> ()
    } else {
    }
    %broadcast_in_dim3A_18 = arith.constant 1.000000e+00 : f32
    %broadcast_in_dim3A_19 = vector.broadcast %broadcast_in_dim3A_18 : f32 to vector<16xf32>
    %dma_wait3A = arith.constant 0 : i32
    %dma_wait3A_20 = tpu.memref_slice %arg2[%mul3A_2, %dma_wait3A] : memref<320x1024xi32, #tpu.memory_space<hbm>> -> memref<10x1024xi32, #tpu.memory_space<hbm>>
    %dma_wait3A_21 = arith.constant 0 : i32
    %dma_wait3A_22 = tpu.memref_slice %arg2[%mul3A_2, %dma_wait3A_21] : memref<320x1024xi32, #tpu.memory_space<hbm>> -> memref<10x1024xi32, #tpu.memory_space<hbm>>
    tpu.wait_dma2 semaphore(%arg11 : memref<!tpu.dma_semaphore, #tpu.memory_space<semaphore_mem>>) src(%dma_wait3A_22 : memref<10x1024xi32, #tpu.memory_space<hbm>>) dst(%arg5 : memref<10x1024xi32, #tpu.memory_space<vmem>>)
    %scan3A_23 = arith.constant 0 : i32
    %scan3A_24 = arith.constant 10 : i32
    %scan3A_25 = arith.addi %scan3A_23, %scan3A_24 : i32
    %scan3A_26 = arith.constant 1 : i32
    scf.for %scan3A_52 = %scan3A_23 to %scan3A_25 step %scan3A_26  : i32 {
      %mul3A_53 = arith.constant 1 : i32
      %mul3A_54 = arith.muli %scan3A_52, %mul3A_53 : i32
      %add3A_55 = arith.constant 0 : i32
      %add3A_56 = arith.addi %add3A_55, %mul3A_54 : i32
      %get3A = arith.index_cast %add3A_56 : i32 to index
      %get3A_57 = arith.constant 0 : index
      %get3A_58 = tpu.vector_load %arg5[%get3A, %get3A_57] {strides = array<i32>} : memref<10x1024xi32, #tpu.memory_space<vmem>>, vector<16xi32>,
      %shift_right_arithmetic3A = arith.constant 4 : i32
      %shift_right_arithmetic3A_59 = vector.broadcast %shift_right_arithmetic3A : i32 to vector<16xi32>
      %shift_right_arithmetic3A_60 = arith.shrsi %get3A_58, %shift_right_arithmetic3A_59 : vector<16xi32>
      %and3A = arith.constant 15 : i32
      %and3A_61 = vector.broadcast %and3A : i32 to vector<16xi32>
      %and3A_62 = arith.andi %get3A_58, %and3A_61 : vector<16xi32>
      tpu.vector_store_idx %arg6[%shift_right_arithmetic3A_60, %and3A_62], %broadcast_in_dim3A_19 {add = true} : memref<640x16xf32, #tpu.memory_space<vmem>>[vector<16xi32>, vector<16xi32>], vector<16xf32>,
      %get3A_63 = arith.index_cast %add3A_56 : i32 to index
      %get3A_64 = arith.constant 16 : index
      %get3A_65 = tpu.vector_load %arg5[%get3A_63, %get3A_64] {strides = array<i32>} : memref<10x1024xi32, #tpu.memory_space<vmem>>, vector<16xi32>,
      %shift_right_arithmetic3A_66 = arith.constant 4 : i32
      %shift_right_arithmetic3A_67 = vector.broadcast %shift_right_arithmetic3A_66 : i32 to vector<16xi32>
      %shift_right_arithmetic3A_68 = arith.shrsi %get3A_65, %shift_right_arithmetic3A_67 : vector<16xi32>
      %and3A_69 = arith.constant 15 : i32
      %and3A_70 = vector.broadcast %and3A_69 : i32 to vector<16xi32>
      %and3A_71 = arith.andi %get3A_65, %and3A_70 : vector<16xi32>
      tpu.vector_store_idx %arg6[%shift_right_arithmetic3A_68, %and3A_71], %broadcast_in_dim3A_19 {add = true} : memref<640x16xf32, #tpu.memory_space<vmem>>[vector<16xi32>, vector<16xi32>], vector<16xf32>,
      %get3A_72 = arith.index_cast %add3A_56 : i32 to index
      %get3A_73 = arith.constant 32 : index
      %get3A_74 = tpu.vector_load %arg5[%get3A_72, %get3A_73] {strides = array<i32>} : memref<10x1024xi32, #tpu.memory_space<vmem>>, vector<16xi32>,
      %shift_right_arithmetic3A_75 = arith.constant 4 : i32
      %shift_right_arithmetic3A_76 = vector.broadcast %shift_right_arithmetic3A_75 : i32 to vector<16xi32>
      %shift_right_arithmetic3A_77 = arith.shrsi %get3A_74, %shift_right_arithmetic3A_76 : vector<16xi32>
      %and3A_78 = arith.constant 15 : i32
      %and3A_79 = vector.broadcast %and3A_78 : i32 to vector<16xi32>
      %and3A_80 = arith.andi %get3A_74, %and3A_79 : vector<16xi32>
      tpu.vector_store_idx %arg6[%shift_right_arithmetic3A_77, %and3A_80], %broadcast_in_dim3A_19 {add = true} : memref<640x16xf32, #tpu.memory_space<vmem>>[vector<16xi32>, vector<16xi32>], vector<16xf32>,
      %get3A_81 = arith.index_cast %add3A_56 : i32 to index
      %get3A_82 = arith.constant 48 : index
      %get3A_83 = tpu.vector_load %arg5[%get3A_81, %get3A_82] {strides = array<i32>} : memref<10x1024xi32, #tpu.memory_space<vmem>>, vector<16xi32>,
      %shift_right_arithmetic3A_84 = arith.constant 4 : i32
      %shift_right_arithmetic3A_85 = vector.broadcast %shift_right_arithmetic3A_84 : i32 to vector<16xi32>
      %shift_right_arithmetic3A_86 = arith.shrsi %get3A_83, %shift_right_arithmetic3A_85 : vector<16xi32>
      %and3A_87 = arith.constant 15 : i32
      %and3A_88 = vector.broadcast %and3A_87 : i32 to vector<16xi32>
      %and3A_89 = arith.andi %get3A_83, %and3A_88 : vector<16xi32>
      tpu.vector_store_idx %arg6[%shift_right_arithmetic3A_86, %and3A_89], %broadcast_in_dim3A_19 {add = true} : memref<640x16xf32, #tpu.memory_space<vmem>>[vector<16xi32>, vector<16xi32>], vector<16xf32>,
      %get3A_90 = arith.index_cast %add3A_56 : i32 to index
      %get3A_91 = arith.constant 64 : index
      %get3A_92 = tpu.vector_load %arg5[%get3A_90, %get3A_91] {strides = array<i32>} : memref<10x1024xi32, #tpu.memory_space<vmem>>, vector<16xi32>,
      %shift_right_arithmetic3A_93 = arith.constant 4 : i32
      %shift_right_arithmetic3A_94 = vector.broadcast %shift_right_arithmetic3A_93 : i32 to vector<16xi32>
      %shift_right_arithmetic3A_95 = arith.shrsi %get3A_92, %shift_right_arithmetic3A_94 : vector<16xi32>
      %and3A_96 = arith.constant 15 : i32
      %and3A_97 = vector.broadcast %and3A_96 : i32 to vector<16xi32>
      %and3A_98 = arith.andi %get3A_92, %and3A_97 : vector<16xi32>
      tpu.vector_store_idx %arg6[%shift_right_arithmetic3A_95, %and3A_98], %broadcast_in_dim3A_19 {add = true} : memref<640x16xf32, #tpu.memory_space<vmem>>[vector<16xi32>, vector<16xi32>], vector<16xf32>,
      %get3A_99 = arith.index_cast %add3A_56 : i32 to index
      %get3A_100 = arith.constant 80 : index
      %get3A_101 = tpu.vector_load %arg5[%get3A_99, %get3A_100] {strides = array<i32>} : memref<10x1024xi32, #tpu.memory_space<vmem>>, vector<16xi32>,
      %shift_right_arithmetic3A_102 = arith.constant 4 : i32
      %shift_right_arithmetic3A_103 = vector.broadcast %shift_right_arithmetic3A_102 : i32 to vector<16xi32>
      %shift_right_arithmetic3A_104 = arith.shrsi %get3A_101, %shift_right_arithmetic3A_103 : vector<16xi32>
      %and3A_105 = arith.constant 15 : i32
      %and3A_106 = vector.broadcast %and3A_105 : i32 to vector<16xi32>
      %and3A_107 = arith.andi %get3A_101, %and3A_106 : vector<16xi32>
      tpu.vector_store_idx %arg6[%shift_right_arithmetic3A_104, %and3A_107], %broadcast_in_dim3A_19 {add = true} : memref<640x16xf32, #tpu.memory_space<vmem>>[vector<16xi32>, vector<16xi32>], vector<16xf32>,
      %get3A_108 = arith.index_cast %add3A_56 : i32 to index
      %get3A_109 = arith.constant 96 : index
      %get3A_110 = tpu.vector_load %arg5[%get3A_108, %get3A_109] {strides = array<i32>} : memref<10x1024xi32, #tpu.memory_space<vmem>>, vector<16xi32>,
      %shift_right_arithmetic3A_111 = arith.constant 4 : i32
      %shift_right_arithmetic3A_112 = vector.broadcast %shift_right_arithmetic3A_111 : i32 to vector<16xi32>
      %shift_right_arithmetic3A_113 = arith.shrsi %get3A_110, %shift_right_arithmetic3A_112 : vector<16xi32>
      %and3A_114 = arith.constant 15 : i32
      %and3A_115 = vector.broadcast %and3A_114 : i32 to vector<16xi32>
      %and3A_116 = arith.andi %get3A_110, %and3A_115 : vector<16xi32>
      tpu.vector_store_idx %arg6[%shift_right_arithmetic3A_113, %and3A_116], %broadcast_in_dim3A_19 {add = true} : memref<640x16xf32, #tpu.memory_space<vmem>>[vector<16xi32>, vector<16xi32>], vector<16xf32>,
      %get3A_117 = arith.index_cast %add3A_56 : i32 to index
      %get3A_118 = arith.constant 112 : index
      %get3A_119 = tpu.vector_load %arg5[%get3A_117, %get3A_118] {strides = array<i32>} : memref<10x1024xi32, #tpu.memory_space<vmem>>, vector<16xi32>,
      %shift_right_arithmetic3A_120 = arith.constant 4 : i32
      %shift_right_arithmetic3A_121 = vector.broadcast %shift_right_arithmetic3A_120 : i32 to vector<16xi32>
      %shift_right_arithmetic3A_122 = arith.shrsi %get3A_119, %shift_right_arithmetic3A_121 : vector<16xi32>
      %and3A_123 = arith.constant 15 : i32
      %and3A_124 = vector.broadcast %and3A_123 : i32 to vector<16xi32>
      %and3A_125 = arith.andi %get3A_119, %and3A_124 : vector<16xi32>
      tpu.vector_store_idx %arg6[%shift_right_arithmetic3A_122, %and3A_125], %broadcast_in_dim3A_19 {add = true} : memref<640x16xf32, #tpu.memory_space<vmem>>[vector<16xi32>, vector<16xi32>], vector<16xf32>,
      %get3A_126 = arith.index_cast %add3A_56 : i32 to index
      %get3A_127 = arith.constant 128 : index
      %get3A_128 = tpu.vector_load %arg5[%get3A_126, %get3A_127] {strides = array<i32>} : memref<10x1024xi32, #tpu.memory_space<vmem>>, vector<16xi32>,
      %shift_right_arithmetic3A_129 = arith.constant 4 : i32
      %shift_right_arithmetic3A_130 = vector.broadcast %shift_right_arithmetic3A_129 : i32 to vector<16xi32>
      %shift_right_arithmetic3A_131 = arith.shrsi %get3A_128, %shift_right_arithmetic3A_130 : vector<16xi32>
      %and3A_132 = arith.constant 15 : i32
      %and3A_133 = vector.broadcast %and3A_132 : i32 to vector<16xi32>
      %and3A_134 = arith.andi %get3A_128, %and3A_133 : vector<16xi32>
      tpu.vector_store_idx %arg6[%shift_right_arithmetic3A_131, %and3A_134], %broadcast_in_dim3A_19 {add = true} : memref<640x16xf32, #tpu.memory_space<vmem>>[vector<16xi32>, vector<16xi32>], vector<16xf32>,
      %get3A_135 = arith.index_cast %add3A_56 : i32 to index
      %get3A_136 = arith.constant 144 : index
      %get3A_137 = tpu.vector_load %arg5[%get3A_135, %get3A_136] {strides = array<i32>} : memref<10x1024xi32, #tpu.memory_space<vmem>>, vector<16xi32>,
      %shift_right_arithmetic3A_138 = arith.constant 4 : i32
      %shift_right_arithmetic3A_139 = vector.broadcast %shift_right_arithmetic3A_138 : i32 to vector<16xi32>
      %shift_right_arithmetic3A_140 = arith.shrsi %get3A_137, %shift_right_arithmetic3A_139 : vector<16xi32>
      %and3A_141 = arith.constant 15 : i32
      %and3A_142 = vector.broadcast %and3A_141 : i32 to vector<16xi32>
      %and3A_143 = arith.andi %get3A_137, %and3A_142 : vector<16xi32>
      tpu.vector_store_idx %arg6[%shift_right_arithmetic3A_140, %and3A_143], %broadcast_in_dim3A_19 {add = true} : memref<640x16xf32, #tpu.memory_space<vmem>>[vector<16xi32>, vector<16xi32>], vector<16xf32>,
      %get3A_144 = arith.index_cast %add3A_56 : i32 to index
      %get3A_145 = arith.constant 160 : index
      %get3A_146 = tpu.vector_load %arg5[%get3A_144, %get3A_145] {strides = array<i32>} : memref<10x1024xi32, #tpu.memory_space<vmem>>, vector<16xi32>,
      %shift_right_arithmetic3A_147 = arith.constant 4 : i32
      %shift_right_arithmetic3A_148 = vector.broadcast %shift_right_arithmetic3A_147 : i32 to vector<16xi32>
      %shift_right_arithmetic3A_149 = arith.shrsi %get3A_146, %shift_right_arithmetic3A_148 : vector<16xi32>
      %and3A_150 = arith.constant 15 : i32
      %and3A_151 = vector.broadcast %and3A_150 : i32 to vector<16xi32>
      %and3A_152 = arith.andi %get3A_146, %and3A_151 : vector<16xi32>
      tpu.vector_store_idx %arg6[%shift_right_arithmetic3A_149, %and3A_152], %broadcast_in_dim3A_19 {add = true} : memref<640x16xf32, #tpu.memory_space<vmem>>[vector<16xi32>, vector<16xi32>], vector<16xf32>,
      %get3A_153 = arith.index_cast %add3A_56 : i32 to index
      %get3A_154 = arith.constant 176 : index
      %get3A_155 = tpu.vector_load %arg5[%get3A_153, %get3A_154] {strides = array<i32>} : memref<10x1024xi32, #tpu.memory_space<vmem>>, vector<16xi32>,
      %shift_right_arithmetic3A_156 = arith.constant 4 : i32
      %shift_right_arithmetic3A_157 = vector.broadcast %shift_right_arithmetic3A_156 : i32 to vector<16xi32>
      %shift_right_arithmetic3A_158 = arith.shrsi %get3A_155, %shift_right_arithmetic3A_157 : vector<16xi32>
      %and3A_159 = arith.constant 15 : i32
      %and3A_160 = vector.broadcast %and3A_159 : i32 to vector<16xi32>
      %and3A_161 = arith.andi %get3A_155, %and3A_160 : vector<16xi32>
      tpu.vector_store_idx %arg6[%shift_right_arithmetic3A_158, %and3A_161], %broadcast_in_dim3A_19 {add = true} : memref<640x16xf32, #tpu.memory_space<vmem>>[vector<16xi32>, vector<16xi32>], vector<16xf32>,
      %get3A_162 = arith.index_cast %add3A_56 : i32 to index
      %get3A_163 = arith.constant 192 : index
      %get3A_164 = tpu.vector_load %arg5[%get3A_162, %get3A_163] {strides = array<i32>} : memref<10x1024xi32, #tpu.memory_space<vmem>>, vector<16xi32>,
      %shift_right_arithmetic3A_165 = arith.constant 4 : i32
      %shift_right_arithmetic3A_166 = vector.broadcast %shift_right_arithmetic3A_165 : i32 to vector<16xi32>
      %shift_right_arithmetic3A_167 = arith.shrsi %get3A_164, %shift_right_arithmetic3A_166 : vector<16xi32>
      %and3A_168 = arith.constant 15 : i32
      %and3A_169 = vector.broadcast %and3A_168 : i32 to vector<16xi32>
      %and3A_170 = arith.andi %get3A_164, %and3A_169 : vector<16xi32>
      tpu.vector_store_idx %arg6[%shift_right_arithmetic3A_167, %and3A_170], %broadcast_in_dim3A_19 {add = true} : memref<640x16xf32, #tpu.memory_space<vmem>>[vector<16xi32>, vector<16xi32>], vector<16xf32>,
      %get3A_171 = arith.index_cast %add3A_56 : i32 to index
      %get3A_172 = arith.constant 208 : index
      %get3A_173 = tpu.vector_load %arg5[%get3A_171, %get3A_172] {strides = array<i32>} : memref<10x1024xi32, #tpu.memory_space<vmem>>, vector<16xi32>,
      %shift_right_arithmetic3A_174 = arith.constant 4 : i32
      %shift_right_arithmetic3A_175 = vector.broadcast %shift_right_arithmetic3A_174 : i32 to vector<16xi32>
      %shift_right_arithmetic3A_176 = arith.shrsi %get3A_173, %shift_right_arithmetic3A_175 : vector<16xi32>
      %and3A_177 = arith.constant 15 : i32
      %and3A_178 = vector.broadcast %and3A_177 : i32 to vector<16xi32>
      %and3A_179 = arith.andi %get3A_173, %and3A_178 : vector<16xi32>
      tpu.vector_store_idx %arg6[%shift_right_arithmetic3A_176, %and3A_179], %broadcast_in_dim3A_19 {add = true} : memref<640x16xf32, #tpu.memory_space<vmem>>[vector<16xi32>, vector<16xi32>], vector<16xf32>,
      %get3A_180 = arith.index_cast %add3A_56 : i32 to index
      %get3A_181 = arith.constant 224 : index
      %get3A_182 = tpu.vector_load %arg5[%get3A_180, %get3A_181] {strides = array<i32>} : memref<10x1024xi32, #tpu.memory_space<vmem>>, vector<16xi32>,
      %shift_right_arithmetic3A_183 = arith.constant 4 : i32
      %shift_right_arithmetic3A_184 = vector.broadcast %shift_right_arithmetic3A_183 : i32 to vector<16xi32>
      %shift_right_arithmetic3A_185 = arith.shrsi %get3A_182, %shift_right_arithmetic3A_184 : vector<16xi32>
      %and3A_186 = arith.constant 15 : i32
      %and3A_187 = vector.broadcast %and3A_186 : i32 to vector<16xi32>
      %and3A_188 = arith.andi %get3A_182, %and3A_187 : vector<16xi32>
      tpu.vector_store_idx %arg6[%shift_right_arithmetic3A_185, %and3A_188], %broadcast_in_dim3A_19 {add = true} : memref<640x16xf32, #tpu.memory_space<vmem>>[vector<16xi32>, vector<16xi32>], vector<16xf32>,
      %get3A_189 = arith.index_cast %add3A_56 : i32 to index
      %get3A_190 = arith.constant 240 : index
      %get3A_191 = tpu.vector_load %arg5[%get3A_189, %get3A_190] {strides = array<i32>} : memref<10x1024xi32, #tpu.memory_space<vmem>>, vector<16xi32>,
      %shift_right_arithmetic3A_192 = arith.constant 4 : i32
      %shift_right_arithmetic3A_193 = vector.broadcast %shift_right_arithmetic3A_192 : i32 to vector<16xi32>
      %shift_right_arithmetic3A_194 = arith.shrsi %get3A_191, %shift_right_arithmetic3A_193 : vector<16xi32>
      %and3A_195 = arith.constant 15 : i32
      %and3A_196 = vector.broadcast %and3A_195 : i32 to vector<16xi32>
      %and3A_197 = arith.andi %get3A_191, %and3A_196 : vector<16xi32>
      tpu.vector_store_idx %arg6[%shift_right_arithmetic3A_194, %and3A_197], %broadcast_in_dim3A_19 {add = true} : memref<640x16xf32, #tpu.memory_space<vmem>>[vector<16xi32>, vector<16xi32>], vector<16xf32>,
      %get3A_198 = arith.index_cast %add3A_56 : i32 to index
      %get3A_199 = arith.constant 256 : index
      %get3A_200 = tpu.vector_load %arg5[%get3A_198, %get3A_199] {strides = array<i32>} : memref<10x1024xi32, #tpu.memory_space<vmem>>, vector<16xi32>,
      %shift_right_arithmetic3A_201 = arith.constant 4 : i32
      %shift_right_arithmetic3A_202 = vector.broadcast %shift_right_arithmetic3A_201 : i32 to vector<16xi32>
      %shift_right_arithmetic3A_203 = arith.shrsi %get3A_200, %shift_right_arithmetic3A_202 : vector<16xi32>
      %and3A_204 = arith.constant 15 : i32
      %and3A_205 = vector.broadcast %and3A_204 : i32 to vector<16xi32>
      %and3A_206 = arith.andi %get3A_200, %and3A_205 : vector<16xi32>
      tpu.vector_store_idx %arg6[%shift_right_arithmetic3A_203, %and3A_206], %broadcast_in_dim3A_19 {add = true} : memref<640x16xf32, #tpu.memory_space<vmem>>[vector<16xi32>, vector<16xi32>], vector<16xf32>,
      %get3A_207 = arith.index_cast %add3A_56 : i32 to index
      %get3A_208 = arith.constant 272 : index
      %get3A_209 = tpu.vector_load %arg5[%get3A_207, %get3A_208] {strides = array<i32>} : memref<10x1024xi32, #tpu.memory_space<vmem>>, vector<16xi32>,
      %shift_right_arithmetic3A_210 = arith.constant 4 : i32
      %shift_right_arithmetic3A_211 = vector.broadcast %shift_right_arithmetic3A_210 : i32 to vector<16xi32>
      %shift_right_arithmetic3A_212 = arith.shrsi %get3A_209, %shift_right_arithmetic3A_211 : vector<16xi32>
      %and3A_213 = arith.constant 15 : i32
      %and3A_214 = vector.broadcast %and3A_213 : i32 to vector<16xi32>
      %and3A_215 = arith.andi %get3A_209, %and3A_214 : vector<16xi32>
      tpu.vector_store_idx %arg6[%shift_right_arithmetic3A_212, %and3A_215], %broadcast_in_dim3A_19 {add = true} : memref<640x16xf32, #tpu.memory_space<vmem>>[vector<16xi32>, vector<16xi32>], vector<16xf32>,
      %get3A_216 = arith.index_cast %add3A_56 : i32 to index
      %get3A_217 = arith.constant 288 : index
      %get3A_218 = tpu.vector_load %arg5[%get3A_216, %get3A_217] {strides = array<i32>} : memref<10x1024xi32, #tpu.memory_space<vmem>>, vector<16xi32>,
      %shift_right_arithmetic3A_219 = arith.constant 4 : i32
      %shift_right_arithmetic3A_220 = vector.broadcast %shift_right_arithmetic3A_219 : i32 to vector<16xi32>
      %shift_right_arithmetic3A_221 = arith.shrsi %get3A_218, %shift_right_arithmetic3A_220 : vector<16xi32>
      %and3A_222 = arith.constant 15 : i32
      %and3A_223 = vector.broadcast %and3A_222 : i32 to vector<16xi32>
      %and3A_224 = arith.andi %get3A_218, %and3A_223 : vector<16xi32>
      tpu.vector_store_idx %arg6[%shift_right_arithmetic3A_221, %and3A_224], %broadcast_in_dim3A_19 {add = true} : memref<640x16xf32, #tpu.memory_space<vmem>>[vector<16xi32>, vector<16xi32>], vector<16xf32>,
      %get3A_225 = arith.index_cast %add3A_56 : i32 to index
      %get3A_226 = arith.constant 304 : index
      %get3A_227 = tpu.vector_load %arg5[%get3A_225, %get3A_226] {strides = array<i32>} : memref<10x1024xi32, #tpu.memory_space<vmem>>, vector<16xi32>,
      %shift_right_arithmetic3A_228 = arith.constant 4 : i32
      %shift_right_arithmetic3A_229 = vector.broadcast %shift_right_arithmetic3A_228 : i32 to vector<16xi32>
      %shift_right_arithmetic3A_230 = arith.shrsi %get3A_227, %shift_right_arithmetic3A_229 : vector<16xi32>
      %and3A_231 = arith.constant 15 : i32
      %and3A_232 = vector.broadcast %and3A_231 : i32 to vector<16xi32>
      %and3A_233 = arith.andi %get3A_227, %and3A_232 : vector<16xi32>
      tpu.vector_store_idx %arg6[%shift_right_arithmetic3A_230, %and3A_233], %broadcast_in_dim3A_19 {add = true} : memref<640x16xf32, #tpu.memory_space<vmem>>[vector<16xi32>, vector<16xi32>], vector<16xf32>,
      %get3A_234 = arith.index_cast %add3A_56 : i32 to index
      %get3A_235 = arith.constant 320 : index
      %get3A_236 = tpu.vector_load %arg5[%get3A_234, %get3A_235] {strides = array<i32>} : memref<10x1024xi32, #tpu.memory_space<vmem>>, vector<16xi32>,
      %shift_right_arithmetic3A_237 = arith.constant 4 : i32
      %shift_right_arithmetic3A_238 = vector.broadcast %shift_right_arithmetic3A_237 : i32 to vector<16xi32>
      %shift_right_arithmetic3A_239 = arith.shrsi %get3A_236, %shift_right_arithmetic3A_238 : vector<16xi32>
      %and3A_240 = arith.constant 15 : i32
      %and3A_241 = vector.broadcast %and3A_240 : i32 to vector<16xi32>
      %and3A_242 = arith.andi %get3A_236, %and3A_241 : vector<16xi32>
      tpu.vector_store_idx %arg6[%shift_right_arithmetic3A_239, %and3A_242], %broadcast_in_dim3A_19 {add = true} : memref<640x16xf32, #tpu.memory_space<vmem>>[vector<16xi32>, vector<16xi32>], vector<16xf32>,
      %get3A_243 = arith.index_cast %add3A_56 : i32 to index
      %get3A_244 = arith.constant 336 : index
      %get3A_245 = tpu.vector_load %arg5[%get3A_243, %get3A_244] {strides = array<i32>} : memref<10x1024xi32, #tpu.memory_space<vmem>>, vector<16xi32>,
      %shift_right_arithmetic3A_246 = arith.constant 4 : i32
      %shift_right_arithmetic3A_247 = vector.broadcast %shift_right_arithmetic3A_246 : i32 to vector<16xi32>
      %shift_right_arithmetic3A_248 = arith.shrsi %get3A_245, %shift_right_arithmetic3A_247 : vector<16xi32>
      %and3A_249 = arith.constant 15 : i32
      %and3A_250 = vector.broadcast %and3A_249 : i32 to vector<16xi32>
      %and3A_251 = arith.andi %get3A_245, %and3A_250 : vector<16xi32>
      tpu.vector_store_idx %arg6[%shift_right_arithmetic3A_248, %and3A_251], %broadcast_in_dim3A_19 {add = true} : memref<640x16xf32, #tpu.memory_space<vmem>>[vector<16xi32>, vector<16xi32>], vector<16xf32>,
      %get3A_252 = arith.index_cast %add3A_56 : i32 to index
      %get3A_253 = arith.constant 352 : index
      %get3A_254 = tpu.vector_load %arg5[%get3A_252, %get3A_253] {strides = array<i32>} : memref<10x1024xi32, #tpu.memory_space<vmem>>, vector<16xi32>,
      %shift_right_arithmetic3A_255 = arith.constant 4 : i32
      %shift_right_arithmetic3A_256 = vector.broadcast %shift_right_arithmetic3A_255 : i32 to vector<16xi32>
      %shift_right_arithmetic3A_257 = arith.shrsi %get3A_254, %shift_right_arithmetic3A_256 : vector<16xi32>
      %and3A_258 = arith.constant 15 : i32
      %and3A_259 = vector.broadcast %and3A_258 : i32 to vector<16xi32>
      %and3A_260 = arith.andi %get3A_254, %and3A_259 : vector<16xi32>
      tpu.vector_store_idx %arg6[%shift_right_arithmetic3A_257, %and3A_260], %broadcast_in_dim3A_19 {add = true} : memref<640x16xf32, #tpu.memory_space<vmem>>[vector<16xi32>, vector<16xi32>], vector<16xf32>,
      %get3A_261 = arith.index_cast %add3A_56 : i32 to index
      %get3A_262 = arith.constant 368 : index
      %get3A_263 = tpu.vector_load %arg5[%get3A_261, %get3A_262] {strides = array<i32>} : memref<10x1024xi32, #tpu.memory_space<vmem>>, vector<16xi32>,
      %shift_right_arithmetic3A_264 = arith.constant 4 : i32
      %shift_right_arithmetic3A_265 = vector.broadcast %shift_right_arithmetic3A_264 : i32 to vector<16xi32>
      %shift_right_arithmetic3A_266 = arith.shrsi %get3A_263, %shift_right_arithmetic3A_265 : vector<16xi32>
      %and3A_267 = arith.constant 15 : i32
      %and3A_268 = vector.broadcast %and3A_267 : i32 to vector<16xi32>
      %and3A_269 = arith.andi %get3A_263, %and3A_268 : vector<16xi32>
      tpu.vector_store_idx %arg6[%shift_right_arithmetic3A_266, %and3A_269], %broadcast_in_dim3A_19 {add = true} : memref<640x16xf32, #tpu.memory_space<vmem>>[vector<16xi32>, vector<16xi32>], vector<16xf32>,
      %get3A_270 = arith.index_cast %add3A_56 : i32 to index
      %get3A_271 = arith.constant 384 : index
      %get3A_272 = tpu.vector_load %arg5[%get3A_270, %get3A_271] {strides = array<i32>} : memref<10x1024xi32, #tpu.memory_space<vmem>>, vector<16xi32>,
      %shift_right_arithmetic3A_273 = arith.constant 4 : i32
      %shift_right_arithmetic3A_274 = vector.broadcast %shift_right_arithmetic3A_273 : i32 to vector<16xi32>
      %shift_right_arithmetic3A_275 = arith.shrsi %get3A_272, %shift_right_arithmetic3A_274 : vector<16xi32>
      %and3A_276 = arith.constant 15 : i32
      %and3A_277 = vector.broadcast %and3A_276 : i32 to vector<16xi32>
      %and3A_278 = arith.andi %get3A_272, %and3A_277 : vector<16xi32>
      tpu.vector_store_idx %arg6[%shift_right_arithmetic3A_275, %and3A_278], %broadcast_in_dim3A_19 {add = true} : memref<640x16xf32, #tpu.memory_space<vmem>>[vector<16xi32>, vector<16xi32>], vector<16xf32>,
      %get3A_279 = arith.index_cast %add3A_56 : i32 to index
      %get3A_280 = arith.constant 400 : index
      %get3A_281 = tpu.vector_load %arg5[%get3A_279, %get3A_280] {strides = array<i32>} : memref<10x1024xi32, #tpu.memory_space<vmem>>, vector<16xi32>,
      %shift_right_arithmetic3A_282 = arith.constant 4 : i32
      %shift_right_arithmetic3A_283 = vector.broadcast %shift_right_arithmetic3A_282 : i32 to vector<16xi32>
      %shift_right_arithmetic3A_284 = arith.shrsi %get3A_281, %shift_right_arithmetic3A_283 : vector<16xi32>
      %and3A_285 = arith.constant 15 : i32
      %and3A_286 = vector.broadcast %and3A_285 : i32 to vector<16xi32>
      %and3A_287 = arith.andi %get3A_281, %and3A_286 : vector<16xi32>
      tpu.vector_store_idx %arg6[%shift_right_arithmetic3A_284, %and3A_287], %broadcast_in_dim3A_19 {add = true} : memref<640x16xf32, #tpu.memory_space<vmem>>[vector<16xi32>, vector<16xi32>], vector<16xf32>,
      %get3A_288 = arith.index_cast %add3A_56 : i32 to index
      %get3A_289 = arith.constant 416 : index
      %get3A_290 = tpu.vector_load %arg5[%get3A_288, %get3A_289] {strides = array<i32>} : memref<10x1024xi32, #tpu.memory_space<vmem>>, vector<16xi32>,
      %shift_right_arithmetic3A_291 = arith.constant 4 : i32
      %shift_right_arithmetic3A_292 = vector.broadcast %shift_right_arithmetic3A_291 : i32 to vector<16xi32>
      %shift_right_arithmetic3A_293 = arith.shrsi %get3A_290, %shift_right_arithmetic3A_292 : vector<16xi32>
      %and3A_294 = arith.constant 15 : i32
      %and3A_295 = vector.broadcast %and3A_294 : i32 to vector<16xi32>
      %and3A_296 = arith.andi %get3A_290, %and3A_295 : vector<16xi32>
      tpu.vector_store_idx %arg6[%shift_right_arithmetic3A_293, %and3A_296], %broadcast_in_dim3A_19 {add = true} : memref<640x16xf32, #tpu.memory_space<vmem>>[vector<16xi32>, vector<16xi32>], vector<16xf32>,
      %get3A_297 = arith.index_cast %add3A_56 : i32 to index
      %get3A_298 = arith.constant 432 : index
      %get3A_299 = tpu.vector_load %arg5[%get3A_297, %get3A_298] {strides = array<i32>} : memref<10x1024xi32, #tpu.memory_space<vmem>>, vector<16xi32>,
      %shift_right_arithmetic3A_300 = arith.constant 4 : i32
      %shift_right_arithmetic3A_301 = vector.broadcast %shift_right_arithmetic3A_300 : i32 to vector<16xi32>
      %shift_right_arithmetic3A_302 = arith.shrsi %get3A_299, %shift_right_arithmetic3A_301 : vector<16xi32>
      %and3A_303 = arith.constant 15 : i32
      %and3A_304 = vector.broadcast %and3A_303 : i32 to vector<16xi32>
      %and3A_305 = arith.andi %get3A_299, %and3A_304 : vector<16xi32>
      tpu.vector_store_idx %arg6[%shift_right_arithmetic3A_302, %and3A_305], %broadcast_in_dim3A_19 {add = true} : memref<640x16xf32, #tpu.memory_space<vmem>>[vector<16xi32>, vector<16xi32>], vector<16xf32>,
      %get3A_306 = arith.index_cast %add3A_56 : i32 to index
      %get3A_307 = arith.constant 448 : index
      %get3A_308 = tpu.vector_load %arg5[%get3A_306, %get3A_307] {strides = array<i32>} : memref<10x1024xi32, #tpu.memory_space<vmem>>, vector<16xi32>,
      %shift_right_arithmetic3A_309 = arith.constant 4 : i32
      %shift_right_arithmetic3A_310 = vector.broadcast %shift_right_arithmetic3A_309 : i32 to vector<16xi32>
      %shift_right_arithmetic3A_311 = arith.shrsi %get3A_308, %shift_right_arithmetic3A_310 : vector<16xi32>
      %and3A_312 = arith.constant 15 : i32
      %and3A_313 = vector.broadcast %and3A_312 : i32 to vector<16xi32>
      %and3A_314 = arith.andi %get3A_308, %and3A_313 : vector<16xi32>
      tpu.vector_store_idx %arg6[%shift_right_arithmetic3A_311, %and3A_314], %broadcast_in_dim3A_19 {add = true} : memref<640x16xf32, #tpu.memory_space<vmem>>[vector<16xi32>, vector<16xi32>], vector<16xf32>,
      %get3A_315 = arith.index_cast %add3A_56 : i32 to index
      %get3A_316 = arith.constant 464 : index
      %get3A_317 = tpu.vector_load %arg5[%get3A_315, %get3A_316] {strides = array<i32>} : memref<10x1024xi32, #tpu.memory_space<vmem>>, vector<16xi32>,
      %shift_right_arithmetic3A_318 = arith.constant 4 : i32
      %shift_right_arithmetic3A_319 = vector.broadcast %shift_right_arithmetic3A_318 : i32 to vector<16xi32>
      %shift_right_arithmetic3A_320 = arith.shrsi %get3A_317, %shift_right_arithmetic3A_319 : vector<16xi32>
      %and3A_321 = arith.constant 15 : i32
      %and3A_322 = vector.broadcast %and3A_321 : i32 to vector<16xi32>
      %and3A_323 = arith.andi %get3A_317, %and3A_322 : vector<16xi32>
      tpu.vector_store_idx %arg6[%shift_right_arithmetic3A_320, %and3A_323], %broadcast_in_dim3A_19 {add = true} : memref<640x16xf32, #tpu.memory_space<vmem>>[vector<16xi32>, vector<16xi32>], vector<16xf32>,
      %get3A_324 = arith.index_cast %add3A_56 : i32 to index
      %get3A_325 = arith.constant 480 : index
      %get3A_326 = tpu.vector_load %arg5[%get3A_324, %get3A_325] {strides = array<i32>} : memref<10x1024xi32, #tpu.memory_space<vmem>>, vector<16xi32>,
      %shift_right_arithmetic3A_327 = arith.constant 4 : i32
      %shift_right_arithmetic3A_328 = vector.broadcast %shift_right_arithmetic3A_327 : i32 to vector<16xi32>
      %shift_right_arithmetic3A_329 = arith.shrsi %get3A_326, %shift_right_arithmetic3A_328 : vector<16xi32>
      %and3A_330 = arith.constant 15 : i32
      %and3A_331 = vector.broadcast %and3A_330 : i32 to vector<16xi32>
      %and3A_332 = arith.andi %get3A_326, %and3A_331 : vector<16xi32>
      tpu.vector_store_idx %arg6[%shift_right_arithmetic3A_329, %and3A_332], %broadcast_in_dim3A_19 {add = true} : memref<640x16xf32, #tpu.memory_space<vmem>>[vector<16xi32>, vector<16xi32>], vector<16xf32>,
      %get3A_333 = arith.index_cast %add3A_56 : i32 to index
      %get3A_334 = arith.constant 496 : index
      %get3A_335 = tpu.vector_load %arg5[%get3A_333, %get3A_334] {strides = array<i32>} : memref<10x1024xi32, #tpu.memory_space<vmem>>, vector<16xi32>,
      %shift_right_arithmetic3A_336 = arith.constant 4 : i32
      %shift_right_arithmetic3A_337 = vector.broadcast %shift_right_arithmetic3A_336 : i32 to vector<16xi32>
      %shift_right_arithmetic3A_338 = arith.shrsi %get3A_335, %shift_right_arithmetic3A_337 : vector<16xi32>
      %and3A_339 = arith.constant 15 : i32
      %and3A_340 = vector.broadcast %and3A_339 : i32 to vector<16xi32>
      %and3A_341 = arith.andi %get3A_335, %and3A_340 : vector<16xi32>
      tpu.vector_store_idx %arg6[%shift_right_arithmetic3A_338, %and3A_341], %broadcast_in_dim3A_19 {add = true} : memref<640x16xf32, #tpu.memory_space<vmem>>[vector<16xi32>, vector<16xi32>], vector<16xf32>,
      %get3A_342 = arith.index_cast %add3A_56 : i32 to index
      %get3A_343 = arith.constant 512 : index
      %get3A_344 = tpu.vector_load %arg5[%get3A_342, %get3A_343] {strides = array<i32>} : memref<10x1024xi32, #tpu.memory_space<vmem>>, vector<16xi32>,
      %shift_right_arithmetic3A_345 = arith.constant 4 : i32
      %shift_right_arithmetic3A_346 = vector.broadcast %shift_right_arithmetic3A_345 : i32 to vector<16xi32>
      %shift_right_arithmetic3A_347 = arith.shrsi %get3A_344, %shift_right_arithmetic3A_346 : vector<16xi32>
      %and3A_348 = arith.constant 15 : i32
      %and3A_349 = vector.broadcast %and3A_348 : i32 to vector<16xi32>
      %and3A_350 = arith.andi %get3A_344, %and3A_349 : vector<16xi32>
      tpu.vector_store_idx %arg6[%shift_right_arithmetic3A_347, %and3A_350], %broadcast_in_dim3A_19 {add = true} : memref<640x16xf32, #tpu.memory_space<vmem>>[vector<16xi32>, vector<16xi32>], vector<16xf32>,
      %get3A_351 = arith.index_cast %add3A_56 : i32 to index
      %get3A_352 = arith.constant 528 : index
      %get3A_353 = tpu.vector_load %arg5[%get3A_351, %get3A_352] {strides = array<i32>} : memref<10x1024xi32, #tpu.memory_space<vmem>>, vector<16xi32>,
      %shift_right_arithmetic3A_354 = arith.constant 4 : i32
      %shift_right_arithmetic3A_355 = vector.broadcast %shift_right_arithmetic3A_354 : i32 to vector<16xi32>
      %shift_right_arithmetic3A_356 = arith.shrsi %get3A_353, %shift_right_arithmetic3A_355 : vector<16xi32>
      %and3A_357 = arith.constant 15 : i32
      %and3A_358 = vector.broadcast %and3A_357 : i32 to vector<16xi32>
      %and3A_359 = arith.andi %get3A_353, %and3A_358 : vector<16xi32>
      tpu.vector_store_idx %arg6[%shift_right_arithmetic3A_356, %and3A_359], %broadcast_in_dim3A_19 {add = true} : memref<640x16xf32, #tpu.memory_space<vmem>>[vector<16xi32>, vector<16xi32>], vector<16xf32>,
      %get3A_360 = arith.index_cast %add3A_56 : i32 to index
      %get3A_361 = arith.constant 544 : index
      %get3A_362 = tpu.vector_load %arg5[%get3A_360, %get3A_361] {strides = array<i32>} : memref<10x1024xi32, #tpu.memory_space<vmem>>, vector<16xi32>,
      %shift_right_arithmetic3A_363 = arith.constant 4 : i32
      %shift_right_arithmetic3A_364 = vector.broadcast %shift_right_arithmetic3A_363 : i32 to vector<16xi32>
      %shift_right_arithmetic3A_365 = arith.shrsi %get3A_362, %shift_right_arithmetic3A_364 : vector<16xi32>
      %and3A_366 = arith.constant 15 : i32
      %and3A_367 = vector.broadcast %and3A_366 : i32 to vector<16xi32>
      %and3A_368 = arith.andi %get3A_362, %and3A_367 : vector<16xi32>
      tpu.vector_store_idx %arg6[%shift_right_arithmetic3A_365, %and3A_368], %broadcast_in_dim3A_19 {add = true} : memref<640x16xf32, #tpu.memory_space<vmem>>[vector<16xi32>, vector<16xi32>], vector<16xf32>,
      %get3A_369 = arith.index_cast %add3A_56 : i32 to index
      %get3A_370 = arith.constant 560 : index
      %get3A_371 = tpu.vector_load %arg5[%get3A_369, %get3A_370] {strides = array<i32>} : memref<10x1024xi32, #tpu.memory_space<vmem>>, vector<16xi32>,
      %shift_right_arithmetic3A_372 = arith.constant 4 : i32
      %shift_right_arithmetic3A_373 = vector.broadcast %shift_right_arithmetic3A_372 : i32 to vector<16xi32>
      %shift_right_arithmetic3A_374 = arith.shrsi %get3A_371, %shift_right_arithmetic3A_373 : vector<16xi32>
      %and3A_375 = arith.constant 15 : i32
      %and3A_376 = vector.broadcast %and3A_375 : i32 to vector<16xi32>
      %and3A_377 = arith.andi %get3A_371, %and3A_376 : vector<16xi32>
      tpu.vector_store_idx %arg6[%shift_right_arithmetic3A_374, %and3A_377], %broadcast_in_dim3A_19 {add = true} : memref<640x16xf32, #tpu.memory_space<vmem>>[vector<16xi32>, vector<16xi32>], vector<16xf32>,
      %get3A_378 = arith.index_cast %add3A_56 : i32 to index
      %get3A_379 = arith.constant 576 : index
      %get3A_380 = tpu.vector_load %arg5[%get3A_378, %get3A_379] {strides = array<i32>} : memref<10x1024xi32, #tpu.memory_space<vmem>>, vector<16xi32>,
      %shift_right_arithmetic3A_381 = arith.constant 4 : i32
      %shift_right_arithmetic3A_382 = vector.broadcast %shift_right_arithmetic3A_381 : i32 to vector<16xi32>
      %shift_right_arithmetic3A_383 = arith.shrsi %get3A_380, %shift_right_arithmetic3A_382 : vector<16xi32>
      %and3A_384 = arith.constant 15 : i32
      %and3A_385 = vector.broadcast %and3A_384 : i32 to vector<16xi32>
      %and3A_386 = arith.andi %get3A_380, %and3A_385 : vector<16xi32>
      tpu.vector_store_idx %arg6[%shift_right_arithmetic3A_383, %and3A_386], %broadcast_in_dim3A_19 {add = true} : memref<640x16xf32, #tpu.memory_space<vmem>>[vector<16xi32>, vector<16xi32>], vector<16xf32>,
      %get3A_387 = arith.index_cast %add3A_56 : i32 to index
      %get3A_388 = arith.constant 592 : index
      %get3A_389 = tpu.vector_load %arg5[%get3A_387, %get3A_388] {strides = array<i32>} : memref<10x1024xi32, #tpu.memory_space<vmem>>, vector<16xi32>,
      %shift_right_arithmetic3A_390 = arith.constant 4 : i32
      %shift_right_arithmetic3A_391 = vector.broadcast %shift_right_arithmetic3A_390 : i32 to vector<16xi32>
      %shift_right_arithmetic3A_392 = arith.shrsi %get3A_389, %shift_right_arithmetic3A_391 : vector<16xi32>
      %and3A_393 = arith.constant 15 : i32
      %and3A_394 = vector.broadcast %and3A_393 : i32 to vector<16xi32>
      %and3A_395 = arith.andi %get3A_389, %and3A_394 : vector<16xi32>
      tpu.vector_store_idx %arg6[%shift_right_arithmetic3A_392, %and3A_395], %broadcast_in_dim3A_19 {add = true} : memref<640x16xf32, #tpu.memory_space<vmem>>[vector<16xi32>, vector<16xi32>], vector<16xf32>,
      %get3A_396 = arith.index_cast %add3A_56 : i32 to index
      %get3A_397 = arith.constant 608 : index
      %get3A_398 = tpu.vector_load %arg5[%get3A_396, %get3A_397] {strides = array<i32>} : memref<10x1024xi32, #tpu.memory_space<vmem>>, vector<16xi32>,
      %shift_right_arithmetic3A_399 = arith.constant 4 : i32
      %shift_right_arithmetic3A_400 = vector.broadcast %shift_right_arithmetic3A_399 : i32 to vector<16xi32>
      %shift_right_arithmetic3A_401 = arith.shrsi %get3A_398, %shift_right_arithmetic3A_400 : vector<16xi32>
      %and3A_402 = arith.constant 15 : i32
      %and3A_403 = vector.broadcast %and3A_402 : i32 to vector<16xi32>
      %and3A_404 = arith.andi %get3A_398, %and3A_403 : vector<16xi32>
      tpu.vector_store_idx %arg6[%shift_right_arithmetic3A_401, %and3A_404], %broadcast_in_dim3A_19 {add = true} : memref<640x16xf32, #tpu.memory_space<vmem>>[vector<16xi32>, vector<16xi32>], vector<16xf32>,
      %get3A_405 = arith.index_cast %add3A_56 : i32 to index
      %get3A_406 = arith.constant 624 : index
      %get3A_407 = tpu.vector_load %arg5[%get3A_405, %get3A_406] {strides = array<i32>} : memref<10x1024xi32, #tpu.memory_space<vmem>>, vector<16xi32>,
      %shift_right_arithmetic3A_408 = arith.constant 4 : i32
      %shift_right_arithmetic3A_409 = vector.broadcast %shift_right_arithmetic3A_408 : i32 to vector<16xi32>
      %shift_right_arithmetic3A_410 = arith.shrsi %get3A_407, %shift_right_arithmetic3A_409 : vector<16xi32>
      %and3A_411 = arith.constant 15 : i32
      %and3A_412 = vector.broadcast %and3A_411 : i32 to vector<16xi32>
      %and3A_413 = arith.andi %get3A_407, %and3A_412 : vector<16xi32>
      tpu.vector_store_idx %arg6[%shift_right_arithmetic3A_410, %and3A_413], %broadcast_in_dim3A_19 {add = true} : memref<640x16xf32, #tpu.memory_space<vmem>>[vector<16xi32>, vector<16xi32>], vector<16xf32>,
      %get3A_414 = arith.index_cast %add3A_56 : i32 to index
      %get3A_415 = arith.constant 640 : index
      %get3A_416 = tpu.vector_load %arg5[%get3A_414, %get3A_415] {strides = array<i32>} : memref<10x1024xi32, #tpu.memory_space<vmem>>, vector<16xi32>,
      %shift_right_arithmetic3A_417 = arith.constant 4 : i32
      %shift_right_arithmetic3A_418 = vector.broadcast %shift_right_arithmetic3A_417 : i32 to vector<16xi32>
      %shift_right_arithmetic3A_419 = arith.shrsi %get3A_416, %shift_right_arithmetic3A_418 : vector<16xi32>
      %and3A_420 = arith.constant 15 : i32
      %and3A_421 = vector.broadcast %and3A_420 : i32 to vector<16xi32>
      %and3A_422 = arith.andi %get3A_416, %and3A_421 : vector<16xi32>
      tpu.vector_store_idx %arg6[%shift_right_arithmetic3A_419, %and3A_422], %broadcast_in_dim3A_19 {add = true} : memref<640x16xf32, #tpu.memory_space<vmem>>[vector<16xi32>, vector<16xi32>], vector<16xf32>,
      %get3A_423 = arith.index_cast %add3A_56 : i32 to index
      %get3A_424 = arith.constant 656 : index
      %get3A_425 = tpu.vector_load %arg5[%get3A_423, %get3A_424] {strides = array<i32>} : memref<10x1024xi32, #tpu.memory_space<vmem>>, vector<16xi32>,
      %shift_right_arithmetic3A_426 = arith.constant 4 : i32
      %shift_right_arithmetic3A_427 = vector.broadcast %shift_right_arithmetic3A_426 : i32 to vector<16xi32>
      %shift_right_arithmetic3A_428 = arith.shrsi %get3A_425, %shift_right_arithmetic3A_427 : vector<16xi32>
      %and3A_429 = arith.constant 15 : i32
      %and3A_430 = vector.broadcast %and3A_429 : i32 to vector<16xi32>
      %and3A_431 = arith.andi %get3A_425, %and3A_430 : vector<16xi32>
      tpu.vector_store_idx %arg6[%shift_right_arithmetic3A_428, %and3A_431], %broadcast_in_dim3A_19 {add = true} : memref<640x16xf32, #tpu.memory_space<vmem>>[vector<16xi32>, vector<16xi32>], vector<16xf32>,
      %get3A_432 = arith.index_cast %add3A_56 : i32 to index
      %get3A_433 = arith.constant 672 : index
      %get3A_434 = tpu.vector_load %arg5[%get3A_432, %get3A_433] {strides = array<i32>} : memref<10x1024xi32, #tpu.memory_space<vmem>>, vector<16xi32>,
      %shift_right_arithmetic3A_435 = arith.constant 4 : i32
      %shift_right_arithmetic3A_436 = vector.broadcast %shift_right_arithmetic3A_435 : i32 to vector<16xi32>
      %shift_right_arithmetic3A_437 = arith.shrsi %get3A_434, %shift_right_arithmetic3A_436 : vector<16xi32>
      %and3A_438 = arith.constant 15 : i32
      %and3A_439 = vector.broadcast %and3A_438 : i32 to vector<16xi32>
      %and3A_440 = arith.andi %get3A_434, %and3A_439 : vector<16xi32>
      tpu.vector_store_idx %arg6[%shift_right_arithmetic3A_437, %and3A_440], %broadcast_in_dim3A_19 {add = true} : memref<640x16xf32, #tpu.memory_space<vmem>>[vector<16xi32>, vector<16xi32>], vector<16xf32>,
      %get3A_441 = arith.index_cast %add3A_56 : i32 to index
      %get3A_442 = arith.constant 688 : index
      %get3A_443 = tpu.vector_load %arg5[%get3A_441, %get3A_442] {strides = array<i32>} : memref<10x1024xi32, #tpu.memory_space<vmem>>, vector<16xi32>,
      %shift_right_arithmetic3A_444 = arith.constant 4 : i32
      %shift_right_arithmetic3A_445 = vector.broadcast %shift_right_arithmetic3A_444 : i32 to vector<16xi32>
      %shift_right_arithmetic3A_446 = arith.shrsi %get3A_443, %shift_right_arithmetic3A_445 : vector<16xi32>
      %and3A_447 = arith.constant 15 : i32
      %and3A_448 = vector.broadcast %and3A_447 : i32 to vector<16xi32>
      %and3A_449 = arith.andi %get3A_443, %and3A_448 : vector<16xi32>
      tpu.vector_store_idx %arg6[%shift_right_arithmetic3A_446, %and3A_449], %broadcast_in_dim3A_19 {add = true} : memref<640x16xf32, #tpu.memory_space<vmem>>[vector<16xi32>, vector<16xi32>], vector<16xf32>,
      %get3A_450 = arith.index_cast %add3A_56 : i32 to index
      %get3A_451 = arith.constant 704 : index
      %get3A_452 = tpu.vector_load %arg5[%get3A_450, %get3A_451] {strides = array<i32>} : memref<10x1024xi32, #tpu.memory_space<vmem>>, vector<16xi32>,
      %shift_right_arithmetic3A_453 = arith.constant 4 : i32
      %shift_right_arithmetic3A_454 = vector.broadcast %shift_right_arithmetic3A_453 : i32 to vector<16xi32>
      %shift_right_arithmetic3A_455 = arith.shrsi %get3A_452, %shift_right_arithmetic3A_454 : vector<16xi32>
      %and3A_456 = arith.constant 15 : i32
      %and3A_457 = vector.broadcast %and3A_456 : i32 to vector<16xi32>
      %and3A_458 = arith.andi %get3A_452, %and3A_457 : vector<16xi32>
      tpu.vector_store_idx %arg6[%shift_right_arithmetic3A_455, %and3A_458], %broadcast_in_dim3A_19 {add = true} : memref<640x16xf32, #tpu.memory_space<vmem>>[vector<16xi32>, vector<16xi32>], vector<16xf32>,
      %get3A_459 = arith.index_cast %add3A_56 : i32 to index
      %get3A_460 = arith.constant 720 : index
      %get3A_461 = tpu.vector_load %arg5[%get3A_459, %get3A_460] {strides = array<i32>} : memref<10x1024xi32, #tpu.memory_space<vmem>>, vector<16xi32>,
      %shift_right_arithmetic3A_462 = arith.constant 4 : i32
      %shift_right_arithmetic3A_463 = vector.broadcast %shift_right_arithmetic3A_462 : i32 to vector<16xi32>
      %shift_right_arithmetic3A_464 = arith.shrsi %get3A_461, %shift_right_arithmetic3A_463 : vector<16xi32>
      %and3A_465 = arith.constant 15 : i32
      %and3A_466 = vector.broadcast %and3A_465 : i32 to vector<16xi32>
      %and3A_467 = arith.andi %get3A_461, %and3A_466 : vector<16xi32>
      tpu.vector_store_idx %arg6[%shift_right_arithmetic3A_464, %and3A_467], %broadcast_in_dim3A_19 {add = true} : memref<640x16xf32, #tpu.memory_space<vmem>>[vector<16xi32>, vector<16xi32>], vector<16xf32>,
      %get3A_468 = arith.index_cast %add3A_56 : i32 to index
      %get3A_469 = arith.constant 736 : index
      %get3A_470 = tpu.vector_load %arg5[%get3A_468, %get3A_469] {strides = array<i32>} : memref<10x1024xi32, #tpu.memory_space<vmem>>, vector<16xi32>,
      %shift_right_arithmetic3A_471 = arith.constant 4 : i32
      %shift_right_arithmetic3A_472 = vector.broadcast %shift_right_arithmetic3A_471 : i32 to vector<16xi32>
      %shift_right_arithmetic3A_473 = arith.shrsi %get3A_470, %shift_right_arithmetic3A_472 : vector<16xi32>
      %and3A_474 = arith.constant 15 : i32
      %and3A_475 = vector.broadcast %and3A_474 : i32 to vector<16xi32>
      %and3A_476 = arith.andi %get3A_470, %and3A_475 : vector<16xi32>
      tpu.vector_store_idx %arg6[%shift_right_arithmetic3A_473, %and3A_476], %broadcast_in_dim3A_19 {add = true} : memref<640x16xf32, #tpu.memory_space<vmem>>[vector<16xi32>, vector<16xi32>], vector<16xf32>,
      %get3A_477 = arith.index_cast %add3A_56 : i32 to index
      %get3A_478 = arith.constant 752 : index
      %get3A_479 = tpu.vector_load %arg5[%get3A_477, %get3A_478] {strides = array<i32>} : memref<10x1024xi32, #tpu.memory_space<vmem>>, vector<16xi32>,
      %shift_right_arithmetic3A_480 = arith.constant 4 : i32
      %shift_right_arithmetic3A_481 = vector.broadcast %shift_right_arithmetic3A_480 : i32 to vector<16xi32>
      %shift_right_arithmetic3A_482 = arith.shrsi %get3A_479, %shift_right_arithmetic3A_481 : vector<16xi32>
      %and3A_483 = arith.constant 15 : i32
      %and3A_484 = vector.broadcast %and3A_483 : i32 to vector<16xi32>
      %and3A_485 = arith.andi %get3A_479, %and3A_484 : vector<16xi32>
      tpu.vector_store_idx %arg6[%shift_right_arithmetic3A_482, %and3A_485], %broadcast_in_dim3A_19 {add = true} : memref<640x16xf32, #tpu.memory_space<vmem>>[vector<16xi32>, vector<16xi32>], vector<16xf32>,
      %get3A_486 = arith.index_cast %add3A_56 : i32 to index
      %get3A_487 = arith.constant 768 : index
      %get3A_488 = tpu.vector_load %arg5[%get3A_486, %get3A_487] {strides = array<i32>} : memref<10x1024xi32, #tpu.memory_space<vmem>>, vector<16xi32>,
      %shift_right_arithmetic3A_489 = arith.constant 4 : i32
      %shift_right_arithmetic3A_490 = vector.broadcast %shift_right_arithmetic3A_489 : i32 to vector<16xi32>
      %shift_right_arithmetic3A_491 = arith.shrsi %get3A_488, %shift_right_arithmetic3A_490 : vector<16xi32>
      %and3A_492 = arith.constant 15 : i32
      %and3A_493 = vector.broadcast %and3A_492 : i32 to vector<16xi32>
      %and3A_494 = arith.andi %get3A_488, %and3A_493 : vector<16xi32>
      tpu.vector_store_idx %arg6[%shift_right_arithmetic3A_491, %and3A_494], %broadcast_in_dim3A_19 {add = true} : memref<640x16xf32, #tpu.memory_space<vmem>>[vector<16xi32>, vector<16xi32>], vector<16xf32>,
      %get3A_495 = arith.index_cast %add3A_56 : i32 to index
      %get3A_496 = arith.constant 784 : index
      %get3A_497 = tpu.vector_load %arg5[%get3A_495, %get3A_496] {strides = array<i32>} : memref<10x1024xi32, #tpu.memory_space<vmem>>, vector<16xi32>,
      %shift_right_arithmetic3A_498 = arith.constant 4 : i32
      %shift_right_arithmetic3A_499 = vector.broadcast %shift_right_arithmetic3A_498 : i32 to vector<16xi32>
      %shift_right_arithmetic3A_500 = arith.shrsi %get3A_497, %shift_right_arithmetic3A_499 : vector<16xi32>
      %and3A_501 = arith.constant 15 : i32
      %and3A_502 = vector.broadcast %and3A_501 : i32 to vector<16xi32>
      %and3A_503 = arith.andi %get3A_497, %and3A_502 : vector<16xi32>
      tpu.vector_store_idx %arg6[%shift_right_arithmetic3A_500, %and3A_503], %broadcast_in_dim3A_19 {add = true} : memref<640x16xf32, #tpu.memory_space<vmem>>[vector<16xi32>, vector<16xi32>], vector<16xf32>,
      %get3A_504 = arith.index_cast %add3A_56 : i32 to index
      %get3A_505 = arith.constant 800 : index
      %get3A_506 = tpu.vector_load %arg5[%get3A_504, %get3A_505] {strides = array<i32>} : memref<10x1024xi32, #tpu.memory_space<vmem>>, vector<16xi32>,
      %shift_right_arithmetic3A_507 = arith.constant 4 : i32
      %shift_right_arithmetic3A_508 = vector.broadcast %shift_right_arithmetic3A_507 : i32 to vector<16xi32>
      %shift_right_arithmetic3A_509 = arith.shrsi %get3A_506, %shift_right_arithmetic3A_508 : vector<16xi32>
      %and3A_510 = arith.constant 15 : i32
      %and3A_511 = vector.broadcast %and3A_510 : i32 to vector<16xi32>
      %and3A_512 = arith.andi %get3A_506, %and3A_511 : vector<16xi32>
      tpu.vector_store_idx %arg6[%shift_right_arithmetic3A_509, %and3A_512], %broadcast_in_dim3A_19 {add = true} : memref<640x16xf32, #tpu.memory_space<vmem>>[vector<16xi32>, vector<16xi32>], vector<16xf32>,
      %get3A_513 = arith.index_cast %add3A_56 : i32 to index
      %get3A_514 = arith.constant 816 : index
      %get3A_515 = tpu.vector_load %arg5[%get3A_513, %get3A_514] {strides = array<i32>} : memref<10x1024xi32, #tpu.memory_space<vmem>>, vector<16xi32>,
      %shift_right_arithmetic3A_516 = arith.constant 4 : i32
      %shift_right_arithmetic3A_517 = vector.broadcast %shift_right_arithmetic3A_516 : i32 to vector<16xi32>
      %shift_right_arithmetic3A_518 = arith.shrsi %get3A_515, %shift_right_arithmetic3A_517 : vector<16xi32>
      %and3A_519 = arith.constant 15 : i32
      %and3A_520 = vector.broadcast %and3A_519 : i32 to vector<16xi32>
      %and3A_521 = arith.andi %get3A_515, %and3A_520 : vector<16xi32>
      tpu.vector_store_idx %arg6[%shift_right_arithmetic3A_518, %and3A_521], %broadcast_in_dim3A_19 {add = true} : memref<640x16xf32, #tpu.memory_space<vmem>>[vector<16xi32>, vector<16xi32>], vector<16xf32>,
      %get3A_522 = arith.index_cast %add3A_56 : i32 to index
      %get3A_523 = arith.constant 832 : index
      %get3A_524 = tpu.vector_load %arg5[%get3A_522, %get3A_523] {strides = array<i32>} : memref<10x1024xi32, #tpu.memory_space<vmem>>, vector<16xi32>,
      %shift_right_arithmetic3A_525 = arith.constant 4 : i32
      %shift_right_arithmetic3A_526 = vector.broadcast %shift_right_arithmetic3A_525 : i32 to vector<16xi32>
      %shift_right_arithmetic3A_527 = arith.shrsi %get3A_524, %shift_right_arithmetic3A_526 : vector<16xi32>
      %and3A_528 = arith.constant 15 : i32
      %and3A_529 = vector.broadcast %and3A_528 : i32 to vector<16xi32>
      %and3A_530 = arith.andi %get3A_524, %and3A_529 : vector<16xi32>
      tpu.vector_store_idx %arg6[%shift_right_arithmetic3A_527, %and3A_530], %broadcast_in_dim3A_19 {add = true} : memref<640x16xf32, #tpu.memory_space<vmem>>[vector<16xi32>, vector<16xi32>], vector<16xf32>,
      %get3A_531 = arith.index_cast %add3A_56 : i32 to index
      %get3A_532 = arith.constant 848 : index
      %get3A_533 = tpu.vector_load %arg5[%get3A_531, %get3A_532] {strides = array<i32>} : memref<10x1024xi32, #tpu.memory_space<vmem>>, vector<16xi32>,
      %shift_right_arithmetic3A_534 = arith.constant 4 : i32
      %shift_right_arithmetic3A_535 = vector.broadcast %shift_right_arithmetic3A_534 : i32 to vector<16xi32>
      %shift_right_arithmetic3A_536 = arith.shrsi %get3A_533, %shift_right_arithmetic3A_535 : vector<16xi32>
      %and3A_537 = arith.constant 15 : i32
      %and3A_538 = vector.broadcast %and3A_537 : i32 to vector<16xi32>
      %and3A_539 = arith.andi %get3A_533, %and3A_538 : vector<16xi32>
      tpu.vector_store_idx %arg6[%shift_right_arithmetic3A_536, %and3A_539], %broadcast_in_dim3A_19 {add = true} : memref<640x16xf32, #tpu.memory_space<vmem>>[vector<16xi32>, vector<16xi32>], vector<16xf32>,
      %get3A_540 = arith.index_cast %add3A_56 : i32 to index
      %get3A_541 = arith.constant 864 : index
      %get3A_542 = tpu.vector_load %arg5[%get3A_540, %get3A_541] {strides = array<i32>} : memref<10x1024xi32, #tpu.memory_space<vmem>>, vector<16xi32>,
      %shift_right_arithmetic3A_543 = arith.constant 4 : i32
      %shift_right_arithmetic3A_544 = vector.broadcast %shift_right_arithmetic3A_543 : i32 to vector<16xi32>
      %shift_right_arithmetic3A_545 = arith.shrsi %get3A_542, %shift_right_arithmetic3A_544 : vector<16xi32>
      %and3A_546 = arith.constant 15 : i32
      %and3A_547 = vector.broadcast %and3A_546 : i32 to vector<16xi32>
      %and3A_548 = arith.andi %get3A_542, %and3A_547 : vector<16xi32>
      tpu.vector_store_idx %arg6[%shift_right_arithmetic3A_545, %and3A_548], %broadcast_in_dim3A_19 {add = true} : memref<640x16xf32, #tpu.memory_space<vmem>>[vector<16xi32>, vector<16xi32>], vector<16xf32>,
      %get3A_549 = arith.index_cast %add3A_56 : i32 to index
      %get3A_550 = arith.constant 880 : index
      %get3A_551 = tpu.vector_load %arg5[%get3A_549, %get3A_550] {strides = array<i32>} : memref<10x1024xi32, #tpu.memory_space<vmem>>, vector<16xi32>,
      %shift_right_arithmetic3A_552 = arith.constant 4 : i32
      %shift_right_arithmetic3A_553 = vector.broadcast %shift_right_arithmetic3A_552 : i32 to vector<16xi32>
      %shift_right_arithmetic3A_554 = arith.shrsi %get3A_551, %shift_right_arithmetic3A_553 : vector<16xi32>
      %and3A_555 = arith.constant 15 : i32
      %and3A_556 = vector.broadcast %and3A_555 : i32 to vector<16xi32>
      %and3A_557 = arith.andi %get3A_551, %and3A_556 : vector<16xi32>
      tpu.vector_store_idx %arg6[%shift_right_arithmetic3A_554, %and3A_557], %broadcast_in_dim3A_19 {add = true} : memref<640x16xf32, #tpu.memory_space<vmem>>[vector<16xi32>, vector<16xi32>], vector<16xf32>,
      %get3A_558 = arith.index_cast %add3A_56 : i32 to index
      %get3A_559 = arith.constant 896 : index
      %get3A_560 = tpu.vector_load %arg5[%get3A_558, %get3A_559] {strides = array<i32>} : memref<10x1024xi32, #tpu.memory_space<vmem>>, vector<16xi32>,
      %shift_right_arithmetic3A_561 = arith.constant 4 : i32
      %shift_right_arithmetic3A_562 = vector.broadcast %shift_right_arithmetic3A_561 : i32 to vector<16xi32>
      %shift_right_arithmetic3A_563 = arith.shrsi %get3A_560, %shift_right_arithmetic3A_562 : vector<16xi32>
      %and3A_564 = arith.constant 15 : i32
      %and3A_565 = vector.broadcast %and3A_564 : i32 to vector<16xi32>
      %and3A_566 = arith.andi %get3A_560, %and3A_565 : vector<16xi32>
      tpu.vector_store_idx %arg6[%shift_right_arithmetic3A_563, %and3A_566], %broadcast_in_dim3A_19 {add = true} : memref<640x16xf32, #tpu.memory_space<vmem>>[vector<16xi32>, vector<16xi32>], vector<16xf32>,
      %get3A_567 = arith.index_cast %add3A_56 : i32 to index
      %get3A_568 = arith.constant 912 : index
      %get3A_569 = tpu.vector_load %arg5[%get3A_567, %get3A_568] {strides = array<i32>} : memref<10x1024xi32, #tpu.memory_space<vmem>>, vector<16xi32>,
      %shift_right_arithmetic3A_570 = arith.constant 4 : i32
      %shift_right_arithmetic3A_571 = vector.broadcast %shift_right_arithmetic3A_570 : i32 to vector<16xi32>
      %shift_right_arithmetic3A_572 = arith.shrsi %get3A_569, %shift_right_arithmetic3A_571 : vector<16xi32>
      %and3A_573 = arith.constant 15 : i32
      %and3A_574 = vector.broadcast %and3A_573 : i32 to vector<16xi32>
      %and3A_575 = arith.andi %get3A_569, %and3A_574 : vector<16xi32>
      tpu.vector_store_idx %arg6[%shift_right_arithmetic3A_572, %and3A_575], %broadcast_in_dim3A_19 {add = true} : memref<640x16xf32, #tpu.memory_space<vmem>>[vector<16xi32>, vector<16xi32>], vector<16xf32>,
      %get3A_576 = arith.index_cast %add3A_56 : i32 to index
      %get3A_577 = arith.constant 928 : index
      %get3A_578 = tpu.vector_load %arg5[%get3A_576, %get3A_577] {strides = array<i32>} : memref<10x1024xi32, #tpu.memory_space<vmem>>, vector<16xi32>,
      %shift_right_arithmetic3A_579 = arith.constant 4 : i32
      %shift_right_arithmetic3A_580 = vector.broadcast %shift_right_arithmetic3A_579 : i32 to vector<16xi32>
      %shift_right_arithmetic3A_581 = arith.shrsi %get3A_578, %shift_right_arithmetic3A_580 : vector<16xi32>
      %and3A_582 = arith.constant 15 : i32
      %and3A_583 = vector.broadcast %and3A_582 : i32 to vector<16xi32>
      %and3A_584 = arith.andi %get3A_578, %and3A_583 : vector<16xi32>
      tpu.vector_store_idx %arg6[%shift_right_arithmetic3A_581, %and3A_584], %broadcast_in_dim3A_19 {add = true} : memref<640x16xf32, #tpu.memory_space<vmem>>[vector<16xi32>, vector<16xi32>], vector<16xf32>,
      %get3A_585 = arith.index_cast %add3A_56 : i32 to index
      %get3A_586 = arith.constant 944 : index
      %get3A_587 = tpu.vector_load %arg5[%get3A_585, %get3A_586] {strides = array<i32>} : memref<10x1024xi32, #tpu.memory_space<vmem>>, vector<16xi32>,
      %shift_right_arithmetic3A_588 = arith.constant 4 : i32
      %shift_right_arithmetic3A_589 = vector.broadcast %shift_right_arithmetic3A_588 : i32 to vector<16xi32>
      %shift_right_arithmetic3A_590 = arith.shrsi %get3A_587, %shift_right_arithmetic3A_589 : vector<16xi32>
      %and3A_591 = arith.constant 15 : i32
      %and3A_592 = vector.broadcast %and3A_591 : i32 to vector<16xi32>
      %and3A_593 = arith.andi %get3A_587, %and3A_592 : vector<16xi32>
      tpu.vector_store_idx %arg6[%shift_right_arithmetic3A_590, %and3A_593], %broadcast_in_dim3A_19 {add = true} : memref<640x16xf32, #tpu.memory_space<vmem>>[vector<16xi32>, vector<16xi32>], vector<16xf32>,
      %get3A_594 = arith.index_cast %add3A_56 : i32 to index
      %get3A_595 = arith.constant 960 : index
      %get3A_596 = tpu.vector_load %arg5[%get3A_594, %get3A_595] {strides = array<i32>} : memref<10x1024xi32, #tpu.memory_space<vmem>>, vector<16xi32>,
      %shift_right_arithmetic3A_597 = arith.constant 4 : i32
      %shift_right_arithmetic3A_598 = vector.broadcast %shift_right_arithmetic3A_597 : i32 to vector<16xi32>
      %shift_right_arithmetic3A_599 = arith.shrsi %get3A_596, %shift_right_arithmetic3A_598 : vector<16xi32>
      %and3A_600 = arith.constant 15 : i32
      %and3A_601 = vector.broadcast %and3A_600 : i32 to vector<16xi32>
      %and3A_602 = arith.andi %get3A_596, %and3A_601 : vector<16xi32>
      tpu.vector_store_idx %arg6[%shift_right_arithmetic3A_599, %and3A_602], %broadcast_in_dim3A_19 {add = true} : memref<640x16xf32, #tpu.memory_space<vmem>>[vector<16xi32>, vector<16xi32>], vector<16xf32>,
      %get3A_603 = arith.index_cast %add3A_56 : i32 to index
      %get3A_604 = arith.constant 976 : index
      %get3A_605 = tpu.vector_load %arg5[%get3A_603, %get3A_604] {strides = array<i32>} : memref<10x1024xi32, #tpu.memory_space<vmem>>, vector<16xi32>,
      %shift_right_arithmetic3A_606 = arith.constant 4 : i32
      %shift_right_arithmetic3A_607 = vector.broadcast %shift_right_arithmetic3A_606 : i32 to vector<16xi32>
      %shift_right_arithmetic3A_608 = arith.shrsi %get3A_605, %shift_right_arithmetic3A_607 : vector<16xi32>
      %and3A_609 = arith.constant 15 : i32
      %and3A_610 = vector.broadcast %and3A_609 : i32 to vector<16xi32>
      %and3A_611 = arith.andi %get3A_605, %and3A_610 : vector<16xi32>
      tpu.vector_store_idx %arg6[%shift_right_arithmetic3A_608, %and3A_611], %broadcast_in_dim3A_19 {add = true} : memref<640x16xf32, #tpu.memory_space<vmem>>[vector<16xi32>, vector<16xi32>], vector<16xf32>,
      %get3A_612 = arith.index_cast %add3A_56 : i32 to index
      %get3A_613 = arith.constant 992 : index
      %get3A_614 = tpu.vector_load %arg5[%get3A_612, %get3A_613] {strides = array<i32>} : memref<10x1024xi32, #tpu.memory_space<vmem>>, vector<16xi32>,
      %shift_right_arithmetic3A_615 = arith.constant 4 : i32
      %shift_right_arithmetic3A_616 = vector.broadcast %shift_right_arithmetic3A_615 : i32 to vector<16xi32>
      %shift_right_arithmetic3A_617 = arith.shrsi %get3A_614, %shift_right_arithmetic3A_616 : vector<16xi32>
      %and3A_618 = arith.constant 15 : i32
      %and3A_619 = vector.broadcast %and3A_618 : i32 to vector<16xi32>
      %and3A_620 = arith.andi %get3A_614, %and3A_619 : vector<16xi32>
      tpu.vector_store_idx %arg6[%shift_right_arithmetic3A_617, %and3A_620], %broadcast_in_dim3A_19 {add = true} : memref<640x16xf32, #tpu.memory_space<vmem>>[vector<16xi32>, vector<16xi32>], vector<16xf32>,
      %get3A_621 = arith.index_cast %add3A_56 : i32 to index
      %get3A_622 = arith.constant 1008 : index
      %get3A_623 = tpu.vector_load %arg5[%get3A_621, %get3A_622] {strides = array<i32>} : memref<10x1024xi32, #tpu.memory_space<vmem>>, vector<16xi32>,
      %shift_right_arithmetic3A_624 = arith.constant 4 : i32
      %shift_right_arithmetic3A_625 = vector.broadcast %shift_right_arithmetic3A_624 : i32 to vector<16xi32>
      %shift_right_arithmetic3A_626 = arith.shrsi %get3A_623, %shift_right_arithmetic3A_625 : vector<16xi32>
      %and3A_627 = arith.constant 15 : i32
      %and3A_628 = vector.broadcast %and3A_627 : i32 to vector<16xi32>
      %and3A_629 = arith.andi %get3A_623, %and3A_628 : vector<16xi32>
      tpu.vector_store_idx %arg6[%shift_right_arithmetic3A_626, %and3A_629], %broadcast_in_dim3A_19 {add = true} : memref<640x16xf32, #tpu.memory_space<vmem>>[vector<16xi32>, vector<16xi32>], vector<16xf32>,
    }
    %scan3A_27 = arith.constant 10 : i32
    %barrier3A = arith.constant 0 : index
    tpu.barrier barrier_id(%barrier3A)
    %dma_start3A_28 = arith.constant 0 : i32
    %dma_start3A_29 = arith.constant 0 : i32
    %dma_start3A_30 = tpu.memref_slice %arg7[%dma_start3A_28, %dma_start3A_29] : memref<1x640xi32, #tpu.memory_space<vmem>> -> memref<1x640xi32, #tpu.memory_space<vmem>>
    %dma_start3A_31 = tpu.memref_squeeze %dma_start3A_30 : memref<1x640xi32, #tpu.memory_space<vmem>> -> memref<640xi32, #tpu.memory_space<vmem>>
    %dma_start3A_32 = arith.constant 0 : i32
    %dma_start3A_33 = arith.constant 0 : i32
    %dma_start3A_34 = tpu.memref_slice %arg10[%dma_start3A_32, %dma_start3A_33] : memref<640x16xf32, #tpu.memory_space<vmem_shared>> -> memref<640x16xf32, #tpu.memory_space<vmem_shared>>
    tpu.enqueue_indirect_dma source(%arg6 : memref<640x16xf32, #tpu.memory_space<vmem>>) target(%dma_start3A_34 : memref<640x16xf32, #tpu.memory_space<vmem_shared>>) offsets(%dma_start3A_31 : memref<640xi32, #tpu.memory_space<vmem>>) semaphore(%arg11 : memref<!tpu.dma_semaphore, #tpu.memory_space<semaphore_mem>>) {add = true}
    %dma_wait3A_35 = arith.constant 0 : i32
    %dma_wait3A_36 = arith.constant 0 : i32
    %dma_wait3A_37 = tpu.memref_slice %arg7[%dma_wait3A_35, %dma_wait3A_36] : memref<1x640xi32, #tpu.memory_space<vmem>> -> memref<1x640xi32, #tpu.memory_space<vmem>>
    %dma_wait3A_38 = tpu.memref_squeeze %dma_wait3A_37 : memref<1x640xi32, #tpu.memory_space<vmem>> -> memref<640xi32, #tpu.memory_space<vmem>>
    %dma_wait3A_39 = arith.constant 0 : i32
    %dma_wait3A_40 = arith.constant 0 : i32
    %dma_wait3A_41 = tpu.memref_slice %arg10[%dma_wait3A_39, %dma_wait3A_40] : memref<640x16xf32, #tpu.memory_space<vmem_shared>> -> memref<640x16xf32, #tpu.memory_space<vmem_shared>>
    tpu.wait_indirect_dma semaphore(%arg11 : memref<!tpu.dma_semaphore, #tpu.memory_space<semaphore_mem>>) src(%arg6 : memref<640x16xf32, #tpu.memory_space<vmem>>) dst(%dma_wait3A_41 : memref<640x16xf32, #tpu.memory_space<vmem_shared>>)
    %barrier3A_42 = arith.constant 0 : index
    tpu.barrier barrier_id(%barrier3A_42)
    %mul3A_43 = arith.constant 40 : i32
    %mul3A_44 = arith.muli %arg1, %mul3A_43 : i32
    "tpu.region"() ({
      %run_scoped3A = tpu.sem_alloc : memref<!tpu.dma_semaphore, #tpu.memory_space<semaphore_mem>>
      %dma_start3A_52 = arith.constant 0 : i32
      %dma_start3A_53 = tpu.memref_slice %arg10[%mul3A_44, %dma_start3A_52] : memref<640x16xf32, #tpu.memory_space<vmem_shared>> -> memref<40x16xf32, #tpu.memory_space<vmem_shared>>
      %dma_start3A_54 = arith.constant 0 : i32
      %dma_start3A_55 = tpu.memref_slice %arg10[%mul3A_44, %dma_start3A_54] : memref<640x16xf32, #tpu.memory_space<vmem_shared>> -> memref<40x16xf32, #tpu.memory_space<vmem_shared>>
      tpu.enqueue_dma source(%dma_start3A_55 : memref<40x16xf32, #tpu.memory_space<vmem_shared>>) target(%arg8 : memref<40x16xf32, #tpu.memory_space<vmem>>) target_semaphore(%run_scoped3A : memref<!tpu.dma_semaphore, #tpu.memory_space<semaphore_mem>>)
      %dma_wait3A_56 = arith.constant 0 : i32
      %dma_wait3A_57 = tpu.memref_slice %arg10[%mul3A_44, %dma_wait3A_56] : memref<640x16xf32, #tpu.memory_space<vmem_shared>> -> memref<40x16xf32, #tpu.memory_space<vmem_shared>>
      %dma_wait3A_58 = arith.constant 0 : i32
      %dma_wait3A_59 = tpu.memref_slice %arg10[%mul3A_44, %dma_wait3A_58] : memref<640x16xf32, #tpu.memory_space<vmem_shared>> -> memref<40x16xf32, #tpu.memory_space<vmem_shared>>
      tpu.wait_dma2 semaphore(%run_scoped3A : memref<!tpu.dma_semaphore, #tpu.memory_space<semaphore_mem>>) src(%dma_wait3A_59 : memref<40x16xf32, #tpu.memory_space<vmem_shared>>) dst(%arg8 : memref<40x16xf32, #tpu.memory_space<vmem>>)
      tpu.yield
    }) : () -> ()
    %scan3A_45 = arith.constant 0 : i32
    %scan3A_46 = arith.constant 640 : i32
    %scan3A_47 = arith.addi %scan3A_45, %scan3A_46 : i32
    %scan3A_48 = arith.constant 1 : i32
    scf.for %scan3A_52 = %scan3A_45 to %scan3A_47 step %scan3A_48  : i32 {
      %mul3A_53 = arith.constant 1 : i32
      %mul3A_54 = arith.muli %scan3A_52, %mul3A_53 : i32
      %add3A_55 = arith.constant 0 : i32
      %add3A_56 = arith.addi %add3A_55, %mul3A_54 : i32
      %shift_right_arithmetic3A = arith.constant 4 : i32
      %shift_right_arithmetic3A_57 = arith.shrsi %add3A_56, %shift_right_arithmetic3A : i32
      %broadcast_in_dim3A_58 = vector.broadcast %shift_right_arithmetic3A_57 : i32 to vector<16xi32>
      %and3A = arith.constant 15 : i32
      %and3A_59 = arith.andi %add3A_56, %and3A : i32
      %broadcast_in_dim3A_60 = vector.broadcast %and3A_59 : i32 to vector<16xi32>
      %gather3A = tpu.vector_load_idx %arg8[%broadcast_in_dim3A_58, %broadcast_in_dim3A_60] : memref<40x16xf32, #tpu.memory_space<vmem>>[vector<16xi32>, vector<16xi32>], vector<16xf32>,
      %swap3A = arith.index_cast %add3A_56 : i32 to index
      %swap3A_61 = arith.constant 0 : index
      %swap3A_62 = tpu.vector_load %arg9[%swap3A, %swap3A_61] {strides = array<i32>} : memref<640x16xf32, #tpu.memory_space<vmem>>, vector<16xf32>,
      tpu.vector_store %arg9[%swap3A, %swap3A_61], %gather3A {strides = array<i32>} : memref<640x16xf32, #tpu.memory_space<vmem>>, vector<16xf32>,
    }
    %scan3A_49 = arith.constant 640 : i32
    %mul3A_50 = arith.constant 640 : i32
    %mul3A_51 = arith.muli %arg1, %mul3A_50 : i32
    "tpu.region"() ({
      %run_scoped3A = tpu.sem_alloc : memref<!tpu.dma_semaphore, #tpu.memory_space<semaphore_mem>>
      %dma_start3A_52 = arith.constant 0 : i32
      %dma_start3A_53 = arith.constant 0 : i32
      %dma_start3A_54 = tpu.memref_slice %arg4[%arg0, %dma_start3A_52, %dma_start3A_53] : memref<2x10240x16xf32, #tpu.memory_space<hbm>> -> memref<1x10240x16xf32, #tpu.memory_space<hbm>>
      %dma_start3A_55 = tpu.memref_squeeze %dma_start3A_54 : memref<1x10240x16xf32, #tpu.memory_space<hbm>> -> memref<10240x16xf32, #tpu.memory_space<hbm>>
      %dma_start3A_56 = arith.constant 0 : i32
      %dma_start3A_57 = tpu.memref_slice %dma_start3A_55[%mul3A_51, %dma_start3A_56] : memref<10240x16xf32, #tpu.memory_space<hbm>> -> memref<640x16xf32, #tpu.memory_space<hbm>>
      %dma_start3A_58 = arith.constant 0 : i32
      %dma_start3A_59 = arith.constant 0 : i32
      %dma_start3A_60 = tpu.memref_slice %arg4[%arg0, %dma_start3A_58, %dma_start3A_59] : memref<2x10240x16xf32, #tpu.memory_space<hbm>> -> memref<1x10240x16xf32, #tpu.memory_space<hbm>>
      %dma_start3A_61 = tpu.memref_squeeze %dma_start3A_60 : memref<1x10240x16xf32, #tpu.memory_space<hbm>> -> memref<10240x16xf32, #tpu.memory_space<hbm>>
      %dma_start3A_62 = arith.constant 0 : i32
      %dma_start3A_63 = tpu.memref_slice %dma_start3A_61[%mul3A_51, %dma_start3A_62] : memref<10240x16xf32, #tpu.memory_space<hbm>> -> memref<640x16xf32, #tpu.memory_space<hbm>>
      tpu.enqueue_dma source(%arg9 : memref<640x16xf32, #tpu.memory_space<vmem>>) target(%dma_start3A_63 : memref<640x16xf32, #tpu.memory_space<hbm>>) target_semaphore(%run_scoped3A : memref<!tpu.dma_semaphore, #tpu.memory_space<semaphore_mem>>)
      %dma_wait3A_64 = arith.constant 0 : i32
      %dma_wait3A_65 = arith.constant 0 : i32
      %dma_wait3A_66 = tpu.memref_slice %arg4[%arg0, %dma_wait3A_64, %dma_wait3A_65] : memref<2x10240x16xf32, #tpu.memory_space<hbm>> -> memref<1x10240x16xf32, #tpu.memory_space<hbm>>
      %dma_wait3A_67 = tpu.memref_squeeze %dma_wait3A_66 : memref<1x10240x16xf32, #tpu.memory_space<hbm>> -> memref<10240x16xf32, #tpu.memory_space<hbm>>
      %dma_wait3A_68 = arith.constant 0 : i32
      %dma_wait3A_69 = tpu.memref_slice %dma_wait3A_67[%mul3A_51, %dma_wait3A_68] : memref<10240x16xf32, #tpu.memory_space<hbm>> -> memref<640x16xf32, #tpu.memory_space<hbm>>
      %dma_wait3A_70 = arith.constant 0 : i32
      %dma_wait3A_71 = arith.constant 0 : i32
      %dma_wait3A_72 = tpu.memref_slice %arg4[%arg0, %dma_wait3A_70, %dma_wait3A_71] : memref<2x10240x16xf32, #tpu.memory_space<hbm>> -> memref<1x10240x16xf32, #tpu.memory_space<hbm>>
      %dma_wait3A_73 = tpu.memref_squeeze %dma_wait3A_72 : memref<1x10240x16xf32, #tpu.memory_space<hbm>> -> memref<10240x16xf32, #tpu.memory_space<hbm>>
      %dma_wait3A_74 = arith.constant 0 : i32
      %dma_wait3A_75 = tpu.memref_slice %dma_wait3A_73[%mul3A_51, %dma_wait3A_74] : memref<10240x16xf32, #tpu.memory_space<hbm>> -> memref<640x16xf32, #tpu.memory_space<hbm>>
      tpu.wait_dma2 semaphore(%run_scoped3A : memref<!tpu.dma_semaphore, #tpu.memory_space<semaphore_mem>>) src(%arg9 : memref<640x16xf32, #tpu.memory_space<vmem>>) dst(%dma_wait3A_75 : memref<640x16xf32, #tpu.memory_space<hbm>>)
      tpu.yield
    }) : () -> ()
    return
  }
}

#map = affine_map<(d0, d1) -> (0, 0)>
#map1 = affine_map<(d0, d1) -> (0, 0, 0)>
module attributes {stable_mosaic.version = 14 : i64} {
  func.func @_sc_edge_pass(%arg0: i32, %arg1: i32, %arg2: memref<10000x16xf32, #tpu.memory_space<hbm>>, %arg3: memref<320x1024xi32, #tpu.memory_space<hbm>>, %arg4: memref<320x1024xi32, #tpu.memory_space<hbm>>, %arg5: memref<10240x16xf32, #tpu.memory_space<hbm>>, %arg6: memref<2x10240x16xf32, #tpu.memory_space<hbm>>, %arg7: memref<10x1024xi32, #tpu.memory_space<vmem>>, %arg8: memref<10x1024xi32, #tpu.memory_space<vmem>>, %arg9: memref<1024x16xf32, #tpu.memory_space<vmem>>, %arg10: memref<1024x16xf32, #tpu.memory_space<vmem>>, %arg11: memref<1024x16xf32, #tpu.memory_space<vmem>>, %arg12: memref<1024x16xf32, #tpu.memory_space<vmem>>, %arg13: memref<10240x16xf32, #tpu.memory_space<vmem_shared>>, %arg14: memref<10240x16xf32, #tpu.memory_space<vmem_shared>>, %arg15: memref<!tpu.dma_semaphore, #tpu.memory_space<semaphore_mem>>, %arg16: memref<!tpu.dma_semaphore, #tpu.memory_space<semaphore_mem>>, %arg17: memref<!tpu.dma_semaphore, #tpu.memory_space<semaphore_mem>>, %arg18: memref<!tpu.dma_semaphore, #tpu.memory_space<semaphore_mem>>, %arg19: memref<!tpu.dma_semaphore, #tpu.memory_space<semaphore_mem>>, %arg20: memref<!tpu.dma_semaphore, #tpu.memory_space<semaphore_mem>>, %arg21: memref<!tpu.dma_semaphore, #tpu.memory_space<semaphore_mem>>, %arg22: memref<!tpu.dma_semaphore, #tpu.memory_space<semaphore_mem>>, %arg23: memref<!tpu.dma_semaphore, #tpu.memory_space<semaphore_mem>>, %arg24: memref<!tpu.dma_semaphore, #tpu.memory_space<semaphore_mem>>, %arg25: memref<!tpu.dma_semaphore, #tpu.memory_space<semaphore_mem>>) attributes {dimension_semantics = [#tpu.dimension_semantics<core_parallel>, #tpu.dimension_semantics<subcore_parallel>], iteration_bounds = array<i64: 2, 16>, scalar_prefetch = 0 : i64, scratch_operands = 19 : i64, tpu.core_type = #tpu.core_type<sc_vector_subcore>, window_params = [{transform_indices = #map}, {transform_indices = #map}, {transform_indices = #map}, {transform_indices = #map}, {transform_indices = #map1}]} {
    %mul3A = arith.constant 16 : i32
    %mul3A_0 = arith.muli %arg0, %mul3A : i32
    %add3A = arith.addi %mul3A_0, %arg1 : i32
    %mul3A_1 = arith.constant 640 : i32
    %mul3A_2 = arith.muli %arg1, %mul3A_1 : i32
    %mul3A_3 = arith.constant 10 : i32
    %mul3A_4 = arith.muli %add3A, %mul3A_3 : i32
    %dma_start3A = arith.constant 0 : i32
    %dma_start3A_5 = tpu.memref_slice %arg3[%mul3A_4, %dma_start3A] : memref<320x1024xi32, #tpu.memory_space<hbm>> -> memref<10x1024xi32, #tpu.memory_space<hbm>>
    %dma_start3A_6 = arith.constant 0 : i32
    %dma_start3A_7 = tpu.memref_slice %arg3[%mul3A_4, %dma_start3A_6] : memref<320x1024xi32, #tpu.memory_space<hbm>> -> memref<10x1024xi32, #tpu.memory_space<hbm>>
    tpu.enqueue_dma source(%dma_start3A_7 : memref<10x1024xi32, #tpu.memory_space<hbm>>) target(%arg7 : memref<10x1024xi32, #tpu.memory_space<vmem>>) target_semaphore(%arg23 : memref<!tpu.dma_semaphore, #tpu.memory_space<semaphore_mem>>)
    %mul3A_8 = arith.constant 10 : i32
    %mul3A_9 = arith.muli %add3A, %mul3A_8 : i32
    %dma_start3A_10 = arith.constant 0 : i32
    %dma_start3A_11 = tpu.memref_slice %arg4[%mul3A_9, %dma_start3A_10] : memref<320x1024xi32, #tpu.memory_space<hbm>> -> memref<10x1024xi32, #tpu.memory_space<hbm>>
    %dma_start3A_12 = arith.constant 0 : i32
    %dma_start3A_13 = tpu.memref_slice %arg4[%mul3A_9, %dma_start3A_12] : memref<320x1024xi32, #tpu.memory_space<hbm>> -> memref<10x1024xi32, #tpu.memory_space<hbm>>
    tpu.enqueue_dma source(%dma_start3A_13 : memref<10x1024xi32, #tpu.memory_space<hbm>>) target(%arg8 : memref<10x1024xi32, #tpu.memory_space<vmem>>) target_semaphore(%arg23 : memref<!tpu.dma_semaphore, #tpu.memory_space<semaphore_mem>>)
    %lt3A = arith.constant 15 : i32
    %lt3A_14 = arith.cmpi slt, %arg1, %lt3A : i32
    %convert_element_type3A = arith.extui %lt3A_14 : i1 to i32
    %cond3A = arith.constant 0 : i32
    %cond3A_15 = arith.cmpi ne, %convert_element_type3A, %cond3A : i32
    scf.if %cond3A_15 {
      %dma_start3A_342 = arith.constant 0 : i32
      %dma_start3A_343 = tpu.memref_slice %arg14[%mul3A_2, %dma_start3A_342] : memref<10240x16xf32, #tpu.memory_space<vmem_shared>> -> memref<640x16xf32, #tpu.memory_space<vmem_shared>>
      %dma_start3A_344 = arith.constant 0 : i32
      %dma_start3A_345 = tpu.memref_slice %arg2[%mul3A_2, %dma_start3A_344] : memref<10000x16xf32, #tpu.memory_space<hbm>> -> memref<640x16xf32, #tpu.memory_space<hbm>>
      tpu.enqueue_dma source(%dma_start3A_345 : memref<640x16xf32, #tpu.memory_space<hbm>>) target(%dma_start3A_343 : memref<640x16xf32, #tpu.memory_space<vmem_shared>>) target_semaphore(%arg24 : memref<!tpu.dma_semaphore, #tpu.memory_space<semaphore_mem>>)
    } else {
    }
    %eq3A = arith.constant 15 : i32
    %eq3A_16 = arith.cmpi eq, %arg1, %eq3A : i32
    %convert_element_type3A_17 = arith.extui %eq3A_16 : i1 to i32
    %cond3A_18 = arith.constant 0 : i32
    %cond3A_19 = arith.cmpi ne, %convert_element_type3A_17, %cond3A_18 : i32
    scf.if %cond3A_19 {
      %dma_start3A_342 = arith.constant 0 : i32
      %dma_start3A_343 = tpu.memref_slice %arg14[%mul3A_2, %dma_start3A_342] : memref<10240x16xf32, #tpu.memory_space<vmem_shared>> -> memref<400x16xf32, #tpu.memory_space<vmem_shared>>
      %dma_start3A_344 = arith.constant 0 : i32
      %dma_start3A_345 = tpu.memref_slice %arg2[%mul3A_2, %dma_start3A_344] : memref<10000x16xf32, #tpu.memory_space<hbm>> -> memref<400x16xf32, #tpu.memory_space<hbm>>
      tpu.enqueue_dma source(%dma_start3A_345 : memref<400x16xf32, #tpu.memory_space<hbm>>) target(%dma_start3A_343 : memref<400x16xf32, #tpu.memory_space<vmem_shared>>) target_semaphore(%arg24 : memref<!tpu.dma_semaphore, #tpu.memory_space<semaphore_mem>>)
      %dma_start3A_346 = arith.constant 10000 : i32
      %dma_start3A_347 = arith.constant 0 : i32
      %dma_start3A_348 = tpu.memref_slice %arg14[%dma_start3A_346, %dma_start3A_347] : memref<10240x16xf32, #tpu.memory_space<vmem_shared>> -> memref<240x16xf32, #tpu.memory_space<vmem_shared>>
      %dma_start3A_349 = arith.constant 0 : i32
      %dma_start3A_350 = arith.constant 0 : i32
      %dma_start3A_351 = tpu.memref_slice %arg5[%dma_start3A_349, %dma_start3A_350] : memref<10240x16xf32, #tpu.memory_space<hbm>> -> memref<240x16xf32, #tpu.memory_space<hbm>>
      tpu.enqueue_dma source(%dma_start3A_351 : memref<240x16xf32, #tpu.memory_space<hbm>>) target(%dma_start3A_348 : memref<240x16xf32, #tpu.memory_space<vmem_shared>>) target_semaphore(%arg24 : memref<!tpu.dma_semaphore, #tpu.memory_space<semaphore_mem>>)
    } else {
    }
    %eq3A_20 = arith.constant 0 : i32
    %eq3A_21 = arith.cmpi eq, %arg0, %eq3A_20 : i32
    %lt3A_22 = arith.constant 15 : i32
    %lt3A_23 = arith.cmpi slt, %arg1, %lt3A_22 : i32
    %and3A = arith.andi %eq3A_21, %lt3A_23 : i1
    %convert_element_type3A_24 = arith.extui %and3A : i1 to i32
    %cond3A_25 = arith.constant 0 : i32
    %cond3A_26 = arith.cmpi ne, %convert_element_type3A_24, %cond3A_25 : i32
    scf.if %cond3A_26 {
      %dma_start3A_342 = arith.constant 0 : i32
      %dma_start3A_343 = tpu.memref_slice %arg13[%mul3A_2, %dma_start3A_342] : memref<10240x16xf32, #tpu.memory_space<vmem_shared>> -> memref<640x16xf32, #tpu.memory_space<vmem_shared>>
      %dma_start3A_344 = arith.constant 0 : i32
      %dma_start3A_345 = tpu.memref_slice %arg2[%mul3A_2, %dma_start3A_344] : memref<10000x16xf32, #tpu.memory_space<hbm>> -> memref<640x16xf32, #tpu.memory_space<hbm>>
      tpu.enqueue_dma source(%dma_start3A_345 : memref<640x16xf32, #tpu.memory_space<hbm>>) target(%dma_start3A_343 : memref<640x16xf32, #tpu.memory_space<vmem_shared>>) target_semaphore(%arg25 : memref<!tpu.dma_semaphore, #tpu.memory_space<semaphore_mem>>)
    } else {
    }
    %eq3A_27 = arith.constant 0 : i32
    %eq3A_28 = arith.cmpi eq, %arg0, %eq3A_27 : i32
    %eq3A_29 = arith.constant 15 : i32
    %eq3A_30 = arith.cmpi eq, %arg1, %eq3A_29 : i32
    %and3A_31 = arith.andi %eq3A_28, %eq3A_30 : i1
    %convert_element_type3A_32 = arith.extui %and3A_31 : i1 to i32
    %cond3A_33 = arith.constant 0 : i32
    %cond3A_34 = arith.cmpi ne, %convert_element_type3A_32, %cond3A_33 : i32
    scf.if %cond3A_34 {
      %dma_start3A_342 = arith.constant 0 : i32
      %dma_start3A_343 = tpu.memref_slice %arg13[%mul3A_2, %dma_start3A_342] : memref<10240x16xf32, #tpu.memory_space<vmem_shared>> -> memref<400x16xf32, #tpu.memory_space<vmem_shared>>
      %dma_start3A_344 = arith.constant 0 : i32
      %dma_start3A_345 = tpu.memref_slice %arg2[%mul3A_2, %dma_start3A_344] : memref<10000x16xf32, #tpu.memory_space<hbm>> -> memref<400x16xf32, #tpu.memory_space<hbm>>
      tpu.enqueue_dma source(%dma_start3A_345 : memref<400x16xf32, #tpu.memory_space<hbm>>) target(%dma_start3A_343 : memref<400x16xf32, #tpu.memory_space<vmem_shared>>) target_semaphore(%arg25 : memref<!tpu.dma_semaphore, #tpu.memory_space<semaphore_mem>>)
      %dma_start3A_346 = arith.constant 10000 : i32
      %dma_start3A_347 = arith.constant 0 : i32
      %dma_start3A_348 = tpu.memref_slice %arg13[%dma_start3A_346, %dma_start3A_347] : memref<10240x16xf32, #tpu.memory_space<vmem_shared>> -> memref<240x16xf32, #tpu.memory_space<vmem_shared>>
      %dma_start3A_349 = arith.constant 0 : i32
      %dma_start3A_350 = arith.constant 0 : i32
      %dma_start3A_351 = tpu.memref_slice %arg5[%dma_start3A_349, %dma_start3A_350] : memref<10240x16xf32, #tpu.memory_space<hbm>> -> memref<240x16xf32, #tpu.memory_space<hbm>>
      tpu.enqueue_dma source(%dma_start3A_351 : memref<240x16xf32, #tpu.memory_space<hbm>>) target(%dma_start3A_348 : memref<240x16xf32, #tpu.memory_space<vmem_shared>>) target_semaphore(%arg25 : memref<!tpu.dma_semaphore, #tpu.memory_space<semaphore_mem>>)
    } else {
    }
    %eq3A_35 = arith.constant 1 : i32
    %eq3A_36 = arith.cmpi eq, %arg0, %eq3A_35 : i32
    %convert_element_type3A_37 = arith.extui %eq3A_36 : i1 to i32
    %cond3A_38 = arith.constant 0 : i32
    %cond3A_39 = arith.cmpi ne, %convert_element_type3A_37, %cond3A_38 : i32
    scf.if %cond3A_39 {
      %dma_start3A_342 = arith.constant 0 : i32
      %dma_start3A_343 = tpu.memref_slice %arg13[%mul3A_2, %dma_start3A_342] : memref<10240x16xf32, #tpu.memory_space<vmem_shared>> -> memref<640x16xf32, #tpu.memory_space<vmem_shared>>
      %dma_start3A_344 = arith.constant 0 : i32
      %dma_start3A_345 = tpu.memref_slice %arg5[%mul3A_2, %dma_start3A_344] : memref<10240x16xf32, #tpu.memory_space<hbm>> -> memref<640x16xf32, #tpu.memory_space<hbm>>
      tpu.enqueue_dma source(%dma_start3A_345 : memref<640x16xf32, #tpu.memory_space<hbm>>) target(%dma_start3A_343 : memref<640x16xf32, #tpu.memory_space<vmem_shared>>) target_semaphore(%arg25 : memref<!tpu.dma_semaphore, #tpu.memory_space<semaphore_mem>>)
    } else {
    }
    %dma_wait3A = arith.constant 0 : i32
    %dma_wait3A_40 = tpu.memref_slice %arg3[%mul3A_4, %dma_wait3A] : memref<320x1024xi32, #tpu.memory_space<hbm>> -> memref<10x1024xi32, #tpu.memory_space<hbm>>
    %dma_wait3A_41 = arith.constant 0 : i32
    %dma_wait3A_42 = tpu.memref_slice %arg3[%mul3A_4, %dma_wait3A_41] : memref<320x1024xi32, #tpu.memory_space<hbm>> -> memref<10x1024xi32, #tpu.memory_space<hbm>>
    tpu.wait_dma2 semaphore(%arg23 : memref<!tpu.dma_semaphore, #tpu.memory_space<semaphore_mem>>) src(%dma_wait3A_42 : memref<10x1024xi32, #tpu.memory_space<hbm>>) dst(%arg7 : memref<10x1024xi32, #tpu.memory_space<vmem>>)
    %dma_wait3A_43 = arith.constant 0 : i32
    %dma_wait3A_44 = tpu.memref_slice %arg4[%mul3A_9, %dma_wait3A_43] : memref<320x1024xi32, #tpu.memory_space<hbm>> -> memref<10x1024xi32, #tpu.memory_space<hbm>>
    %dma_wait3A_45 = arith.constant 0 : i32
    %dma_wait3A_46 = tpu.memref_slice %arg4[%mul3A_9, %dma_wait3A_45] : memref<320x1024xi32, #tpu.memory_space<hbm>> -> memref<10x1024xi32, #tpu.memory_space<hbm>>
    tpu.wait_dma2 semaphore(%arg23 : memref<!tpu.dma_semaphore, #tpu.memory_space<semaphore_mem>>) src(%dma_wait3A_46 : memref<10x1024xi32, #tpu.memory_space<hbm>>) dst(%arg8 : memref<10x1024xi32, #tpu.memory_space<vmem>>)
    %dma_wait3A_47 = arith.constant 0 : i32
    %dma_wait3A_48 = tpu.memref_slice %arg14[%mul3A_2, %dma_wait3A_47] : memref<10240x16xf32, #tpu.memory_space<vmem_shared>> -> memref<640x16xf32, #tpu.memory_space<vmem_shared>>
    %dma_wait3A_49 = arith.constant 0 : i32
    %dma_wait3A_50 = arith.constant 0 : i32
    %dma_wait3A_51 = tpu.memref_slice %arg5[%dma_wait3A_49, %dma_wait3A_50] : memref<10240x16xf32, #tpu.memory_space<hbm>> -> memref<640x16xf32, #tpu.memory_space<hbm>>
    tpu.wait_dma2 semaphore(%arg24 : memref<!tpu.dma_semaphore, #tpu.memory_space<semaphore_mem>>) src(%dma_wait3A_51 : memref<640x16xf32, #tpu.memory_space<hbm>>) dst(%dma_wait3A_48 : memref<640x16xf32, #tpu.memory_space<vmem_shared>>)
    %dma_wait3A_52 = arith.constant 0 : i32
    %dma_wait3A_53 = tpu.memref_slice %arg13[%mul3A_2, %dma_wait3A_52] : memref<10240x16xf32, #tpu.memory_space<vmem_shared>> -> memref<640x16xf32, #tpu.memory_space<vmem_shared>>
    %dma_wait3A_54 = arith.constant 0 : i32
    %dma_wait3A_55 = arith.constant 0 : i32
    %dma_wait3A_56 = tpu.memref_slice %arg5[%dma_wait3A_54, %dma_wait3A_55] : memref<10240x16xf32, #tpu.memory_space<hbm>> -> memref<640x16xf32, #tpu.memory_space<hbm>>
    tpu.wait_dma2 semaphore(%arg25 : memref<!tpu.dma_semaphore, #tpu.memory_space<semaphore_mem>>) src(%dma_wait3A_56 : memref<640x16xf32, #tpu.memory_space<hbm>>) dst(%dma_wait3A_53 : memref<640x16xf32, #tpu.memory_space<vmem_shared>>)
    %barrier3A = arith.constant 0 : index
    tpu.barrier barrier_id(%barrier3A)
    %dma_start3A_57 = arith.constant 0 : i32
    %dma_start3A_58 = arith.constant 0 : i32
    %dma_start3A_59 = tpu.memref_slice %arg7[%dma_start3A_57, %dma_start3A_58] : memref<10x1024xi32, #tpu.memory_space<vmem>> -> memref<1x1024xi32, #tpu.memory_space<vmem>>
    %dma_start3A_60 = tpu.memref_squeeze %dma_start3A_59 : memref<1x1024xi32, #tpu.memory_space<vmem>> -> memref<1024xi32, #tpu.memory_space<vmem>>
    %dma_start3A_61 = arith.constant 0 : i32
    %dma_start3A_62 = arith.constant 0 : i32
    %dma_start3A_63 = tpu.memref_slice %arg14[%dma_start3A_61, %dma_start3A_62] : memref<10240x16xf32, #tpu.memory_space<vmem_shared>> -> memref<10240x16xf32, #tpu.memory_space<vmem_shared>>
    tpu.enqueue_indirect_dma source(%dma_start3A_63 : memref<10240x16xf32, #tpu.memory_space<vmem_shared>>) target(%arg9 : memref<1024x16xf32, #tpu.memory_space<vmem>>) offsets(%dma_start3A_60 : memref<1024xi32, #tpu.memory_space<vmem>>) semaphore(%arg15 : memref<!tpu.dma_semaphore, #tpu.memory_space<semaphore_mem>>)
    %dma_start3A_64 = arith.constant 1 : i32
    %dma_start3A_65 = arith.constant 0 : i32
    %dma_start3A_66 = tpu.memref_slice %arg7[%dma_start3A_64, %dma_start3A_65] : memref<10x1024xi32, #tpu.memory_space<vmem>> -> memref<1x1024xi32, #tpu.memory_space<vmem>>
    %dma_start3A_67 = tpu.memref_squeeze %dma_start3A_66 : memref<1x1024xi32, #tpu.memory_space<vmem>> -> memref<1024xi32, #tpu.memory_space<vmem>>
    %dma_start3A_68 = arith.constant 0 : i32
    %dma_start3A_69 = arith.constant 0 : i32
    %dma_start3A_70 = tpu.memref_slice %arg14[%dma_start3A_68, %dma_start3A_69] : memref<10240x16xf32, #tpu.memory_space<vmem_shared>> -> memref<10240x16xf32, #tpu.memory_space<vmem_shared>>
    tpu.enqueue_indirect_dma source(%dma_start3A_70 : memref<10240x16xf32, #tpu.memory_space<vmem_shared>>) target(%arg10 : memref<1024x16xf32, #tpu.memory_space<vmem>>) offsets(%dma_start3A_67 : memref<1024xi32, #tpu.memory_space<vmem>>) semaphore(%arg16 : memref<!tpu.dma_semaphore, #tpu.memory_space<semaphore_mem>>)
    %dma_wait3A_71 = arith.constant 0 : i32
    %dma_wait3A_72 = arith.constant 0 : i32
    %dma_wait3A_73 = tpu.memref_slice %arg7[%dma_wait3A_71, %dma_wait3A_72] : memref<10x1024xi32, #tpu.memory_space<vmem>> -> memref<1x1024xi32, #tpu.memory_space<vmem>>
    %dma_wait3A_74 = tpu.memref_squeeze %dma_wait3A_73 : memref<1x1024xi32, #tpu.memory_space<vmem>> -> memref<1024xi32, #tpu.memory_space<vmem>>
    %dma_wait3A_75 = arith.constant 0 : i32
    %dma_wait3A_76 = arith.constant 0 : i32
    %dma_wait3A_77 = tpu.memref_slice %arg14[%dma_wait3A_75, %dma_wait3A_76] : memref<10240x16xf32, #tpu.memory_space<vmem_shared>> -> memref<10240x16xf32, #tpu.memory_space<vmem_shared>>
    tpu.wait_indirect_dma semaphore(%arg15 : memref<!tpu.dma_semaphore, #tpu.memory_space<semaphore_mem>>) src(%dma_wait3A_77 : memref<10240x16xf32, #tpu.memory_space<vmem_shared>>) dst(%arg9 : memref<1024x16xf32, #tpu.memory_space<vmem>>)
    %dma_start3A_78 = arith.constant 0 : i32
    %dma_start3A_79 = arith.constant 0 : i32
    %dma_start3A_80 = tpu.memref_slice %arg8[%dma_start3A_78, %dma_start3A_79] : memref<10x1024xi32, #tpu.memory_space<vmem>> -> memref<1x1024xi32, #tpu.memory_space<vmem>>
    %dma_start3A_81 = tpu.memref_squeeze %dma_start3A_80 : memref<1x1024xi32, #tpu.memory_space<vmem>> -> memref<1024xi32, #tpu.memory_space<vmem>>
    %dma_start3A_82 = arith.constant 0 : i32
    %dma_start3A_83 = arith.constant 0 : i32
    %dma_start3A_84 = tpu.memref_slice %arg13[%dma_start3A_82, %dma_start3A_83] : memref<10240x16xf32, #tpu.memory_space<vmem_shared>> -> memref<10240x16xf32, #tpu.memory_space<vmem_shared>>
    tpu.enqueue_indirect_dma source(%arg9 : memref<1024x16xf32, #tpu.memory_space<vmem>>) target(%dma_start3A_84 : memref<10240x16xf32, #tpu.memory_space<vmem_shared>>) offsets(%dma_start3A_81 : memref<1024xi32, #tpu.memory_space<vmem>>) semaphore(%arg19 : memref<!tpu.dma_semaphore, #tpu.memory_space<semaphore_mem>>) {add = true}
    %dma_start3A_85 = arith.constant 2 : i32
    %dma_start3A_86 = arith.constant 0 : i32
    %dma_start3A_87 = tpu.memref_slice %arg7[%dma_start3A_85, %dma_start3A_86] : memref<10x1024xi32, #tpu.memory_space<vmem>> -> memref<1x1024xi32, #tpu.memory_space<vmem>>
    %dma_start3A_88 = tpu.memref_squeeze %dma_start3A_87 : memref<1x1024xi32, #tpu.memory_space<vmem>> -> memref<1024xi32, #tpu.memory_space<vmem>>
    %dma_start3A_89 = arith.constant 0 : i32
    %dma_start3A_90 = arith.constant 0 : i32
    %dma_start3A_91 = tpu.memref_slice %arg14[%dma_start3A_89, %dma_start3A_90] : memref<10240x16xf32, #tpu.memory_space<vmem_shared>> -> memref<10240x16xf32, #tpu.memory_space<vmem_shared>>
    tpu.enqueue_indirect_dma source(%dma_start3A_91 : memref<10240x16xf32, #tpu.memory_space<vmem_shared>>) target(%arg11 : memref<1024x16xf32, #tpu.memory_space<vmem>>) offsets(%dma_start3A_88 : memref<1024xi32, #tpu.memory_space<vmem>>) semaphore(%arg17 : memref<!tpu.dma_semaphore, #tpu.memory_space<semaphore_mem>>)
    %dma_wait3A_92 = arith.constant 1 : i32
    %dma_wait3A_93 = arith.constant 0 : i32
    %dma_wait3A_94 = tpu.memref_slice %arg7[%dma_wait3A_92, %dma_wait3A_93] : memref<10x1024xi32, #tpu.memory_space<vmem>> -> memref<1x1024xi32, #tpu.memory_space<vmem>>
    %dma_wait3A_95 = tpu.memref_squeeze %dma_wait3A_94 : memref<1x1024xi32, #tpu.memory_space<vmem>> -> memref<1024xi32, #tpu.memory_space<vmem>>
    %dma_wait3A_96 = arith.constant 0 : i32
    %dma_wait3A_97 = arith.constant 0 : i32
    %dma_wait3A_98 = tpu.memref_slice %arg14[%dma_wait3A_96, %dma_wait3A_97] : memref<10240x16xf32, #tpu.memory_space<vmem_shared>> -> memref<10240x16xf32, #tpu.memory_space<vmem_shared>>
    tpu.wait_indirect_dma semaphore(%arg16 : memref<!tpu.dma_semaphore, #tpu.memory_space<semaphore_mem>>) src(%dma_wait3A_98 : memref<10240x16xf32, #tpu.memory_space<vmem_shared>>) dst(%arg10 : memref<1024x16xf32, #tpu.memory_space<vmem>>)
    %dma_start3A_99 = arith.constant 1 : i32
    %dma_start3A_100 = arith.constant 0 : i32
    %dma_start3A_101 = tpu.memref_slice %arg8[%dma_start3A_99, %dma_start3A_100] : memref<10x1024xi32, #tpu.memory_space<vmem>> -> memref<1x1024xi32, #tpu.memory_space<vmem>>
    %dma_start3A_102 = tpu.memref_squeeze %dma_start3A_101 : memref<1x1024xi32, #tpu.memory_space<vmem>> -> memref<1024xi32, #tpu.memory_space<vmem>>
    %dma_start3A_103 = arith.constant 0 : i32
    %dma_start3A_104 = arith.constant 0 : i32
    %dma_start3A_105 = tpu.memref_slice %arg13[%dma_start3A_103, %dma_start3A_104] : memref<10240x16xf32, #tpu.memory_space<vmem_shared>> -> memref<10240x16xf32, #tpu.memory_space<vmem_shared>>
    tpu.enqueue_indirect_dma source(%arg10 : memref<1024x16xf32, #tpu.memory_space<vmem>>) target(%dma_start3A_105 : memref<10240x16xf32, #tpu.memory_space<vmem_shared>>) offsets(%dma_start3A_102 : memref<1024xi32, #tpu.memory_space<vmem>>) semaphore(%arg20 : memref<!tpu.dma_semaphore, #tpu.memory_space<semaphore_mem>>) {add = true}
    %dma_start3A_106 = arith.constant 3 : i32
    %dma_start3A_107 = arith.constant 0 : i32
    %dma_start3A_108 = tpu.memref_slice %arg7[%dma_start3A_106, %dma_start3A_107] : memref<10x1024xi32, #tpu.memory_space<vmem>> -> memref<1x1024xi32, #tpu.memory_space<vmem>>
    %dma_start3A_109 = tpu.memref_squeeze %dma_start3A_108 : memref<1x1024xi32, #tpu.memory_space<vmem>> -> memref<1024xi32, #tpu.memory_space<vmem>>
    %dma_start3A_110 = arith.constant 0 : i32
    %dma_start3A_111 = arith.constant 0 : i32
    %dma_start3A_112 = tpu.memref_slice %arg14[%dma_start3A_110, %dma_start3A_111] : memref<10240x16xf32, #tpu.memory_space<vmem_shared>> -> memref<10240x16xf32, #tpu.memory_space<vmem_shared>>
    tpu.enqueue_indirect_dma source(%dma_start3A_112 : memref<10240x16xf32, #tpu.memory_space<vmem_shared>>) target(%arg12 : memref<1024x16xf32, #tpu.memory_space<vmem>>) offsets(%dma_start3A_109 : memref<1024xi32, #tpu.memory_space<vmem>>) semaphore(%arg18 : memref<!tpu.dma_semaphore, #tpu.memory_space<semaphore_mem>>)
    %dma_wait3A_113 = arith.constant 2 : i32
    %dma_wait3A_114 = arith.constant 0 : i32
    %dma_wait3A_115 = tpu.memref_slice %arg7[%dma_wait3A_113, %dma_wait3A_114] : memref<10x1024xi32, #tpu.memory_space<vmem>> -> memref<1x1024xi32, #tpu.memory_space<vmem>>
    %dma_wait3A_116 = tpu.memref_squeeze %dma_wait3A_115 : memref<1x1024xi32, #tpu.memory_space<vmem>> -> memref<1024xi32, #tpu.memory_space<vmem>>
    %dma_wait3A_117 = arith.constant 0 : i32
    %dma_wait3A_118 = arith.constant 0 : i32
    %dma_wait3A_119 = tpu.memref_slice %arg14[%dma_wait3A_117, %dma_wait3A_118] : memref<10240x16xf32, #tpu.memory_space<vmem_shared>> -> memref<10240x16xf32, #tpu.memory_space<vmem_shared>>
    tpu.wait_indirect_dma semaphore(%arg17 : memref<!tpu.dma_semaphore, #tpu.memory_space<semaphore_mem>>) src(%dma_wait3A_119 : memref<10240x16xf32, #tpu.memory_space<vmem_shared>>) dst(%arg11 : memref<1024x16xf32, #tpu.memory_space<vmem>>)
    %dma_start3A_120 = arith.constant 2 : i32
    %dma_start3A_121 = arith.constant 0 : i32
    %dma_start3A_122 = tpu.memref_slice %arg8[%dma_start3A_120, %dma_start3A_121] : memref<10x1024xi32, #tpu.memory_space<vmem>> -> memref<1x1024xi32, #tpu.memory_space<vmem>>
    %dma_start3A_123 = tpu.memref_squeeze %dma_start3A_122 : memref<1x1024xi32, #tpu.memory_space<vmem>> -> memref<1024xi32, #tpu.memory_space<vmem>>
    %dma_start3A_124 = arith.constant 0 : i32
    %dma_start3A_125 = arith.constant 0 : i32
    %dma_start3A_126 = tpu.memref_slice %arg13[%dma_start3A_124, %dma_start3A_125] : memref<10240x16xf32, #tpu.memory_space<vmem_shared>> -> memref<10240x16xf32, #tpu.memory_space<vmem_shared>>
    tpu.enqueue_indirect_dma source(%arg11 : memref<1024x16xf32, #tpu.memory_space<vmem>>) target(%dma_start3A_126 : memref<10240x16xf32, #tpu.memory_space<vmem_shared>>) offsets(%dma_start3A_123 : memref<1024xi32, #tpu.memory_space<vmem>>) semaphore(%arg21 : memref<!tpu.dma_semaphore, #tpu.memory_space<semaphore_mem>>) {add = true}
    %dma_wait3A_127 = arith.constant 0 : i32
    %dma_wait3A_128 = arith.constant 0 : i32
    %dma_wait3A_129 = tpu.memref_slice %arg8[%dma_wait3A_127, %dma_wait3A_128] : memref<10x1024xi32, #tpu.memory_space<vmem>> -> memref<1x1024xi32, #tpu.memory_space<vmem>>
    %dma_wait3A_130 = tpu.memref_squeeze %dma_wait3A_129 : memref<1x1024xi32, #tpu.memory_space<vmem>> -> memref<1024xi32, #tpu.memory_space<vmem>>
    %dma_wait3A_131 = arith.constant 0 : i32
    %dma_wait3A_132 = arith.constant 0 : i32
    %dma_wait3A_133 = tpu.memref_slice %arg13[%dma_wait3A_131, %dma_wait3A_132] : memref<10240x16xf32, #tpu.memory_space<vmem_shared>> -> memref<10240x16xf32, #tpu.memory_space<vmem_shared>>
    tpu.wait_indirect_dma semaphore(%arg19 : memref<!tpu.dma_semaphore, #tpu.memory_space<semaphore_mem>>) src(%arg9 : memref<1024x16xf32, #tpu.memory_space<vmem>>) dst(%dma_wait3A_133 : memref<10240x16xf32, #tpu.memory_space<vmem_shared>>)
    %dma_start3A_134 = arith.constant 4 : i32
    %dma_start3A_135 = arith.constant 0 : i32
    %dma_start3A_136 = tpu.memref_slice %arg7[%dma_start3A_134, %dma_start3A_135] : memref<10x1024xi32, #tpu.memory_space<vmem>> -> memref<1x1024xi32, #tpu.memory_space<vmem>>
    %dma_start3A_137 = tpu.memref_squeeze %dma_start3A_136 : memref<1x1024xi32, #tpu.memory_space<vmem>> -> memref<1024xi32, #tpu.memory_space<vmem>>
    %dma_start3A_138 = arith.constant 0 : i32
    %dma_start3A_139 = arith.constant 0 : i32
    %dma_start3A_140 = tpu.memref_slice %arg14[%dma_start3A_138, %dma_start3A_139] : memref<10240x16xf32, #tpu.memory_space<vmem_shared>> -> memref<10240x16xf32, #tpu.memory_space<vmem_shared>>
    tpu.enqueue_indirect_dma source(%dma_start3A_140 : memref<10240x16xf32, #tpu.memory_space<vmem_shared>>) target(%arg9 : memref<1024x16xf32, #tpu.memory_space<vmem>>) offsets(%dma_start3A_137 : memref<1024xi32, #tpu.memory_space<vmem>>) semaphore(%arg15 : memref<!tpu.dma_semaphore, #tpu.memory_space<semaphore_mem>>)
    %dma_wait3A_141 = arith.constant 3 : i32
    %dma_wait3A_142 = arith.constant 0 : i32
    %dma_wait3A_143 = tpu.memref_slice %arg7[%dma_wait3A_141, %dma_wait3A_142] : memref<10x1024xi32, #tpu.memory_space<vmem>> -> memref<1x1024xi32, #tpu.memory_space<vmem>>
    %dma_wait3A_144 = tpu.memref_squeeze %dma_wait3A_143 : memref<1x1024xi32, #tpu.memory_space<vmem>> -> memref<1024xi32, #tpu.memory_space<vmem>>
    %dma_wait3A_145 = arith.constant 0 : i32
    %dma_wait3A_146 = arith.constant 0 : i32
    %dma_wait3A_147 = tpu.memref_slice %arg14[%dma_wait3A_145, %dma_wait3A_146] : memref<10240x16xf32, #tpu.memory_space<vmem_shared>> -> memref<10240x16xf32, #tpu.memory_space<vmem_shared>>
    tpu.wait_indirect_dma semaphore(%arg18 : memref<!tpu.dma_semaphore, #tpu.memory_space<semaphore_mem>>) src(%dma_wait3A_147 : memref<10240x16xf32, #tpu.memory_space<vmem_shared>>) dst(%arg12 : memref<1024x16xf32, #tpu.memory_space<vmem>>)
    %dma_start3A_148 = arith.constant 3 : i32
    %dma_start3A_149 = arith.constant 0 : i32
    %dma_start3A_150 = tpu.memref_slice %arg8[%dma_start3A_148, %dma_start3A_149] : memref<10x1024xi32, #tpu.memory_space<vmem>> -> memref<1x1024xi32, #tpu.memory_space<vmem>>
    %dma_start3A_151 = tpu.memref_squeeze %dma_start3A_150 : memref<1x1024xi32, #tpu.memory_space<vmem>> -> memref<1024xi32, #tpu.memory_space<vmem>>
    %dma_start3A_152 = arith.constant 0 : i32
    %dma_start3A_153 = arith.constant 0 : i32
    %dma_start3A_154 = tpu.memref_slice %arg13[%dma_start3A_152, %dma_start3A_153] : memref<10240x16xf32, #tpu.memory_space<vmem_shared>> -> memref<10240x16xf32, #tpu.memory_space<vmem_shared>>
    tpu.enqueue_indirect_dma source(%arg12 : memref<1024x16xf32, #tpu.memory_space<vmem>>) target(%dma_start3A_154 : memref<10240x16xf32, #tpu.memory_space<vmem_shared>>) offsets(%dma_start3A_151 : memref<1024xi32, #tpu.memory_space<vmem>>) semaphore(%arg22 : memref<!tpu.dma_semaphore, #tpu.memory_space<semaphore_mem>>) {add = true}
    %dma_wait3A_155 = arith.constant 1 : i32
    %dma_wait3A_156 = arith.constant 0 : i32
    %dma_wait3A_157 = tpu.memref_slice %arg8[%dma_wait3A_155, %dma_wait3A_156] : memref<10x1024xi32, #tpu.memory_space<vmem>> -> memref<1x1024xi32, #tpu.memory_space<vmem>>
    %dma_wait3A_158 = tpu.memref_squeeze %dma_wait3A_157 : memref<1x1024xi32, #tpu.memory_space<vmem>> -> memref<1024xi32, #tpu.memory_space<vmem>>
    %dma_wait3A_159 = arith.constant 0 : i32
    %dma_wait3A_160 = arith.constant 0 : i32
    %dma_wait3A_161 = tpu.memref_slice %arg13[%dma_wait3A_159, %dma_wait3A_160] : memref<10240x16xf32, #tpu.memory_space<vmem_shared>> -> memref<10240x16xf32, #tpu.memory_space<vmem_shared>>
    tpu.wait_indirect_dma semaphore(%arg20 : memref<!tpu.dma_semaphore, #tpu.memory_space<semaphore_mem>>) src(%arg10 : memref<1024x16xf32, #tpu.memory_space<vmem>>) dst(%dma_wait3A_161 : memref<10240x16xf32, #tpu.memory_space<vmem_shared>>)
    %dma_start3A_162 = arith.constant 5 : i32
    %dma_start3A_163 = arith.constant 0 : i32
    %dma_start3A_164 = tpu.memref_slice %arg7[%dma_start3A_162, %dma_start3A_163] : memref<10x1024xi32, #tpu.memory_space<vmem>> -> memref<1x1024xi32, #tpu.memory_space<vmem>>
    %dma_start3A_165 = tpu.memref_squeeze %dma_start3A_164 : memref<1x1024xi32, #tpu.memory_space<vmem>> -> memref<1024xi32, #tpu.memory_space<vmem>>
    %dma_start3A_166 = arith.constant 0 : i32
    %dma_start3A_167 = arith.constant 0 : i32
    %dma_start3A_168 = tpu.memref_slice %arg14[%dma_start3A_166, %dma_start3A_167] : memref<10240x16xf32, #tpu.memory_space<vmem_shared>> -> memref<10240x16xf32, #tpu.memory_space<vmem_shared>>
    tpu.enqueue_indirect_dma source(%dma_start3A_168 : memref<10240x16xf32, #tpu.memory_space<vmem_shared>>) target(%arg10 : memref<1024x16xf32, #tpu.memory_space<vmem>>) offsets(%dma_start3A_165 : memref<1024xi32, #tpu.memory_space<vmem>>) semaphore(%arg16 : memref<!tpu.dma_semaphore, #tpu.memory_space<semaphore_mem>>)
    %dma_wait3A_169 = arith.constant 4 : i32
    %dma_wait3A_170 = arith.constant 0 : i32
    %dma_wait3A_171 = tpu.memref_slice %arg7[%dma_wait3A_169, %dma_wait3A_170] : memref<10x1024xi32, #tpu.memory_space<vmem>> -> memref<1x1024xi32, #tpu.memory_space<vmem>>
    %dma_wait3A_172 = tpu.memref_squeeze %dma_wait3A_171 : memref<1x1024xi32, #tpu.memory_space<vmem>> -> memref<1024xi32, #tpu.memory_space<vmem>>
    %dma_wait3A_173 = arith.constant 0 : i32
    %dma_wait3A_174 = arith.constant 0 : i32
    %dma_wait3A_175 = tpu.memref_slice %arg14[%dma_wait3A_173, %dma_wait3A_174] : memref<10240x16xf32, #tpu.memory_space<vmem_shared>> -> memref<10240x16xf32, #tpu.memory_space<vmem_shared>>
    tpu.wait_indirect_dma semaphore(%arg15 : memref<!tpu.dma_semaphore, #tpu.memory_space<semaphore_mem>>) src(%dma_wait3A_175 : memref<10240x16xf32, #tpu.memory_space<vmem_shared>>) dst(%arg9 : memref<1024x16xf32, #tpu.memory_space<vmem>>)
    %dma_start3A_176 = arith.constant 4 : i32
    %dma_start3A_177 = arith.constant 0 : i32
    %dma_start3A_178 = tpu.memref_slice %arg8[%dma_start3A_176, %dma_start3A_177] : memref<10x1024xi32, #tpu.memory_space<vmem>> -> memref<1x1024xi32, #tpu.memory_space<vmem>>
    %dma_start3A_179 = tpu.memref_squeeze %dma_start3A_178 : memref<1x1024xi32, #tpu.memory_space<vmem>> -> memref<1024xi32, #tpu.memory_space<vmem>>
    %dma_start3A_180 = arith.constant 0 : i32
    %dma_start3A_181 = arith.constant 0 : i32
    %dma_start3A_182 = tpu.memref_slice %arg13[%dma_start3A_180, %dma_start3A_181] : memref<10240x16xf32, #tpu.memory_space<vmem_shared>> -> memref<10240x16xf32, #tpu.memory_space<vmem_shared>>
    tpu.enqueue_indirect_dma source(%arg9 : memref<1024x16xf32, #tpu.memory_space<vmem>>) target(%dma_start3A_182 : memref<10240x16xf32, #tpu.memory_space<vmem_shared>>) offsets(%dma_start3A_179 : memref<1024xi32, #tpu.memory_space<vmem>>) semaphore(%arg19 : memref<!tpu.dma_semaphore, #tpu.memory_space<semaphore_mem>>) {add = true}
    %dma_wait3A_183 = arith.constant 2 : i32
    %dma_wait3A_184 = arith.constant 0 : i32
    %dma_wait3A_185 = tpu.memref_slice %arg8[%dma_wait3A_183, %dma_wait3A_184] : memref<10x1024xi32, #tpu.memory_space<vmem>> -> memref<1x1024xi32, #tpu.memory_space<vmem>>
    %dma_wait3A_186 = tpu.memref_squeeze %dma_wait3A_185 : memref<1x1024xi32, #tpu.memory_space<vmem>> -> memref<1024xi32, #tpu.memory_space<vmem>>
    %dma_wait3A_187 = arith.constant 0 : i32
    %dma_wait3A_188 = arith.constant 0 : i32
    %dma_wait3A_189 = tpu.memref_slice %arg13[%dma_wait3A_187, %dma_wait3A_188] : memref<10240x16xf32, #tpu.memory_space<vmem_shared>> -> memref<10240x16xf32, #tpu.memory_space<vmem_shared>>
    tpu.wait_indirect_dma semaphore(%arg21 : memref<!tpu.dma_semaphore, #tpu.memory_space<semaphore_mem>>) src(%arg11 : memref<1024x16xf32, #tpu.memory_space<vmem>>) dst(%dma_wait3A_189 : memref<10240x16xf32, #tpu.memory_space<vmem_shared>>)
    %dma_start3A_190 = arith.constant 6 : i32
    %dma_start3A_191 = arith.constant 0 : i32
    %dma_start3A_192 = tpu.memref_slice %arg7[%dma_start3A_190, %dma_start3A_191] : memref<10x1024xi32, #tpu.memory_space<vmem>> -> memref<1x1024xi32, #tpu.memory_space<vmem>>
    %dma_start3A_193 = tpu.memref_squeeze %dma_start3A_192 : memref<1x1024xi32, #tpu.memory_space<vmem>> -> memref<1024xi32, #tpu.memory_space<vmem>>
    %dma_start3A_194 = arith.constant 0 : i32
    %dma_start3A_195 = arith.constant 0 : i32
    %dma_start3A_196 = tpu.memref_slice %arg14[%dma_start3A_194, %dma_start3A_195] : memref<10240x16xf32, #tpu.memory_space<vmem_shared>> -> memref<10240x16xf32, #tpu.memory_space<vmem_shared>>
    tpu.enqueue_indirect_dma source(%dma_start3A_196 : memref<10240x16xf32, #tpu.memory_space<vmem_shared>>) target(%arg11 : memref<1024x16xf32, #tpu.memory_space<vmem>>) offsets(%dma_start3A_193 : memref<1024xi32, #tpu.memory_space<vmem>>) semaphore(%arg17 : memref<!tpu.dma_semaphore, #tpu.memory_space<semaphore_mem>>)
    %dma_wait3A_197 = arith.constant 5 : i32
    %dma_wait3A_198 = arith.constant 0 : i32
    %dma_wait3A_199 = tpu.memref_slice %arg7[%dma_wait3A_197, %dma_wait3A_198] : memref<10x1024xi32, #tpu.memory_space<vmem>> -> memref<1x1024xi32, #tpu.memory_space<vmem>>
    %dma_wait3A_200 = tpu.memref_squeeze %dma_wait3A_199 : memref<1x1024xi32, #tpu.memory_space<vmem>> -> memref<1024xi32, #tpu.memory_space<vmem>>
    %dma_wait3A_201 = arith.constant 0 : i32
    %dma_wait3A_202 = arith.constant 0 : i32
    %dma_wait3A_203 = tpu.memref_slice %arg14[%dma_wait3A_201, %dma_wait3A_202] : memref<10240x16xf32, #tpu.memory_space<vmem_shared>> -> memref<10240x16xf32, #tpu.memory_space<vmem_shared>>
    tpu.wait_indirect_dma semaphore(%arg16 : memref<!tpu.dma_semaphore, #tpu.memory_space<semaphore_mem>>) src(%dma_wait3A_203 : memref<10240x16xf32, #tpu.memory_space<vmem_shared>>) dst(%arg10 : memref<1024x16xf32, #tpu.memory_space<vmem>>)
    %dma_start3A_204 = arith.constant 5 : i32
    %dma_start3A_205 = arith.constant 0 : i32
    %dma_start3A_206 = tpu.memref_slice %arg8[%dma_start3A_204, %dma_start3A_205] : memref<10x1024xi32, #tpu.memory_space<vmem>> -> memref<1x1024xi32, #tpu.memory_space<vmem>>
    %dma_start3A_207 = tpu.memref_squeeze %dma_start3A_206 : memref<1x1024xi32, #tpu.memory_space<vmem>> -> memref<1024xi32, #tpu.memory_space<vmem>>
    %dma_start3A_208 = arith.constant 0 : i32
    %dma_start3A_209 = arith.constant 0 : i32
    %dma_start3A_210 = tpu.memref_slice %arg13[%dma_start3A_208, %dma_start3A_209] : memref<10240x16xf32, #tpu.memory_space<vmem_shared>> -> memref<10240x16xf32, #tpu.memory_space<vmem_shared>>
    tpu.enqueue_indirect_dma source(%arg10 : memref<1024x16xf32, #tpu.memory_space<vmem>>) target(%dma_start3A_210 : memref<10240x16xf32, #tpu.memory_space<vmem_shared>>) offsets(%dma_start3A_207 : memref<1024xi32, #tpu.memory_space<vmem>>) semaphore(%arg20 : memref<!tpu.dma_semaphore, #tpu.memory_space<semaphore_mem>>) {add = true}
    %dma_wait3A_211 = arith.constant 3 : i32
    %dma_wait3A_212 = arith.constant 0 : i32
    %dma_wait3A_213 = tpu.memref_slice %arg8[%dma_wait3A_211, %dma_wait3A_212] : memref<10x1024xi32, #tpu.memory_space<vmem>> -> memref<1x1024xi32, #tpu.memory_space<vmem>>
    %dma_wait3A_214 = tpu.memref_squeeze %dma_wait3A_213 : memref<1x1024xi32, #tpu.memory_space<vmem>> -> memref<1024xi32, #tpu.memory_space<vmem>>
    %dma_wait3A_215 = arith.constant 0 : i32
    %dma_wait3A_216 = arith.constant 0 : i32
    %dma_wait3A_217 = tpu.memref_slice %arg13[%dma_wait3A_215, %dma_wait3A_216] : memref<10240x16xf32, #tpu.memory_space<vmem_shared>> -> memref<10240x16xf32, #tpu.memory_space<vmem_shared>>
    tpu.wait_indirect_dma semaphore(%arg22 : memref<!tpu.dma_semaphore, #tpu.memory_space<semaphore_mem>>) src(%arg12 : memref<1024x16xf32, #tpu.memory_space<vmem>>) dst(%dma_wait3A_217 : memref<10240x16xf32, #tpu.memory_space<vmem_shared>>)
    %dma_start3A_218 = arith.constant 7 : i32
    %dma_start3A_219 = arith.constant 0 : i32
    %dma_start3A_220 = tpu.memref_slice %arg7[%dma_start3A_218, %dma_start3A_219] : memref<10x1024xi32, #tpu.memory_space<vmem>> -> memref<1x1024xi32, #tpu.memory_space<vmem>>
    %dma_start3A_221 = tpu.memref_squeeze %dma_start3A_220 : memref<1x1024xi32, #tpu.memory_space<vmem>> -> memref<1024xi32, #tpu.memory_space<vmem>>
    %dma_start3A_222 = arith.constant 0 : i32
    %dma_start3A_223 = arith.constant 0 : i32
    %dma_start3A_224 = tpu.memref_slice %arg14[%dma_start3A_222, %dma_start3A_223] : memref<10240x16xf32, #tpu.memory_space<vmem_shared>> -> memref<10240x16xf32, #tpu.memory_space<vmem_shared>>
    tpu.enqueue_indirect_dma source(%dma_start3A_224 : memref<10240x16xf32, #tpu.memory_space<vmem_shared>>) target(%arg12 : memref<1024x16xf32, #tpu.memory_space<vmem>>) offsets(%dma_start3A_221 : memref<1024xi32, #tpu.memory_space<vmem>>) semaphore(%arg18 : memref<!tpu.dma_semaphore, #tpu.memory_space<semaphore_mem>>)
    %dma_wait3A_225 = arith.constant 6 : i32
    %dma_wait3A_226 = arith.constant 0 : i32
    %dma_wait3A_227 = tpu.memref_slice %arg7[%dma_wait3A_225, %dma_wait3A_226] : memref<10x1024xi32, #tpu.memory_space<vmem>> -> memref<1x1024xi32, #tpu.memory_space<vmem>>
    %dma_wait3A_228 = tpu.memref_squeeze %dma_wait3A_227 : memref<1x1024xi32, #tpu.memory_space<vmem>> -> memref<1024xi32, #tpu.memory_space<vmem>>
    %dma_wait3A_229 = arith.constant 0 : i32
    %dma_wait3A_230 = arith.constant 0 : i32
    %dma_wait3A_231 = tpu.memref_slice %arg14[%dma_wait3A_229, %dma_wait3A_230] : memref<10240x16xf32, #tpu.memory_space<vmem_shared>> -> memref<10240x16xf32, #tpu.memory_space<vmem_shared>>
    tpu.wait_indirect_dma semaphore(%arg17 : memref<!tpu.dma_semaphore, #tpu.memory_space<semaphore_mem>>) src(%dma_wait3A_231 : memref<10240x16xf32, #tpu.memory_space<vmem_shared>>) dst(%arg11 : memref<1024x16xf32, #tpu.memory_space<vmem>>)
    %dma_start3A_232 = arith.constant 6 : i32
    %dma_start3A_233 = arith.constant 0 : i32
    %dma_start3A_234 = tpu.memref_slice %arg8[%dma_start3A_232, %dma_start3A_233] : memref<10x1024xi32, #tpu.memory_space<vmem>> -> memref<1x1024xi32, #tpu.memory_space<vmem>>
    %dma_start3A_235 = tpu.memref_squeeze %dma_start3A_234 : memref<1x1024xi32, #tpu.memory_space<vmem>> -> memref<1024xi32, #tpu.memory_space<vmem>>
    %dma_start3A_236 = arith.constant 0 : i32
    %dma_start3A_237 = arith.constant 0 : i32
    %dma_start3A_238 = tpu.memref_slice %arg13[%dma_start3A_236, %dma_start3A_237] : memref<10240x16xf32, #tpu.memory_space<vmem_shared>> -> memref<10240x16xf32, #tpu.memory_space<vmem_shared>>
    tpu.enqueue_indirect_dma source(%arg11 : memref<1024x16xf32, #tpu.memory_space<vmem>>) target(%dma_start3A_238 : memref<10240x16xf32, #tpu.memory_space<vmem_shared>>) offsets(%dma_start3A_235 : memref<1024xi32, #tpu.memory_space<vmem>>) semaphore(%arg21 : memref<!tpu.dma_semaphore, #tpu.memory_space<semaphore_mem>>) {add = true}
    %dma_wait3A_239 = arith.constant 4 : i32
    %dma_wait3A_240 = arith.constant 0 : i32
    %dma_wait3A_241 = tpu.memref_slice %arg8[%dma_wait3A_239, %dma_wait3A_240] : memref<10x1024xi32, #tpu.memory_space<vmem>> -> memref<1x1024xi32, #tpu.memory_space<vmem>>
    %dma_wait3A_242 = tpu.memref_squeeze %dma_wait3A_241 : memref<1x1024xi32, #tpu.memory_space<vmem>> -> memref<1024xi32, #tpu.memory_space<vmem>>
    %dma_wait3A_243 = arith.constant 0 : i32
    %dma_wait3A_244 = arith.constant 0 : i32
    %dma_wait3A_245 = tpu.memref_slice %arg13[%dma_wait3A_243, %dma_wait3A_244] : memref<10240x16xf32, #tpu.memory_space<vmem_shared>> -> memref<10240x16xf32, #tpu.memory_space<vmem_shared>>
    tpu.wait_indirect_dma semaphore(%arg19 : memref<!tpu.dma_semaphore, #tpu.memory_space<semaphore_mem>>) src(%arg9 : memref<1024x16xf32, #tpu.memory_space<vmem>>) dst(%dma_wait3A_245 : memref<10240x16xf32, #tpu.memory_space<vmem_shared>>)
    %dma_start3A_246 = arith.constant 8 : i32
    %dma_start3A_247 = arith.constant 0 : i32
    %dma_start3A_248 = tpu.memref_slice %arg7[%dma_start3A_246, %dma_start3A_247] : memref<10x1024xi32, #tpu.memory_space<vmem>> -> memref<1x1024xi32, #tpu.memory_space<vmem>>
    %dma_start3A_249 = tpu.memref_squeeze %dma_start3A_248 : memref<1x1024xi32, #tpu.memory_space<vmem>> -> memref<1024xi32, #tpu.memory_space<vmem>>
    %dma_start3A_250 = arith.constant 0 : i32
    %dma_start3A_251 = arith.constant 0 : i32
    %dma_start3A_252 = tpu.memref_slice %arg14[%dma_start3A_250, %dma_start3A_251] : memref<10240x16xf32, #tpu.memory_space<vmem_shared>> -> memref<10240x16xf32, #tpu.memory_space<vmem_shared>>
    tpu.enqueue_indirect_dma source(%dma_start3A_252 : memref<10240x16xf32, #tpu.memory_space<vmem_shared>>) target(%arg9 : memref<1024x16xf32, #tpu.memory_space<vmem>>) offsets(%dma_start3A_249 : memref<1024xi32, #tpu.memory_space<vmem>>) semaphore(%arg15 : memref<!tpu.dma_semaphore, #tpu.memory_space<semaphore_mem>>)
    %dma_wait3A_253 = arith.constant 7 : i32
    %dma_wait3A_254 = arith.constant 0 : i32
    %dma_wait3A_255 = tpu.memref_slice %arg7[%dma_wait3A_253, %dma_wait3A_254] : memref<10x1024xi32, #tpu.memory_space<vmem>> -> memref<1x1024xi32, #tpu.memory_space<vmem>>
    %dma_wait3A_256 = tpu.memref_squeeze %dma_wait3A_255 : memref<1x1024xi32, #tpu.memory_space<vmem>> -> memref<1024xi32, #tpu.memory_space<vmem>>
    %dma_wait3A_257 = arith.constant 0 : i32
    %dma_wait3A_258 = arith.constant 0 : i32
    %dma_wait3A_259 = tpu.memref_slice %arg14[%dma_wait3A_257, %dma_wait3A_258] : memref<10240x16xf32, #tpu.memory_space<vmem_shared>> -> memref<10240x16xf32, #tpu.memory_space<vmem_shared>>
    tpu.wait_indirect_dma semaphore(%arg18 : memref<!tpu.dma_semaphore, #tpu.memory_space<semaphore_mem>>) src(%dma_wait3A_259 : memref<10240x16xf32, #tpu.memory_space<vmem_shared>>) dst(%arg12 : memref<1024x16xf32, #tpu.memory_space<vmem>>)
    %dma_start3A_260 = arith.constant 7 : i32
    %dma_start3A_261 = arith.constant 0 : i32
    %dma_start3A_262 = tpu.memref_slice %arg8[%dma_start3A_260, %dma_start3A_261] : memref<10x1024xi32, #tpu.memory_space<vmem>> -> memref<1x1024xi32, #tpu.memory_space<vmem>>
    %dma_start3A_263 = tpu.memref_squeeze %dma_start3A_262 : memref<1x1024xi32, #tpu.memory_space<vmem>> -> memref<1024xi32, #tpu.memory_space<vmem>>
    %dma_start3A_264 = arith.constant 0 : i32
    %dma_start3A_265 = arith.constant 0 : i32
    %dma_start3A_266 = tpu.memref_slice %arg13[%dma_start3A_264, %dma_start3A_265] : memref<10240x16xf32, #tpu.memory_space<vmem_shared>> -> memref<10240x16xf32, #tpu.memory_space<vmem_shared>>
    tpu.enqueue_indirect_dma source(%arg12 : memref<1024x16xf32, #tpu.memory_space<vmem>>) target(%dma_start3A_266 : memref<10240x16xf32, #tpu.memory_space<vmem_shared>>) offsets(%dma_start3A_263 : memref<1024xi32, #tpu.memory_space<vmem>>) semaphore(%arg22 : memref<!tpu.dma_semaphore, #tpu.memory_space<semaphore_mem>>) {add = true}
    %dma_wait3A_267 = arith.constant 5 : i32
    %dma_wait3A_268 = arith.constant 0 : i32
    %dma_wait3A_269 = tpu.memref_slice %arg8[%dma_wait3A_267, %dma_wait3A_268] : memref<10x1024xi32, #tpu.memory_space<vmem>> -> memref<1x1024xi32, #tpu.memory_space<vmem>>
    %dma_wait3A_270 = tpu.memref_squeeze %dma_wait3A_269 : memref<1x1024xi32, #tpu.memory_space<vmem>> -> memref<1024xi32, #tpu.memory_space<vmem>>
    %dma_wait3A_271 = arith.constant 0 : i32
    %dma_wait3A_272 = arith.constant 0 : i32
    %dma_wait3A_273 = tpu.memref_slice %arg13[%dma_wait3A_271, %dma_wait3A_272] : memref<10240x16xf32, #tpu.memory_space<vmem_shared>> -> memref<10240x16xf32, #tpu.memory_space<vmem_shared>>
    tpu.wait_indirect_dma semaphore(%arg20 : memref<!tpu.dma_semaphore, #tpu.memory_space<semaphore_mem>>) src(%arg10 : memref<1024x16xf32, #tpu.memory_space<vmem>>) dst(%dma_wait3A_273 : memref<10240x16xf32, #tpu.memory_space<vmem_shared>>)
    %dma_start3A_274 = arith.constant 9 : i32
    %dma_start3A_275 = arith.constant 0 : i32
    %dma_start3A_276 = tpu.memref_slice %arg7[%dma_start3A_274, %dma_start3A_275] : memref<10x1024xi32, #tpu.memory_space<vmem>> -> memref<1x1024xi32, #tpu.memory_space<vmem>>
    %dma_start3A_277 = tpu.memref_squeeze %dma_start3A_276 : memref<1x1024xi32, #tpu.memory_space<vmem>> -> memref<1024xi32, #tpu.memory_space<vmem>>
    %dma_start3A_278 = arith.constant 0 : i32
    %dma_start3A_279 = arith.constant 0 : i32
    %dma_start3A_280 = tpu.memref_slice %arg14[%dma_start3A_278, %dma_start3A_279] : memref<10240x16xf32, #tpu.memory_space<vmem_shared>> -> memref<10240x16xf32, #tpu.memory_space<vmem_shared>>
    tpu.enqueue_indirect_dma source(%dma_start3A_280 : memref<10240x16xf32, #tpu.memory_space<vmem_shared>>) target(%arg10 : memref<1024x16xf32, #tpu.memory_space<vmem>>) offsets(%dma_start3A_277 : memref<1024xi32, #tpu.memory_space<vmem>>) semaphore(%arg16 : memref<!tpu.dma_semaphore, #tpu.memory_space<semaphore_mem>>)
    %dma_wait3A_281 = arith.constant 8 : i32
    %dma_wait3A_282 = arith.constant 0 : i32
    %dma_wait3A_283 = tpu.memref_slice %arg7[%dma_wait3A_281, %dma_wait3A_282] : memref<10x1024xi32, #tpu.memory_space<vmem>> -> memref<1x1024xi32, #tpu.memory_space<vmem>>
    %dma_wait3A_284 = tpu.memref_squeeze %dma_wait3A_283 : memref<1x1024xi32, #tpu.memory_space<vmem>> -> memref<1024xi32, #tpu.memory_space<vmem>>
    %dma_wait3A_285 = arith.constant 0 : i32
    %dma_wait3A_286 = arith.constant 0 : i32
    %dma_wait3A_287 = tpu.memref_slice %arg14[%dma_wait3A_285, %dma_wait3A_286] : memref<10240x16xf32, #tpu.memory_space<vmem_shared>> -> memref<10240x16xf32, #tpu.memory_space<vmem_shared>>
    tpu.wait_indirect_dma semaphore(%arg15 : memref<!tpu.dma_semaphore, #tpu.memory_space<semaphore_mem>>) src(%dma_wait3A_287 : memref<10240x16xf32, #tpu.memory_space<vmem_shared>>) dst(%arg9 : memref<1024x16xf32, #tpu.memory_space<vmem>>)
    %dma_start3A_288 = arith.constant 8 : i32
    %dma_start3A_289 = arith.constant 0 : i32
    %dma_start3A_290 = tpu.memref_slice %arg8[%dma_start3A_288, %dma_start3A_289] : memref<10x1024xi32, #tpu.memory_space<vmem>> -> memref<1x1024xi32, #tpu.memory_space<vmem>>
    %dma_start3A_291 = tpu.memref_squeeze %dma_start3A_290 : memref<1x1024xi32, #tpu.memory_space<vmem>> -> memref<1024xi32, #tpu.memory_space<vmem>>
    %dma_start3A_292 = arith.constant 0 : i32
    %dma_start3A_293 = arith.constant 0 : i32
    %dma_start3A_294 = tpu.memref_slice %arg13[%dma_start3A_292, %dma_start3A_293] : memref<10240x16xf32, #tpu.memory_space<vmem_shared>> -> memref<10240x16xf32, #tpu.memory_space<vmem_shared>>
    tpu.enqueue_indirect_dma source(%arg9 : memref<1024x16xf32, #tpu.memory_space<vmem>>) target(%dma_start3A_294 : memref<10240x16xf32, #tpu.memory_space<vmem_shared>>) offsets(%dma_start3A_291 : memref<1024xi32, #tpu.memory_space<vmem>>) semaphore(%arg19 : memref<!tpu.dma_semaphore, #tpu.memory_space<semaphore_mem>>) {add = true}
    %dma_wait3A_295 = arith.constant 9 : i32
    %dma_wait3A_296 = arith.constant 0 : i32
    %dma_wait3A_297 = tpu.memref_slice %arg7[%dma_wait3A_295, %dma_wait3A_296] : memref<10x1024xi32, #tpu.memory_space<vmem>> -> memref<1x1024xi32, #tpu.memory_space<vmem>>
    %dma_wait3A_298 = tpu.memref_squeeze %dma_wait3A_297 : memref<1x1024xi32, #tpu.memory_space<vmem>> -> memref<1024xi32, #tpu.memory_space<vmem>>
    %dma_wait3A_299 = arith.constant 0 : i32
    %dma_wait3A_300 = arith.constant 0 : i32
    %dma_wait3A_301 = tpu.memref_slice %arg14[%dma_wait3A_299, %dma_wait3A_300] : memref<10240x16xf32, #tpu.memory_space<vmem_shared>> -> memref<10240x16xf32, #tpu.memory_space<vmem_shared>>
    tpu.wait_indirect_dma semaphore(%arg16 : memref<!tpu.dma_semaphore, #tpu.memory_space<semaphore_mem>>) src(%dma_wait3A_301 : memref<10240x16xf32, #tpu.memory_space<vmem_shared>>) dst(%arg10 : memref<1024x16xf32, #tpu.memory_space<vmem>>)
    %dma_start3A_302 = arith.constant 9 : i32
    %dma_start3A_303 = arith.constant 0 : i32
    %dma_start3A_304 = tpu.memref_slice %arg8[%dma_start3A_302, %dma_start3A_303] : memref<10x1024xi32, #tpu.memory_space<vmem>> -> memref<1x1024xi32, #tpu.memory_space<vmem>>
    %dma_start3A_305 = tpu.memref_squeeze %dma_start3A_304 : memref<1x1024xi32, #tpu.memory_space<vmem>> -> memref<1024xi32, #tpu.memory_space<vmem>>
    %dma_start3A_306 = arith.constant 0 : i32
    %dma_start3A_307 = arith.constant 0 : i32
    %dma_start3A_308 = tpu.memref_slice %arg13[%dma_start3A_306, %dma_start3A_307] : memref<10240x16xf32, #tpu.memory_space<vmem_shared>> -> memref<10240x16xf32, #tpu.memory_space<vmem_shared>>
    tpu.enqueue_indirect_dma source(%arg10 : memref<1024x16xf32, #tpu.memory_space<vmem>>) target(%dma_start3A_308 : memref<10240x16xf32, #tpu.memory_space<vmem_shared>>) offsets(%dma_start3A_305 : memref<1024xi32, #tpu.memory_space<vmem>>) semaphore(%arg20 : memref<!tpu.dma_semaphore, #tpu.memory_space<semaphore_mem>>) {add = true}
    %dma_wait3A_309 = arith.constant 6 : i32
    %dma_wait3A_310 = arith.constant 0 : i32
    %dma_wait3A_311 = tpu.memref_slice %arg8[%dma_wait3A_309, %dma_wait3A_310] : memref<10x1024xi32, #tpu.memory_space<vmem>> -> memref<1x1024xi32, #tpu.memory_space<vmem>>
    %dma_wait3A_312 = tpu.memref_squeeze %dma_wait3A_311 : memref<1x1024xi32, #tpu.memory_space<vmem>> -> memref<1024xi32, #tpu.memory_space<vmem>>
    %dma_wait3A_313 = arith.constant 0 : i32
    %dma_wait3A_314 = arith.constant 0 : i32
    %dma_wait3A_315 = tpu.memref_slice %arg13[%dma_wait3A_313, %dma_wait3A_314] : memref<10240x16xf32, #tpu.memory_space<vmem_shared>> -> memref<10240x16xf32, #tpu.memory_space<vmem_shared>>
    tpu.wait_indirect_dma semaphore(%arg21 : memref<!tpu.dma_semaphore, #tpu.memory_space<semaphore_mem>>) src(%arg11 : memref<1024x16xf32, #tpu.memory_space<vmem>>) dst(%dma_wait3A_315 : memref<10240x16xf32, #tpu.memory_space<vmem_shared>>)
    %dma_wait3A_316 = arith.constant 7 : i32
    %dma_wait3A_317 = arith.constant 0 : i32
    %dma_wait3A_318 = tpu.memref_slice %arg8[%dma_wait3A_316, %dma_wait3A_317] : memref<10x1024xi32, #tpu.memory_space<vmem>> -> memref<1x1024xi32, #tpu.memory_space<vmem>>
    %dma_wait3A_319 = tpu.memref_squeeze %dma_wait3A_318 : memref<1x1024xi32, #tpu.memory_space<vmem>> -> memref<1024xi32, #tpu.memory_space<vmem>>
    %dma_wait3A_320 = arith.constant 0 : i32
    %dma_wait3A_321 = arith.constant 0 : i32
    %dma_wait3A_322 = tpu.memref_slice %arg13[%dma_wait3A_320, %dma_wait3A_321] : memref<10240x16xf32, #tpu.memory_space<vmem_shared>> -> memref<10240x16xf32, #tpu.memory_space<vmem_shared>>
    tpu.wait_indirect_dma semaphore(%arg22 : memref<!tpu.dma_semaphore, #tpu.memory_space<semaphore_mem>>) src(%arg12 : memref<1024x16xf32, #tpu.memory_space<vmem>>) dst(%dma_wait3A_322 : memref<10240x16xf32, #tpu.memory_space<vmem_shared>>)
    %dma_wait3A_323 = arith.constant 8 : i32
    %dma_wait3A_324 = arith.constant 0 : i32
    %dma_wait3A_325 = tpu.memref_slice %arg8[%dma_wait3A_323, %dma_wait3A_324] : memref<10x1024xi32, #tpu.memory_space<vmem>> -> memref<1x1024xi32, #tpu.memory_space<vmem>>
    %dma_wait3A_326 = tpu.memref_squeeze %dma_wait3A_325 : memref<1x1024xi32, #tpu.memory_space<vmem>> -> memref<1024xi32, #tpu.memory_space<vmem>>
    %dma_wait3A_327 = arith.constant 0 : i32
    %dma_wait3A_328 = arith.constant 0 : i32
    %dma_wait3A_329 = tpu.memref_slice %arg13[%dma_wait3A_327, %dma_wait3A_328] : memref<10240x16xf32, #tpu.memory_space<vmem_shared>> -> memref<10240x16xf32, #tpu.memory_space<vmem_shared>>
    tpu.wait_indirect_dma semaphore(%arg19 : memref<!tpu.dma_semaphore, #tpu.memory_space<semaphore_mem>>) src(%arg9 : memref<1024x16xf32, #tpu.memory_space<vmem>>) dst(%dma_wait3A_329 : memref<10240x16xf32, #tpu.memory_space<vmem_shared>>)
    %dma_wait3A_330 = arith.constant 9 : i32
    %dma_wait3A_331 = arith.constant 0 : i32
    %dma_wait3A_332 = tpu.memref_slice %arg8[%dma_wait3A_330, %dma_wait3A_331] : memref<10x1024xi32, #tpu.memory_space<vmem>> -> memref<1x1024xi32, #tpu.memory_space<vmem>>
    %dma_wait3A_333 = tpu.memref_squeeze %dma_wait3A_332 : memref<1x1024xi32, #tpu.memory_space<vmem>> -> memref<1024xi32, #tpu.memory_space<vmem>>
    %dma_wait3A_334 = arith.constant 0 : i32
    %dma_wait3A_335 = arith.constant 0 : i32
    %dma_wait3A_336 = tpu.memref_slice %arg13[%dma_wait3A_334, %dma_wait3A_335] : memref<10240x16xf32, #tpu.memory_space<vmem_shared>> -> memref<10240x16xf32, #tpu.memory_space<vmem_shared>>
    tpu.wait_indirect_dma semaphore(%arg20 : memref<!tpu.dma_semaphore, #tpu.memory_space<semaphore_mem>>) src(%arg10 : memref<1024x16xf32, #tpu.memory_space<vmem>>) dst(%dma_wait3A_336 : memref<10240x16xf32, #tpu.memory_space<vmem_shared>>)
    %barrier3A_337 = arith.constant 0 : index
    tpu.barrier barrier_id(%barrier3A_337)
    %mul3A_338 = arith.constant 640 : i32
    %mul3A_339 = arith.muli %arg1, %mul3A_338 : i32
    %mul3A_340 = arith.constant 640 : i32
    %mul3A_341 = arith.muli %arg1, %mul3A_340 : i32
    "tpu.region"() ({
      %run_scoped3A = tpu.sem_alloc : memref<!tpu.dma_semaphore, #tpu.memory_space<semaphore_mem>>
      %dma_start3A_342 = arith.constant 0 : i32
      %dma_start3A_343 = arith.constant 0 : i32
      %dma_start3A_344 = tpu.memref_slice %arg6[%arg0, %dma_start3A_342, %dma_start3A_343] : memref<2x10240x16xf32, #tpu.memory_space<hbm>> -> memref<1x10240x16xf32, #tpu.memory_space<hbm>>
      %dma_start3A_345 = tpu.memref_squeeze %dma_start3A_344 : memref<1x10240x16xf32, #tpu.memory_space<hbm>> -> memref<10240x16xf32, #tpu.memory_space<hbm>>
      %dma_start3A_346 = arith.constant 0 : i32
      %dma_start3A_347 = tpu.memref_slice %dma_start3A_345[%mul3A_341, %dma_start3A_346] : memref<10240x16xf32, #tpu.memory_space<hbm>> -> memref<640x16xf32, #tpu.memory_space<hbm>>
      %dma_start3A_348 = arith.constant 0 : i32
      %dma_start3A_349 = tpu.memref_slice %arg13[%mul3A_339, %dma_start3A_348] : memref<10240x16xf32, #tpu.memory_space<vmem_shared>> -> memref<640x16xf32, #tpu.memory_space<vmem_shared>>
      tpu.enqueue_dma source(%dma_start3A_349 : memref<640x16xf32, #tpu.memory_space<vmem_shared>>) target(%dma_start3A_347 : memref<640x16xf32, #tpu.memory_space<hbm>>) target_semaphore(%run_scoped3A : memref<!tpu.dma_semaphore, #tpu.memory_space<semaphore_mem>>)
      %dma_wait3A_350 = arith.constant 0 : i32
      %dma_wait3A_351 = arith.constant 0 : i32
      %dma_wait3A_352 = tpu.memref_slice %arg6[%arg0, %dma_wait3A_350, %dma_wait3A_351] : memref<2x10240x16xf32, #tpu.memory_space<hbm>> -> memref<1x10240x16xf32, #tpu.memory_space<hbm>>
      %dma_wait3A_353 = tpu.memref_squeeze %dma_wait3A_352 : memref<1x10240x16xf32, #tpu.memory_space<hbm>> -> memref<10240x16xf32, #tpu.memory_space<hbm>>
      %dma_wait3A_354 = arith.constant 0 : i32
      %dma_wait3A_355 = tpu.memref_slice %dma_wait3A_353[%mul3A_341, %dma_wait3A_354] : memref<10240x16xf32, #tpu.memory_space<hbm>> -> memref<640x16xf32, #tpu.memory_space<hbm>>
      %dma_wait3A_356 = arith.constant 0 : i32
      %dma_wait3A_357 = tpu.memref_slice %arg13[%mul3A_339, %dma_wait3A_356] : memref<10240x16xf32, #tpu.memory_space<vmem_shared>> -> memref<640x16xf32, #tpu.memory_space<vmem_shared>>
      tpu.wait_dma2 semaphore(%run_scoped3A : memref<!tpu.dma_semaphore, #tpu.memory_space<semaphore_mem>>) src(%dma_wait3A_357 : memref<640x16xf32, #tpu.memory_space<vmem_shared>>) dst(%dma_wait3A_355 : memref<640x16xf32, #tpu.memory_space<hbm>>)
      tpu.yield
    }) : () -> ()
    return
  }
}

#map = affine_map<(d0, d1) -> (0, 0)>
#map1 = affine_map<(d0, d1) -> (0, 0, 0)>
module attributes {stable_mosaic.version = 14 : i64} {
  func.func @_sc_edge_pass(%arg0: i32, %arg1: i32, %arg2: memref<10000x16xf32, #tpu.memory_space<hbm>>, %arg3: memref<320x1024xi32, #tpu.memory_space<hbm>>, %arg4: memref<320x1024xi32, #tpu.memory_space<hbm>>, %arg5: memref<10240x16xf32, #tpu.memory_space<hbm>>, %arg6: memref<2x10240x16xf32, #tpu.memory_space<hbm>>, %arg7: memref<10x1024xi32, #tpu.memory_space<vmem>>, %arg8: memref<10x1024xi32, #tpu.memory_space<vmem>>, %arg9: memref<1024x16xf32, #tpu.memory_space<vmem>>, %arg10: memref<1024x16xf32, #tpu.memory_space<vmem>>, %arg11: memref<1024x16xf32, #tpu.memory_space<vmem>>, %arg12: memref<1024x16xf32, #tpu.memory_space<vmem>>, %arg13: memref<10240x16xf32, #tpu.memory_space<vmem_shared>>, %arg14: memref<10240x16xf32, #tpu.memory_space<vmem_shared>>, %arg15: memref<!tpu.dma_semaphore, #tpu.memory_space<semaphore_mem>>, %arg16: memref<!tpu.dma_semaphore, #tpu.memory_space<semaphore_mem>>, %arg17: memref<!tpu.dma_semaphore, #tpu.memory_space<semaphore_mem>>, %arg18: memref<!tpu.dma_semaphore, #tpu.memory_space<semaphore_mem>>, %arg19: memref<!tpu.dma_semaphore, #tpu.memory_space<semaphore_mem>>, %arg20: memref<!tpu.dma_semaphore, #tpu.memory_space<semaphore_mem>>, %arg21: memref<!tpu.dma_semaphore, #tpu.memory_space<semaphore_mem>>, %arg22: memref<!tpu.dma_semaphore, #tpu.memory_space<semaphore_mem>>, %arg23: memref<!tpu.dma_semaphore, #tpu.memory_space<semaphore_mem>>, %arg24: memref<!tpu.dma_semaphore, #tpu.memory_space<semaphore_mem>>, %arg25: memref<!tpu.dma_semaphore, #tpu.memory_space<semaphore_mem>>) attributes {dimension_semantics = [#tpu.dimension_semantics<core_parallel>, #tpu.dimension_semantics<subcore_parallel>], iteration_bounds = array<i64: 2, 16>, scalar_prefetch = 0 : i64, scratch_operands = 19 : i64, tpu.core_type = #tpu.core_type<sc_vector_subcore>, window_params = [{transform_indices = #map}, {transform_indices = #map}, {transform_indices = #map}, {transform_indices = #map}, {transform_indices = #map1}]} {
    %mul3A = arith.constant 16 : i32
    %mul3A_0 = arith.muli %arg0, %mul3A : i32
    %add3A = arith.addi %mul3A_0, %arg1 : i32
    %mul3A_1 = arith.constant 640 : i32
    %mul3A_2 = arith.muli %arg1, %mul3A_1 : i32
    %mul3A_3 = arith.constant 10 : i32
    %mul3A_4 = arith.muli %add3A, %mul3A_3 : i32
    %dma_start3A = arith.constant 0 : i32
    %dma_start3A_5 = tpu.memref_slice %arg3[%mul3A_4, %dma_start3A] : memref<320x1024xi32, #tpu.memory_space<hbm>> -> memref<10x1024xi32, #tpu.memory_space<hbm>>
    %dma_start3A_6 = arith.constant 0 : i32
    %dma_start3A_7 = tpu.memref_slice %arg3[%mul3A_4, %dma_start3A_6] : memref<320x1024xi32, #tpu.memory_space<hbm>> -> memref<10x1024xi32, #tpu.memory_space<hbm>>
    tpu.enqueue_dma source(%dma_start3A_7 : memref<10x1024xi32, #tpu.memory_space<hbm>>) target(%arg7 : memref<10x1024xi32, #tpu.memory_space<vmem>>) target_semaphore(%arg23 : memref<!tpu.dma_semaphore, #tpu.memory_space<semaphore_mem>>)
    %mul3A_8 = arith.constant 10 : i32
    %mul3A_9 = arith.muli %add3A, %mul3A_8 : i32
    %dma_start3A_10 = arith.constant 0 : i32
    %dma_start3A_11 = tpu.memref_slice %arg4[%mul3A_9, %dma_start3A_10] : memref<320x1024xi32, #tpu.memory_space<hbm>> -> memref<10x1024xi32, #tpu.memory_space<hbm>>
    %dma_start3A_12 = arith.constant 0 : i32
    %dma_start3A_13 = tpu.memref_slice %arg4[%mul3A_9, %dma_start3A_12] : memref<320x1024xi32, #tpu.memory_space<hbm>> -> memref<10x1024xi32, #tpu.memory_space<hbm>>
    tpu.enqueue_dma source(%dma_start3A_13 : memref<10x1024xi32, #tpu.memory_space<hbm>>) target(%arg8 : memref<10x1024xi32, #tpu.memory_space<vmem>>) target_semaphore(%arg23 : memref<!tpu.dma_semaphore, #tpu.memory_space<semaphore_mem>>)
    %lt3A = arith.constant 15 : i32
    %lt3A_14 = arith.cmpi slt, %arg1, %lt3A : i32
    %convert_element_type3A = arith.extui %lt3A_14 : i1 to i32
    %cond3A = arith.constant 0 : i32
    %cond3A_15 = arith.cmpi ne, %convert_element_type3A, %cond3A : i32
    scf.if %cond3A_15 {
      %dma_start3A_342 = arith.constant 0 : i32
      %dma_start3A_343 = tpu.memref_slice %arg14[%mul3A_2, %dma_start3A_342] : memref<10240x16xf32, #tpu.memory_space<vmem_shared>> -> memref<640x16xf32, #tpu.memory_space<vmem_shared>>
      %dma_start3A_344 = arith.constant 0 : i32
      %dma_start3A_345 = tpu.memref_slice %arg2[%mul3A_2, %dma_start3A_344] : memref<10000x16xf32, #tpu.memory_space<hbm>> -> memref<640x16xf32, #tpu.memory_space<hbm>>
      tpu.enqueue_dma source(%dma_start3A_345 : memref<640x16xf32, #tpu.memory_space<hbm>>) target(%dma_start3A_343 : memref<640x16xf32, #tpu.memory_space<vmem_shared>>) target_semaphore(%arg24 : memref<!tpu.dma_semaphore, #tpu.memory_space<semaphore_mem>>)
    } else {
    }
    %eq3A = arith.constant 15 : i32
    %eq3A_16 = arith.cmpi eq, %arg1, %eq3A : i32
    %convert_element_type3A_17 = arith.extui %eq3A_16 : i1 to i32
    %cond3A_18 = arith.constant 0 : i32
    %cond3A_19 = arith.cmpi ne, %convert_element_type3A_17, %cond3A_18 : i32
    scf.if %cond3A_19 {
      %dma_start3A_342 = arith.constant 0 : i32
      %dma_start3A_343 = tpu.memref_slice %arg14[%mul3A_2, %dma_start3A_342] : memref<10240x16xf32, #tpu.memory_space<vmem_shared>> -> memref<400x16xf32, #tpu.memory_space<vmem_shared>>
      %dma_start3A_344 = arith.constant 0 : i32
      %dma_start3A_345 = tpu.memref_slice %arg2[%mul3A_2, %dma_start3A_344] : memref<10000x16xf32, #tpu.memory_space<hbm>> -> memref<400x16xf32, #tpu.memory_space<hbm>>
      tpu.enqueue_dma source(%dma_start3A_345 : memref<400x16xf32, #tpu.memory_space<hbm>>) target(%dma_start3A_343 : memref<400x16xf32, #tpu.memory_space<vmem_shared>>) target_semaphore(%arg24 : memref<!tpu.dma_semaphore, #tpu.memory_space<semaphore_mem>>)
      %dma_start3A_346 = arith.constant 10000 : i32
      %dma_start3A_347 = arith.constant 0 : i32
      %dma_start3A_348 = tpu.memref_slice %arg14[%dma_start3A_346, %dma_start3A_347] : memref<10240x16xf32, #tpu.memory_space<vmem_shared>> -> memref<240x16xf32, #tpu.memory_space<vmem_shared>>
      %dma_start3A_349 = arith.constant 0 : i32
      %dma_start3A_350 = arith.constant 0 : i32
      %dma_start3A_351 = tpu.memref_slice %arg5[%dma_start3A_349, %dma_start3A_350] : memref<10240x16xf32, #tpu.memory_space<hbm>> -> memref<240x16xf32, #tpu.memory_space<hbm>>
      tpu.enqueue_dma source(%dma_start3A_351 : memref<240x16xf32, #tpu.memory_space<hbm>>) target(%dma_start3A_348 : memref<240x16xf32, #tpu.memory_space<vmem_shared>>) target_semaphore(%arg24 : memref<!tpu.dma_semaphore, #tpu.memory_space<semaphore_mem>>)
    } else {
    }
    %eq3A_20 = arith.constant 0 : i32
    %eq3A_21 = arith.cmpi eq, %arg0, %eq3A_20 : i32
    %lt3A_22 = arith.constant 15 : i32
    %lt3A_23 = arith.cmpi slt, %arg1, %lt3A_22 : i32
    %and3A = arith.andi %eq3A_21, %lt3A_23 : i1
    %convert_element_type3A_24 = arith.extui %and3A : i1 to i32
    %cond3A_25 = arith.constant 0 : i32
    %cond3A_26 = arith.cmpi ne, %convert_element_type3A_24, %cond3A_25 : i32
    scf.if %cond3A_26 {
      %dma_start3A_342 = arith.constant 0 : i32
      %dma_start3A_343 = tpu.memref_slice %arg13[%mul3A_2, %dma_start3A_342] : memref<10240x16xf32, #tpu.memory_space<vmem_shared>> -> memref<640x16xf32, #tpu.memory_space<vmem_shared>>
      %dma_start3A_344 = arith.constant 0 : i32
      %dma_start3A_345 = tpu.memref_slice %arg2[%mul3A_2, %dma_start3A_344] : memref<10000x16xf32, #tpu.memory_space<hbm>> -> memref<640x16xf32, #tpu.memory_space<hbm>>
      tpu.enqueue_dma source(%dma_start3A_345 : memref<640x16xf32, #tpu.memory_space<hbm>>) target(%dma_start3A_343 : memref<640x16xf32, #tpu.memory_space<vmem_shared>>) target_semaphore(%arg25 : memref<!tpu.dma_semaphore, #tpu.memory_space<semaphore_mem>>)
    } else {
    }
    %eq3A_27 = arith.constant 0 : i32
    %eq3A_28 = arith.cmpi eq, %arg0, %eq3A_27 : i32
    %eq3A_29 = arith.constant 15 : i32
    %eq3A_30 = arith.cmpi eq, %arg1, %eq3A_29 : i32
    %and3A_31 = arith.andi %eq3A_28, %eq3A_30 : i1
    %convert_element_type3A_32 = arith.extui %and3A_31 : i1 to i32
    %cond3A_33 = arith.constant 0 : i32
    %cond3A_34 = arith.cmpi ne, %convert_element_type3A_32, %cond3A_33 : i32
    scf.if %cond3A_34 {
      %dma_start3A_342 = arith.constant 0 : i32
      %dma_start3A_343 = tpu.memref_slice %arg13[%mul3A_2, %dma_start3A_342] : memref<10240x16xf32, #tpu.memory_space<vmem_shared>> -> memref<400x16xf32, #tpu.memory_space<vmem_shared>>
      %dma_start3A_344 = arith.constant 0 : i32
      %dma_start3A_345 = tpu.memref_slice %arg2[%mul3A_2, %dma_start3A_344] : memref<10000x16xf32, #tpu.memory_space<hbm>> -> memref<400x16xf32, #tpu.memory_space<hbm>>
      tpu.enqueue_dma source(%dma_start3A_345 : memref<400x16xf32, #tpu.memory_space<hbm>>) target(%dma_start3A_343 : memref<400x16xf32, #tpu.memory_space<vmem_shared>>) target_semaphore(%arg25 : memref<!tpu.dma_semaphore, #tpu.memory_space<semaphore_mem>>)
      %dma_start3A_346 = arith.constant 10000 : i32
      %dma_start3A_347 = arith.constant 0 : i32
      %dma_start3A_348 = tpu.memref_slice %arg13[%dma_start3A_346, %dma_start3A_347] : memref<10240x16xf32, #tpu.memory_space<vmem_shared>> -> memref<240x16xf32, #tpu.memory_space<vmem_shared>>
      %dma_start3A_349 = arith.constant 0 : i32
      %dma_start3A_350 = arith.constant 0 : i32
      %dma_start3A_351 = tpu.memref_slice %arg5[%dma_start3A_349, %dma_start3A_350] : memref<10240x16xf32, #tpu.memory_space<hbm>> -> memref<240x16xf32, #tpu.memory_space<hbm>>
      tpu.enqueue_dma source(%dma_start3A_351 : memref<240x16xf32, #tpu.memory_space<hbm>>) target(%dma_start3A_348 : memref<240x16xf32, #tpu.memory_space<vmem_shared>>) target_semaphore(%arg25 : memref<!tpu.dma_semaphore, #tpu.memory_space<semaphore_mem>>)
    } else {
    }
    %eq3A_35 = arith.constant 1 : i32
    %eq3A_36 = arith.cmpi eq, %arg0, %eq3A_35 : i32
    %convert_element_type3A_37 = arith.extui %eq3A_36 : i1 to i32
    %cond3A_38 = arith.constant 0 : i32
    %cond3A_39 = arith.cmpi ne, %convert_element_type3A_37, %cond3A_38 : i32
    scf.if %cond3A_39 {
      %dma_start3A_342 = arith.constant 0 : i32
      %dma_start3A_343 = tpu.memref_slice %arg13[%mul3A_2, %dma_start3A_342] : memref<10240x16xf32, #tpu.memory_space<vmem_shared>> -> memref<640x16xf32, #tpu.memory_space<vmem_shared>>
      %dma_start3A_344 = arith.constant 0 : i32
      %dma_start3A_345 = tpu.memref_slice %arg5[%mul3A_2, %dma_start3A_344] : memref<10240x16xf32, #tpu.memory_space<hbm>> -> memref<640x16xf32, #tpu.memory_space<hbm>>
      tpu.enqueue_dma source(%dma_start3A_345 : memref<640x16xf32, #tpu.memory_space<hbm>>) target(%dma_start3A_343 : memref<640x16xf32, #tpu.memory_space<vmem_shared>>) target_semaphore(%arg25 : memref<!tpu.dma_semaphore, #tpu.memory_space<semaphore_mem>>)
    } else {
    }
    %dma_wait3A = arith.constant 0 : i32
    %dma_wait3A_40 = tpu.memref_slice %arg3[%mul3A_4, %dma_wait3A] : memref<320x1024xi32, #tpu.memory_space<hbm>> -> memref<10x1024xi32, #tpu.memory_space<hbm>>
    %dma_wait3A_41 = arith.constant 0 : i32
    %dma_wait3A_42 = tpu.memref_slice %arg3[%mul3A_4, %dma_wait3A_41] : memref<320x1024xi32, #tpu.memory_space<hbm>> -> memref<10x1024xi32, #tpu.memory_space<hbm>>
    tpu.wait_dma2 semaphore(%arg23 : memref<!tpu.dma_semaphore, #tpu.memory_space<semaphore_mem>>) src(%dma_wait3A_42 : memref<10x1024xi32, #tpu.memory_space<hbm>>) dst(%arg7 : memref<10x1024xi32, #tpu.memory_space<vmem>>)
    %dma_wait3A_43 = arith.constant 0 : i32
    %dma_wait3A_44 = tpu.memref_slice %arg4[%mul3A_9, %dma_wait3A_43] : memref<320x1024xi32, #tpu.memory_space<hbm>> -> memref<10x1024xi32, #tpu.memory_space<hbm>>
    %dma_wait3A_45 = arith.constant 0 : i32
    %dma_wait3A_46 = tpu.memref_slice %arg4[%mul3A_9, %dma_wait3A_45] : memref<320x1024xi32, #tpu.memory_space<hbm>> -> memref<10x1024xi32, #tpu.memory_space<hbm>>
    tpu.wait_dma2 semaphore(%arg23 : memref<!tpu.dma_semaphore, #tpu.memory_space<semaphore_mem>>) src(%dma_wait3A_46 : memref<10x1024xi32, #tpu.memory_space<hbm>>) dst(%arg8 : memref<10x1024xi32, #tpu.memory_space<vmem>>)
    %dma_wait3A_47 = arith.constant 0 : i32
    %dma_wait3A_48 = tpu.memref_slice %arg14[%mul3A_2, %dma_wait3A_47] : memref<10240x16xf32, #tpu.memory_space<vmem_shared>> -> memref<640x16xf32, #tpu.memory_space<vmem_shared>>
    %dma_wait3A_49 = arith.constant 0 : i32
    %dma_wait3A_50 = arith.constant 0 : i32
    %dma_wait3A_51 = tpu.memref_slice %arg5[%dma_wait3A_49, %dma_wait3A_50] : memref<10240x16xf32, #tpu.memory_space<hbm>> -> memref<640x16xf32, #tpu.memory_space<hbm>>
    tpu.wait_dma2 semaphore(%arg24 : memref<!tpu.dma_semaphore, #tpu.memory_space<semaphore_mem>>) src(%dma_wait3A_51 : memref<640x16xf32, #tpu.memory_space<hbm>>) dst(%dma_wait3A_48 : memref<640x16xf32, #tpu.memory_space<vmem_shared>>)
    %dma_wait3A_52 = arith.constant 0 : i32
    %dma_wait3A_53 = tpu.memref_slice %arg13[%mul3A_2, %dma_wait3A_52] : memref<10240x16xf32, #tpu.memory_space<vmem_shared>> -> memref<640x16xf32, #tpu.memory_space<vmem_shared>>
    %dma_wait3A_54 = arith.constant 0 : i32
    %dma_wait3A_55 = arith.constant 0 : i32
    %dma_wait3A_56 = tpu.memref_slice %arg5[%dma_wait3A_54, %dma_wait3A_55] : memref<10240x16xf32, #tpu.memory_space<hbm>> -> memref<640x16xf32, #tpu.memory_space<hbm>>
    tpu.wait_dma2 semaphore(%arg25 : memref<!tpu.dma_semaphore, #tpu.memory_space<semaphore_mem>>) src(%dma_wait3A_56 : memref<640x16xf32, #tpu.memory_space<hbm>>) dst(%dma_wait3A_53 : memref<640x16xf32, #tpu.memory_space<vmem_shared>>)
    %barrier3A = arith.constant 0 : index
    tpu.barrier barrier_id(%barrier3A)
    %dma_start3A_57 = arith.constant 0 : i32
    %dma_start3A_58 = arith.constant 0 : i32
    %dma_start3A_59 = tpu.memref_slice %arg7[%dma_start3A_57, %dma_start3A_58] : memref<10x1024xi32, #tpu.memory_space<vmem>> -> memref<1x1024xi32, #tpu.memory_space<vmem>>
    %dma_start3A_60 = tpu.memref_squeeze %dma_start3A_59 : memref<1x1024xi32, #tpu.memory_space<vmem>> -> memref<1024xi32, #tpu.memory_space<vmem>>
    %dma_start3A_61 = arith.constant 0 : i32
    %dma_start3A_62 = arith.constant 0 : i32
    %dma_start3A_63 = tpu.memref_slice %arg14[%dma_start3A_61, %dma_start3A_62] : memref<10240x16xf32, #tpu.memory_space<vmem_shared>> -> memref<10240x16xf32, #tpu.memory_space<vmem_shared>>
    tpu.enqueue_indirect_dma source(%dma_start3A_63 : memref<10240x16xf32, #tpu.memory_space<vmem_shared>>) target(%arg9 : memref<1024x16xf32, #tpu.memory_space<vmem>>) offsets(%dma_start3A_60 : memref<1024xi32, #tpu.memory_space<vmem>>) semaphore(%arg15 : memref<!tpu.dma_semaphore, #tpu.memory_space<semaphore_mem>>)
    %dma_start3A_64 = arith.constant 1 : i32
    %dma_start3A_65 = arith.constant 0 : i32
    %dma_start3A_66 = tpu.memref_slice %arg7[%dma_start3A_64, %dma_start3A_65] : memref<10x1024xi32, #tpu.memory_space<vmem>> -> memref<1x1024xi32, #tpu.memory_space<vmem>>
    %dma_start3A_67 = tpu.memref_squeeze %dma_start3A_66 : memref<1x1024xi32, #tpu.memory_space<vmem>> -> memref<1024xi32, #tpu.memory_space<vmem>>
    %dma_start3A_68 = arith.constant 0 : i32
    %dma_start3A_69 = arith.constant 0 : i32
    %dma_start3A_70 = tpu.memref_slice %arg14[%dma_start3A_68, %dma_start3A_69] : memref<10240x16xf32, #tpu.memory_space<vmem_shared>> -> memref<10240x16xf32, #tpu.memory_space<vmem_shared>>
    tpu.enqueue_indirect_dma source(%dma_start3A_70 : memref<10240x16xf32, #tpu.memory_space<vmem_shared>>) target(%arg10 : memref<1024x16xf32, #tpu.memory_space<vmem>>) offsets(%dma_start3A_67 : memref<1024xi32, #tpu.memory_space<vmem>>) semaphore(%arg16 : memref<!tpu.dma_semaphore, #tpu.memory_space<semaphore_mem>>)
    %dma_wait3A_71 = arith.constant 0 : i32
    %dma_wait3A_72 = arith.constant 0 : i32
    %dma_wait3A_73 = tpu.memref_slice %arg7[%dma_wait3A_71, %dma_wait3A_72] : memref<10x1024xi32, #tpu.memory_space<vmem>> -> memref<1x1024xi32, #tpu.memory_space<vmem>>
    %dma_wait3A_74 = tpu.memref_squeeze %dma_wait3A_73 : memref<1x1024xi32, #tpu.memory_space<vmem>> -> memref<1024xi32, #tpu.memory_space<vmem>>
    %dma_wait3A_75 = arith.constant 0 : i32
    %dma_wait3A_76 = arith.constant 0 : i32
    %dma_wait3A_77 = tpu.memref_slice %arg14[%dma_wait3A_75, %dma_wait3A_76] : memref<10240x16xf32, #tpu.memory_space<vmem_shared>> -> memref<10240x16xf32, #tpu.memory_space<vmem_shared>>
    tpu.wait_indirect_dma semaphore(%arg15 : memref<!tpu.dma_semaphore, #tpu.memory_space<semaphore_mem>>) src(%dma_wait3A_77 : memref<10240x16xf32, #tpu.memory_space<vmem_shared>>) dst(%arg9 : memref<1024x16xf32, #tpu.memory_space<vmem>>)
    %dma_start3A_78 = arith.constant 0 : i32
    %dma_start3A_79 = arith.constant 0 : i32
    %dma_start3A_80 = tpu.memref_slice %arg8[%dma_start3A_78, %dma_start3A_79] : memref<10x1024xi32, #tpu.memory_space<vmem>> -> memref<1x1024xi32, #tpu.memory_space<vmem>>
    %dma_start3A_81 = tpu.memref_squeeze %dma_start3A_80 : memref<1x1024xi32, #tpu.memory_space<vmem>> -> memref<1024xi32, #tpu.memory_space<vmem>>
    %dma_start3A_82 = arith.constant 0 : i32
    %dma_start3A_83 = arith.constant 0 : i32
    %dma_start3A_84 = tpu.memref_slice %arg13[%dma_start3A_82, %dma_start3A_83] : memref<10240x16xf32, #tpu.memory_space<vmem_shared>> -> memref<10240x16xf32, #tpu.memory_space<vmem_shared>>
    tpu.enqueue_indirect_dma source(%arg9 : memref<1024x16xf32, #tpu.memory_space<vmem>>) target(%dma_start3A_84 : memref<10240x16xf32, #tpu.memory_space<vmem_shared>>) offsets(%dma_start3A_81 : memref<1024xi32, #tpu.memory_space<vmem>>) semaphore(%arg19 : memref<!tpu.dma_semaphore, #tpu.memory_space<semaphore_mem>>) {add = true}
    %dma_start3A_85 = arith.constant 2 : i32
    %dma_start3A_86 = arith.constant 0 : i32
    %dma_start3A_87 = tpu.memref_slice %arg7[%dma_start3A_85, %dma_start3A_86] : memref<10x1024xi32, #tpu.memory_space<vmem>> -> memref<1x1024xi32, #tpu.memory_space<vmem>>
    %dma_start3A_88 = tpu.memref_squeeze %dma_start3A_87 : memref<1x1024xi32, #tpu.memory_space<vmem>> -> memref<1024xi32, #tpu.memory_space<vmem>>
    %dma_start3A_89 = arith.constant 0 : i32
    %dma_start3A_90 = arith.constant 0 : i32
    %dma_start3A_91 = tpu.memref_slice %arg14[%dma_start3A_89, %dma_start3A_90] : memref<10240x16xf32, #tpu.memory_space<vmem_shared>> -> memref<10240x16xf32, #tpu.memory_space<vmem_shared>>
    tpu.enqueue_indirect_dma source(%dma_start3A_91 : memref<10240x16xf32, #tpu.memory_space<vmem_shared>>) target(%arg11 : memref<1024x16xf32, #tpu.memory_space<vmem>>) offsets(%dma_start3A_88 : memref<1024xi32, #tpu.memory_space<vmem>>) semaphore(%arg17 : memref<!tpu.dma_semaphore, #tpu.memory_space<semaphore_mem>>)
    %dma_wait3A_92 = arith.constant 1 : i32
    %dma_wait3A_93 = arith.constant 0 : i32
    %dma_wait3A_94 = tpu.memref_slice %arg7[%dma_wait3A_92, %dma_wait3A_93] : memref<10x1024xi32, #tpu.memory_space<vmem>> -> memref<1x1024xi32, #tpu.memory_space<vmem>>
    %dma_wait3A_95 = tpu.memref_squeeze %dma_wait3A_94 : memref<1x1024xi32, #tpu.memory_space<vmem>> -> memref<1024xi32, #tpu.memory_space<vmem>>
    %dma_wait3A_96 = arith.constant 0 : i32
    %dma_wait3A_97 = arith.constant 0 : i32
    %dma_wait3A_98 = tpu.memref_slice %arg14[%dma_wait3A_96, %dma_wait3A_97] : memref<10240x16xf32, #tpu.memory_space<vmem_shared>> -> memref<10240x16xf32, #tpu.memory_space<vmem_shared>>
    tpu.wait_indirect_dma semaphore(%arg16 : memref<!tpu.dma_semaphore, #tpu.memory_space<semaphore_mem>>) src(%dma_wait3A_98 : memref<10240x16xf32, #tpu.memory_space<vmem_shared>>) dst(%arg10 : memref<1024x16xf32, #tpu.memory_space<vmem>>)
    %dma_start3A_99 = arith.constant 1 : i32
    %dma_start3A_100 = arith.constant 0 : i32
    %dma_start3A_101 = tpu.memref_slice %arg8[%dma_start3A_99, %dma_start3A_100] : memref<10x1024xi32, #tpu.memory_space<vmem>> -> memref<1x1024xi32, #tpu.memory_space<vmem>>
    %dma_start3A_102 = tpu.memref_squeeze %dma_start3A_101 : memref<1x1024xi32, #tpu.memory_space<vmem>> -> memref<1024xi32, #tpu.memory_space<vmem>>
    %dma_start3A_103 = arith.constant 0 : i32
    %dma_start3A_104 = arith.constant 0 : i32
    %dma_start3A_105 = tpu.memref_slice %arg13[%dma_start3A_103, %dma_start3A_104] : memref<10240x16xf32, #tpu.memory_space<vmem_shared>> -> memref<10240x16xf32, #tpu.memory_space<vmem_shared>>
    tpu.enqueue_indirect_dma source(%arg10 : memref<1024x16xf32, #tpu.memory_space<vmem>>) target(%dma_start3A_105 : memref<10240x16xf32, #tpu.memory_space<vmem_shared>>) offsets(%dma_start3A_102 : memref<1024xi32, #tpu.memory_space<vmem>>) semaphore(%arg20 : memref<!tpu.dma_semaphore, #tpu.memory_space<semaphore_mem>>) {add = true}
    %dma_start3A_106 = arith.constant 3 : i32
    %dma_start3A_107 = arith.constant 0 : i32
    %dma_start3A_108 = tpu.memref_slice %arg7[%dma_start3A_106, %dma_start3A_107] : memref<10x1024xi32, #tpu.memory_space<vmem>> -> memref<1x1024xi32, #tpu.memory_space<vmem>>
    %dma_start3A_109 = tpu.memref_squeeze %dma_start3A_108 : memref<1x1024xi32, #tpu.memory_space<vmem>> -> memref<1024xi32, #tpu.memory_space<vmem>>
    %dma_start3A_110 = arith.constant 0 : i32
    %dma_start3A_111 = arith.constant 0 : i32
    %dma_start3A_112 = tpu.memref_slice %arg14[%dma_start3A_110, %dma_start3A_111] : memref<10240x16xf32, #tpu.memory_space<vmem_shared>> -> memref<10240x16xf32, #tpu.memory_space<vmem_shared>>
    tpu.enqueue_indirect_dma source(%dma_start3A_112 : memref<10240x16xf32, #tpu.memory_space<vmem_shared>>) target(%arg12 : memref<1024x16xf32, #tpu.memory_space<vmem>>) offsets(%dma_start3A_109 : memref<1024xi32, #tpu.memory_space<vmem>>) semaphore(%arg18 : memref<!tpu.dma_semaphore, #tpu.memory_space<semaphore_mem>>)
    %dma_wait3A_113 = arith.constant 2 : i32
    %dma_wait3A_114 = arith.constant 0 : i32
    %dma_wait3A_115 = tpu.memref_slice %arg7[%dma_wait3A_113, %dma_wait3A_114] : memref<10x1024xi32, #tpu.memory_space<vmem>> -> memref<1x1024xi32, #tpu.memory_space<vmem>>
    %dma_wait3A_116 = tpu.memref_squeeze %dma_wait3A_115 : memref<1x1024xi32, #tpu.memory_space<vmem>> -> memref<1024xi32, #tpu.memory_space<vmem>>
    %dma_wait3A_117 = arith.constant 0 : i32
    %dma_wait3A_118 = arith.constant 0 : i32
    %dma_wait3A_119 = tpu.memref_slice %arg14[%dma_wait3A_117, %dma_wait3A_118] : memref<10240x16xf32, #tpu.memory_space<vmem_shared>> -> memref<10240x16xf32, #tpu.memory_space<vmem_shared>>
    tpu.wait_indirect_dma semaphore(%arg17 : memref<!tpu.dma_semaphore, #tpu.memory_space<semaphore_mem>>) src(%dma_wait3A_119 : memref<10240x16xf32, #tpu.memory_space<vmem_shared>>) dst(%arg11 : memref<1024x16xf32, #tpu.memory_space<vmem>>)
    %dma_start3A_120 = arith.constant 2 : i32
    %dma_start3A_121 = arith.constant 0 : i32
    %dma_start3A_122 = tpu.memref_slice %arg8[%dma_start3A_120, %dma_start3A_121] : memref<10x1024xi32, #tpu.memory_space<vmem>> -> memref<1x1024xi32, #tpu.memory_space<vmem>>
    %dma_start3A_123 = tpu.memref_squeeze %dma_start3A_122 : memref<1x1024xi32, #tpu.memory_space<vmem>> -> memref<1024xi32, #tpu.memory_space<vmem>>
    %dma_start3A_124 = arith.constant 0 : i32
    %dma_start3A_125 = arith.constant 0 : i32
    %dma_start3A_126 = tpu.memref_slice %arg13[%dma_start3A_124, %dma_start3A_125] : memref<10240x16xf32, #tpu.memory_space<vmem_shared>> -> memref<10240x16xf32, #tpu.memory_space<vmem_shared>>
    tpu.enqueue_indirect_dma source(%arg11 : memref<1024x16xf32, #tpu.memory_space<vmem>>) target(%dma_start3A_126 : memref<10240x16xf32, #tpu.memory_space<vmem_shared>>) offsets(%dma_start3A_123 : memref<1024xi32, #tpu.memory_space<vmem>>) semaphore(%arg21 : memref<!tpu.dma_semaphore, #tpu.memory_space<semaphore_mem>>) {add = true}
    %dma_wait3A_127 = arith.constant 0 : i32
    %dma_wait3A_128 = arith.constant 0 : i32
    %dma_wait3A_129 = tpu.memref_slice %arg8[%dma_wait3A_127, %dma_wait3A_128] : memref<10x1024xi32, #tpu.memory_space<vmem>> -> memref<1x1024xi32, #tpu.memory_space<vmem>>
    %dma_wait3A_130 = tpu.memref_squeeze %dma_wait3A_129 : memref<1x1024xi32, #tpu.memory_space<vmem>> -> memref<1024xi32, #tpu.memory_space<vmem>>
    %dma_wait3A_131 = arith.constant 0 : i32
    %dma_wait3A_132 = arith.constant 0 : i32
    %dma_wait3A_133 = tpu.memref_slice %arg13[%dma_wait3A_131, %dma_wait3A_132] : memref<10240x16xf32, #tpu.memory_space<vmem_shared>> -> memref<10240x16xf32, #tpu.memory_space<vmem_shared>>
    tpu.wait_indirect_dma semaphore(%arg19 : memref<!tpu.dma_semaphore, #tpu.memory_space<semaphore_mem>>) src(%arg9 : memref<1024x16xf32, #tpu.memory_space<vmem>>) dst(%dma_wait3A_133 : memref<10240x16xf32, #tpu.memory_space<vmem_shared>>)
    %dma_start3A_134 = arith.constant 4 : i32
    %dma_start3A_135 = arith.constant 0 : i32
    %dma_start3A_136 = tpu.memref_slice %arg7[%dma_start3A_134, %dma_start3A_135] : memref<10x1024xi32, #tpu.memory_space<vmem>> -> memref<1x1024xi32, #tpu.memory_space<vmem>>
    %dma_start3A_137 = tpu.memref_squeeze %dma_start3A_136 : memref<1x1024xi32, #tpu.memory_space<vmem>> -> memref<1024xi32, #tpu.memory_space<vmem>>
    %dma_start3A_138 = arith.constant 0 : i32
    %dma_start3A_139 = arith.constant 0 : i32
    %dma_start3A_140 = tpu.memref_slice %arg14[%dma_start3A_138, %dma_start3A_139] : memref<10240x16xf32, #tpu.memory_space<vmem_shared>> -> memref<10240x16xf32, #tpu.memory_space<vmem_shared>>
    tpu.enqueue_indirect_dma source(%dma_start3A_140 : memref<10240x16xf32, #tpu.memory_space<vmem_shared>>) target(%arg9 : memref<1024x16xf32, #tpu.memory_space<vmem>>) offsets(%dma_start3A_137 : memref<1024xi32, #tpu.memory_space<vmem>>) semaphore(%arg15 : memref<!tpu.dma_semaphore, #tpu.memory_space<semaphore_mem>>)
    %dma_wait3A_141 = arith.constant 3 : i32
    %dma_wait3A_142 = arith.constant 0 : i32
    %dma_wait3A_143 = tpu.memref_slice %arg7[%dma_wait3A_141, %dma_wait3A_142] : memref<10x1024xi32, #tpu.memory_space<vmem>> -> memref<1x1024xi32, #tpu.memory_space<vmem>>
    %dma_wait3A_144 = tpu.memref_squeeze %dma_wait3A_143 : memref<1x1024xi32, #tpu.memory_space<vmem>> -> memref<1024xi32, #tpu.memory_space<vmem>>
    %dma_wait3A_145 = arith.constant 0 : i32
    %dma_wait3A_146 = arith.constant 0 : i32
    %dma_wait3A_147 = tpu.memref_slice %arg14[%dma_wait3A_145, %dma_wait3A_146] : memref<10240x16xf32, #tpu.memory_space<vmem_shared>> -> memref<10240x16xf32, #tpu.memory_space<vmem_shared>>
    tpu.wait_indirect_dma semaphore(%arg18 : memref<!tpu.dma_semaphore, #tpu.memory_space<semaphore_mem>>) src(%dma_wait3A_147 : memref<10240x16xf32, #tpu.memory_space<vmem_shared>>) dst(%arg12 : memref<1024x16xf32, #tpu.memory_space<vmem>>)
    %dma_start3A_148 = arith.constant 3 : i32
    %dma_start3A_149 = arith.constant 0 : i32
    %dma_start3A_150 = tpu.memref_slice %arg8[%dma_start3A_148, %dma_start3A_149] : memref<10x1024xi32, #tpu.memory_space<vmem>> -> memref<1x1024xi32, #tpu.memory_space<vmem>>
    %dma_start3A_151 = tpu.memref_squeeze %dma_start3A_150 : memref<1x1024xi32, #tpu.memory_space<vmem>> -> memref<1024xi32, #tpu.memory_space<vmem>>
    %dma_start3A_152 = arith.constant 0 : i32
    %dma_start3A_153 = arith.constant 0 : i32
    %dma_start3A_154 = tpu.memref_slice %arg13[%dma_start3A_152, %dma_start3A_153] : memref<10240x16xf32, #tpu.memory_space<vmem_shared>> -> memref<10240x16xf32, #tpu.memory_space<vmem_shared>>
    tpu.enqueue_indirect_dma source(%arg12 : memref<1024x16xf32, #tpu.memory_space<vmem>>) target(%dma_start3A_154 : memref<10240x16xf32, #tpu.memory_space<vmem_shared>>) offsets(%dma_start3A_151 : memref<1024xi32, #tpu.memory_space<vmem>>) semaphore(%arg22 : memref<!tpu.dma_semaphore, #tpu.memory_space<semaphore_mem>>) {add = true}
    %dma_wait3A_155 = arith.constant 1 : i32
    %dma_wait3A_156 = arith.constant 0 : i32
    %dma_wait3A_157 = tpu.memref_slice %arg8[%dma_wait3A_155, %dma_wait3A_156] : memref<10x1024xi32, #tpu.memory_space<vmem>> -> memref<1x1024xi32, #tpu.memory_space<vmem>>
    %dma_wait3A_158 = tpu.memref_squeeze %dma_wait3A_157 : memref<1x1024xi32, #tpu.memory_space<vmem>> -> memref<1024xi32, #tpu.memory_space<vmem>>
    %dma_wait3A_159 = arith.constant 0 : i32
    %dma_wait3A_160 = arith.constant 0 : i32
    %dma_wait3A_161 = tpu.memref_slice %arg13[%dma_wait3A_159, %dma_wait3A_160] : memref<10240x16xf32, #tpu.memory_space<vmem_shared>> -> memref<10240x16xf32, #tpu.memory_space<vmem_shared>>
    tpu.wait_indirect_dma semaphore(%arg20 : memref<!tpu.dma_semaphore, #tpu.memory_space<semaphore_mem>>) src(%arg10 : memref<1024x16xf32, #tpu.memory_space<vmem>>) dst(%dma_wait3A_161 : memref<10240x16xf32, #tpu.memory_space<vmem_shared>>)
    %dma_start3A_162 = arith.constant 5 : i32
    %dma_start3A_163 = arith.constant 0 : i32
    %dma_start3A_164 = tpu.memref_slice %arg7[%dma_start3A_162, %dma_start3A_163] : memref<10x1024xi32, #tpu.memory_space<vmem>> -> memref<1x1024xi32, #tpu.memory_space<vmem>>
    %dma_start3A_165 = tpu.memref_squeeze %dma_start3A_164 : memref<1x1024xi32, #tpu.memory_space<vmem>> -> memref<1024xi32, #tpu.memory_space<vmem>>
    %dma_start3A_166 = arith.constant 0 : i32
    %dma_start3A_167 = arith.constant 0 : i32
    %dma_start3A_168 = tpu.memref_slice %arg14[%dma_start3A_166, %dma_start3A_167] : memref<10240x16xf32, #tpu.memory_space<vmem_shared>> -> memref<10240x16xf32, #tpu.memory_space<vmem_shared>>
    tpu.enqueue_indirect_dma source(%dma_start3A_168 : memref<10240x16xf32, #tpu.memory_space<vmem_shared>>) target(%arg10 : memref<1024x16xf32, #tpu.memory_space<vmem>>) offsets(%dma_start3A_165 : memref<1024xi32, #tpu.memory_space<vmem>>) semaphore(%arg16 : memref<!tpu.dma_semaphore, #tpu.memory_space<semaphore_mem>>)
    %dma_wait3A_169 = arith.constant 4 : i32
    %dma_wait3A_170 = arith.constant 0 : i32
    %dma_wait3A_171 = tpu.memref_slice %arg7[%dma_wait3A_169, %dma_wait3A_170] : memref<10x1024xi32, #tpu.memory_space<vmem>> -> memref<1x1024xi32, #tpu.memory_space<vmem>>
    %dma_wait3A_172 = tpu.memref_squeeze %dma_wait3A_171 : memref<1x1024xi32, #tpu.memory_space<vmem>> -> memref<1024xi32, #tpu.memory_space<vmem>>
    %dma_wait3A_173 = arith.constant 0 : i32
    %dma_wait3A_174 = arith.constant 0 : i32
    %dma_wait3A_175 = tpu.memref_slice %arg14[%dma_wait3A_173, %dma_wait3A_174] : memref<10240x16xf32, #tpu.memory_space<vmem_shared>> -> memref<10240x16xf32, #tpu.memory_space<vmem_shared>>
    tpu.wait_indirect_dma semaphore(%arg15 : memref<!tpu.dma_semaphore, #tpu.memory_space<semaphore_mem>>) src(%dma_wait3A_175 : memref<10240x16xf32, #tpu.memory_space<vmem_shared>>) dst(%arg9 : memref<1024x16xf32, #tpu.memory_space<vmem>>)
    %dma_start3A_176 = arith.constant 4 : i32
    %dma_start3A_177 = arith.constant 0 : i32
    %dma_start3A_178 = tpu.memref_slice %arg8[%dma_start3A_176, %dma_start3A_177] : memref<10x1024xi32, #tpu.memory_space<vmem>> -> memref<1x1024xi32, #tpu.memory_space<vmem>>
    %dma_start3A_179 = tpu.memref_squeeze %dma_start3A_178 : memref<1x1024xi32, #tpu.memory_space<vmem>> -> memref<1024xi32, #tpu.memory_space<vmem>>
    %dma_start3A_180 = arith.constant 0 : i32
    %dma_start3A_181 = arith.constant 0 : i32
    %dma_start3A_182 = tpu.memref_slice %arg13[%dma_start3A_180, %dma_start3A_181] : memref<10240x16xf32, #tpu.memory_space<vmem_shared>> -> memref<10240x16xf32, #tpu.memory_space<vmem_shared>>
    tpu.enqueue_indirect_dma source(%arg9 : memref<1024x16xf32, #tpu.memory_space<vmem>>) target(%dma_start3A_182 : memref<10240x16xf32, #tpu.memory_space<vmem_shared>>) offsets(%dma_start3A_179 : memref<1024xi32, #tpu.memory_space<vmem>>) semaphore(%arg19 : memref<!tpu.dma_semaphore, #tpu.memory_space<semaphore_mem>>) {add = true}
    %dma_wait3A_183 = arith.constant 2 : i32
    %dma_wait3A_184 = arith.constant 0 : i32
    %dma_wait3A_185 = tpu.memref_slice %arg8[%dma_wait3A_183, %dma_wait3A_184] : memref<10x1024xi32, #tpu.memory_space<vmem>> -> memref<1x1024xi32, #tpu.memory_space<vmem>>
    %dma_wait3A_186 = tpu.memref_squeeze %dma_wait3A_185 : memref<1x1024xi32, #tpu.memory_space<vmem>> -> memref<1024xi32, #tpu.memory_space<vmem>>
    %dma_wait3A_187 = arith.constant 0 : i32
    %dma_wait3A_188 = arith.constant 0 : i32
    %dma_wait3A_189 = tpu.memref_slice %arg13[%dma_wait3A_187, %dma_wait3A_188] : memref<10240x16xf32, #tpu.memory_space<vmem_shared>> -> memref<10240x16xf32, #tpu.memory_space<vmem_shared>>
    tpu.wait_indirect_dma semaphore(%arg21 : memref<!tpu.dma_semaphore, #tpu.memory_space<semaphore_mem>>) src(%arg11 : memref<1024x16xf32, #tpu.memory_space<vmem>>) dst(%dma_wait3A_189 : memref<10240x16xf32, #tpu.memory_space<vmem_shared>>)
    %dma_start3A_190 = arith.constant 6 : i32
    %dma_start3A_191 = arith.constant 0 : i32
    %dma_start3A_192 = tpu.memref_slice %arg7[%dma_start3A_190, %dma_start3A_191] : memref<10x1024xi32, #tpu.memory_space<vmem>> -> memref<1x1024xi32, #tpu.memory_space<vmem>>
    %dma_start3A_193 = tpu.memref_squeeze %dma_start3A_192 : memref<1x1024xi32, #tpu.memory_space<vmem>> -> memref<1024xi32, #tpu.memory_space<vmem>>
    %dma_start3A_194 = arith.constant 0 : i32
    %dma_start3A_195 = arith.constant 0 : i32
    %dma_start3A_196 = tpu.memref_slice %arg14[%dma_start3A_194, %dma_start3A_195] : memref<10240x16xf32, #tpu.memory_space<vmem_shared>> -> memref<10240x16xf32, #tpu.memory_space<vmem_shared>>
    tpu.enqueue_indirect_dma source(%dma_start3A_196 : memref<10240x16xf32, #tpu.memory_space<vmem_shared>>) target(%arg11 : memref<1024x16xf32, #tpu.memory_space<vmem>>) offsets(%dma_start3A_193 : memref<1024xi32, #tpu.memory_space<vmem>>) semaphore(%arg17 : memref<!tpu.dma_semaphore, #tpu.memory_space<semaphore_mem>>)
    %dma_wait3A_197 = arith.constant 5 : i32
    %dma_wait3A_198 = arith.constant 0 : i32
    %dma_wait3A_199 = tpu.memref_slice %arg7[%dma_wait3A_197, %dma_wait3A_198] : memref<10x1024xi32, #tpu.memory_space<vmem>> -> memref<1x1024xi32, #tpu.memory_space<vmem>>
    %dma_wait3A_200 = tpu.memref_squeeze %dma_wait3A_199 : memref<1x1024xi32, #tpu.memory_space<vmem>> -> memref<1024xi32, #tpu.memory_space<vmem>>
    %dma_wait3A_201 = arith.constant 0 : i32
    %dma_wait3A_202 = arith.constant 0 : i32
    %dma_wait3A_203 = tpu.memref_slice %arg14[%dma_wait3A_201, %dma_wait3A_202] : memref<10240x16xf32, #tpu.memory_space<vmem_shared>> -> memref<10240x16xf32, #tpu.memory_space<vmem_shared>>
    tpu.wait_indirect_dma semaphore(%arg16 : memref<!tpu.dma_semaphore, #tpu.memory_space<semaphore_mem>>) src(%dma_wait3A_203 : memref<10240x16xf32, #tpu.memory_space<vmem_shared>>) dst(%arg10 : memref<1024x16xf32, #tpu.memory_space<vmem>>)
    %dma_start3A_204 = arith.constant 5 : i32
    %dma_start3A_205 = arith.constant 0 : i32
    %dma_start3A_206 = tpu.memref_slice %arg8[%dma_start3A_204, %dma_start3A_205] : memref<10x1024xi32, #tpu.memory_space<vmem>> -> memref<1x1024xi32, #tpu.memory_space<vmem>>
    %dma_start3A_207 = tpu.memref_squeeze %dma_start3A_206 : memref<1x1024xi32, #tpu.memory_space<vmem>> -> memref<1024xi32, #tpu.memory_space<vmem>>
    %dma_start3A_208 = arith.constant 0 : i32
    %dma_start3A_209 = arith.constant 0 : i32
    %dma_start3A_210 = tpu.memref_slice %arg13[%dma_start3A_208, %dma_start3A_209] : memref<10240x16xf32, #tpu.memory_space<vmem_shared>> -> memref<10240x16xf32, #tpu.memory_space<vmem_shared>>
    tpu.enqueue_indirect_dma source(%arg10 : memref<1024x16xf32, #tpu.memory_space<vmem>>) target(%dma_start3A_210 : memref<10240x16xf32, #tpu.memory_space<vmem_shared>>) offsets(%dma_start3A_207 : memref<1024xi32, #tpu.memory_space<vmem>>) semaphore(%arg20 : memref<!tpu.dma_semaphore, #tpu.memory_space<semaphore_mem>>) {add = true}
    %dma_wait3A_211 = arith.constant 3 : i32
    %dma_wait3A_212 = arith.constant 0 : i32
    %dma_wait3A_213 = tpu.memref_slice %arg8[%dma_wait3A_211, %dma_wait3A_212] : memref<10x1024xi32, #tpu.memory_space<vmem>> -> memref<1x1024xi32, #tpu.memory_space<vmem>>
    %dma_wait3A_214 = tpu.memref_squeeze %dma_wait3A_213 : memref<1x1024xi32, #tpu.memory_space<vmem>> -> memref<1024xi32, #tpu.memory_space<vmem>>
    %dma_wait3A_215 = arith.constant 0 : i32
    %dma_wait3A_216 = arith.constant 0 : i32
    %dma_wait3A_217 = tpu.memref_slice %arg13[%dma_wait3A_215, %dma_wait3A_216] : memref<10240x16xf32, #tpu.memory_space<vmem_shared>> -> memref<10240x16xf32, #tpu.memory_space<vmem_shared>>
    tpu.wait_indirect_dma semaphore(%arg22 : memref<!tpu.dma_semaphore, #tpu.memory_space<semaphore_mem>>) src(%arg12 : memref<1024x16xf32, #tpu.memory_space<vmem>>) dst(%dma_wait3A_217 : memref<10240x16xf32, #tpu.memory_space<vmem_shared>>)
    %dma_start3A_218 = arith.constant 7 : i32
    %dma_start3A_219 = arith.constant 0 : i32
    %dma_start3A_220 = tpu.memref_slice %arg7[%dma_start3A_218, %dma_start3A_219] : memref<10x1024xi32, #tpu.memory_space<vmem>> -> memref<1x1024xi32, #tpu.memory_space<vmem>>
    %dma_start3A_221 = tpu.memref_squeeze %dma_start3A_220 : memref<1x1024xi32, #tpu.memory_space<vmem>> -> memref<1024xi32, #tpu.memory_space<vmem>>
    %dma_start3A_222 = arith.constant 0 : i32
    %dma_start3A_223 = arith.constant 0 : i32
    %dma_start3A_224 = tpu.memref_slice %arg14[%dma_start3A_222, %dma_start3A_223] : memref<10240x16xf32, #tpu.memory_space<vmem_shared>> -> memref<10240x16xf32, #tpu.memory_space<vmem_shared>>
    tpu.enqueue_indirect_dma source(%dma_start3A_224 : memref<10240x16xf32, #tpu.memory_space<vmem_shared>>) target(%arg12 : memref<1024x16xf32, #tpu.memory_space<vmem>>) offsets(%dma_start3A_221 : memref<1024xi32, #tpu.memory_space<vmem>>) semaphore(%arg18 : memref<!tpu.dma_semaphore, #tpu.memory_space<semaphore_mem>>)
    %dma_wait3A_225 = arith.constant 6 : i32
    %dma_wait3A_226 = arith.constant 0 : i32
    %dma_wait3A_227 = tpu.memref_slice %arg7[%dma_wait3A_225, %dma_wait3A_226] : memref<10x1024xi32, #tpu.memory_space<vmem>> -> memref<1x1024xi32, #tpu.memory_space<vmem>>
    %dma_wait3A_228 = tpu.memref_squeeze %dma_wait3A_227 : memref<1x1024xi32, #tpu.memory_space<vmem>> -> memref<1024xi32, #tpu.memory_space<vmem>>
    %dma_wait3A_229 = arith.constant 0 : i32
    %dma_wait3A_230 = arith.constant 0 : i32
    %dma_wait3A_231 = tpu.memref_slice %arg14[%dma_wait3A_229, %dma_wait3A_230] : memref<10240x16xf32, #tpu.memory_space<vmem_shared>> -> memref<10240x16xf32, #tpu.memory_space<vmem_shared>>
    tpu.wait_indirect_dma semaphore(%arg17 : memref<!tpu.dma_semaphore, #tpu.memory_space<semaphore_mem>>) src(%dma_wait3A_231 : memref<10240x16xf32, #tpu.memory_space<vmem_shared>>) dst(%arg11 : memref<1024x16xf32, #tpu.memory_space<vmem>>)
    %dma_start3A_232 = arith.constant 6 : i32
    %dma_start3A_233 = arith.constant 0 : i32
    %dma_start3A_234 = tpu.memref_slice %arg8[%dma_start3A_232, %dma_start3A_233] : memref<10x1024xi32, #tpu.memory_space<vmem>> -> memref<1x1024xi32, #tpu.memory_space<vmem>>
    %dma_start3A_235 = tpu.memref_squeeze %dma_start3A_234 : memref<1x1024xi32, #tpu.memory_space<vmem>> -> memref<1024xi32, #tpu.memory_space<vmem>>
    %dma_start3A_236 = arith.constant 0 : i32
    %dma_start3A_237 = arith.constant 0 : i32
    %dma_start3A_238 = tpu.memref_slice %arg13[%dma_start3A_236, %dma_start3A_237] : memref<10240x16xf32, #tpu.memory_space<vmem_shared>> -> memref<10240x16xf32, #tpu.memory_space<vmem_shared>>
    tpu.enqueue_indirect_dma source(%arg11 : memref<1024x16xf32, #tpu.memory_space<vmem>>) target(%dma_start3A_238 : memref<10240x16xf32, #tpu.memory_space<vmem_shared>>) offsets(%dma_start3A_235 : memref<1024xi32, #tpu.memory_space<vmem>>) semaphore(%arg21 : memref<!tpu.dma_semaphore, #tpu.memory_space<semaphore_mem>>) {add = true}
    %dma_wait3A_239 = arith.constant 4 : i32
    %dma_wait3A_240 = arith.constant 0 : i32
    %dma_wait3A_241 = tpu.memref_slice %arg8[%dma_wait3A_239, %dma_wait3A_240] : memref<10x1024xi32, #tpu.memory_space<vmem>> -> memref<1x1024xi32, #tpu.memory_space<vmem>>
    %dma_wait3A_242 = tpu.memref_squeeze %dma_wait3A_241 : memref<1x1024xi32, #tpu.memory_space<vmem>> -> memref<1024xi32, #tpu.memory_space<vmem>>
    %dma_wait3A_243 = arith.constant 0 : i32
    %dma_wait3A_244 = arith.constant 0 : i32
    %dma_wait3A_245 = tpu.memref_slice %arg13[%dma_wait3A_243, %dma_wait3A_244] : memref<10240x16xf32, #tpu.memory_space<vmem_shared>> -> memref<10240x16xf32, #tpu.memory_space<vmem_shared>>
    tpu.wait_indirect_dma semaphore(%arg19 : memref<!tpu.dma_semaphore, #tpu.memory_space<semaphore_mem>>) src(%arg9 : memref<1024x16xf32, #tpu.memory_space<vmem>>) dst(%dma_wait3A_245 : memref<10240x16xf32, #tpu.memory_space<vmem_shared>>)
    %dma_start3A_246 = arith.constant 8 : i32
    %dma_start3A_247 = arith.constant 0 : i32
    %dma_start3A_248 = tpu.memref_slice %arg7[%dma_start3A_246, %dma_start3A_247] : memref<10x1024xi32, #tpu.memory_space<vmem>> -> memref<1x1024xi32, #tpu.memory_space<vmem>>
    %dma_start3A_249 = tpu.memref_squeeze %dma_start3A_248 : memref<1x1024xi32, #tpu.memory_space<vmem>> -> memref<1024xi32, #tpu.memory_space<vmem>>
    %dma_start3A_250 = arith.constant 0 : i32
    %dma_start3A_251 = arith.constant 0 : i32
    %dma_start3A_252 = tpu.memref_slice %arg14[%dma_start3A_250, %dma_start3A_251] : memref<10240x16xf32, #tpu.memory_space<vmem_shared>> -> memref<10240x16xf32, #tpu.memory_space<vmem_shared>>
    tpu.enqueue_indirect_dma source(%dma_start3A_252 : memref<10240x16xf32, #tpu.memory_space<vmem_shared>>) target(%arg9 : memref<1024x16xf32, #tpu.memory_space<vmem>>) offsets(%dma_start3A_249 : memref<1024xi32, #tpu.memory_space<vmem>>) semaphore(%arg15 : memref<!tpu.dma_semaphore, #tpu.memory_space<semaphore_mem>>)
    %dma_wait3A_253 = arith.constant 7 : i32
    %dma_wait3A_254 = arith.constant 0 : i32
    %dma_wait3A_255 = tpu.memref_slice %arg7[%dma_wait3A_253, %dma_wait3A_254] : memref<10x1024xi32, #tpu.memory_space<vmem>> -> memref<1x1024xi32, #tpu.memory_space<vmem>>
    %dma_wait3A_256 = tpu.memref_squeeze %dma_wait3A_255 : memref<1x1024xi32, #tpu.memory_space<vmem>> -> memref<1024xi32, #tpu.memory_space<vmem>>
    %dma_wait3A_257 = arith.constant 0 : i32
    %dma_wait3A_258 = arith.constant 0 : i32
    %dma_wait3A_259 = tpu.memref_slice %arg14[%dma_wait3A_257, %dma_wait3A_258] : memref<10240x16xf32, #tpu.memory_space<vmem_shared>> -> memref<10240x16xf32, #tpu.memory_space<vmem_shared>>
    tpu.wait_indirect_dma semaphore(%arg18 : memref<!tpu.dma_semaphore, #tpu.memory_space<semaphore_mem>>) src(%dma_wait3A_259 : memref<10240x16xf32, #tpu.memory_space<vmem_shared>>) dst(%arg12 : memref<1024x16xf32, #tpu.memory_space<vmem>>)
    %dma_start3A_260 = arith.constant 7 : i32
    %dma_start3A_261 = arith.constant 0 : i32
    %dma_start3A_262 = tpu.memref_slice %arg8[%dma_start3A_260, %dma_start3A_261] : memref<10x1024xi32, #tpu.memory_space<vmem>> -> memref<1x1024xi32, #tpu.memory_space<vmem>>
    %dma_start3A_263 = tpu.memref_squeeze %dma_start3A_262 : memref<1x1024xi32, #tpu.memory_space<vmem>> -> memref<1024xi32, #tpu.memory_space<vmem>>
    %dma_start3A_264 = arith.constant 0 : i32
    %dma_start3A_265 = arith.constant 0 : i32
    %dma_start3A_266 = tpu.memref_slice %arg13[%dma_start3A_264, %dma_start3A_265] : memref<10240x16xf32, #tpu.memory_space<vmem_shared>> -> memref<10240x16xf32, #tpu.memory_space<vmem_shared>>
    tpu.enqueue_indirect_dma source(%arg12 : memref<1024x16xf32, #tpu.memory_space<vmem>>) target(%dma_start3A_266 : memref<10240x16xf32, #tpu.memory_space<vmem_shared>>) offsets(%dma_start3A_263 : memref<1024xi32, #tpu.memory_space<vmem>>) semaphore(%arg22 : memref<!tpu.dma_semaphore, #tpu.memory_space<semaphore_mem>>) {add = true}
    %dma_wait3A_267 = arith.constant 5 : i32
    %dma_wait3A_268 = arith.constant 0 : i32
    %dma_wait3A_269 = tpu.memref_slice %arg8[%dma_wait3A_267, %dma_wait3A_268] : memref<10x1024xi32, #tpu.memory_space<vmem>> -> memref<1x1024xi32, #tpu.memory_space<vmem>>
    %dma_wait3A_270 = tpu.memref_squeeze %dma_wait3A_269 : memref<1x1024xi32, #tpu.memory_space<vmem>> -> memref<1024xi32, #tpu.memory_space<vmem>>
    %dma_wait3A_271 = arith.constant 0 : i32
    %dma_wait3A_272 = arith.constant 0 : i32
    %dma_wait3A_273 = tpu.memref_slice %arg13[%dma_wait3A_271, %dma_wait3A_272] : memref<10240x16xf32, #tpu.memory_space<vmem_shared>> -> memref<10240x16xf32, #tpu.memory_space<vmem_shared>>
    tpu.wait_indirect_dma semaphore(%arg20 : memref<!tpu.dma_semaphore, #tpu.memory_space<semaphore_mem>>) src(%arg10 : memref<1024x16xf32, #tpu.memory_space<vmem>>) dst(%dma_wait3A_273 : memref<10240x16xf32, #tpu.memory_space<vmem_shared>>)
    %dma_start3A_274 = arith.constant 9 : i32
    %dma_start3A_275 = arith.constant 0 : i32
    %dma_start3A_276 = tpu.memref_slice %arg7[%dma_start3A_274, %dma_start3A_275] : memref<10x1024xi32, #tpu.memory_space<vmem>> -> memref<1x1024xi32, #tpu.memory_space<vmem>>
    %dma_start3A_277 = tpu.memref_squeeze %dma_start3A_276 : memref<1x1024xi32, #tpu.memory_space<vmem>> -> memref<1024xi32, #tpu.memory_space<vmem>>
    %dma_start3A_278 = arith.constant 0 : i32
    %dma_start3A_279 = arith.constant 0 : i32
    %dma_start3A_280 = tpu.memref_slice %arg14[%dma_start3A_278, %dma_start3A_279] : memref<10240x16xf32, #tpu.memory_space<vmem_shared>> -> memref<10240x16xf32, #tpu.memory_space<vmem_shared>>
    tpu.enqueue_indirect_dma source(%dma_start3A_280 : memref<10240x16xf32, #tpu.memory_space<vmem_shared>>) target(%arg10 : memref<1024x16xf32, #tpu.memory_space<vmem>>) offsets(%dma_start3A_277 : memref<1024xi32, #tpu.memory_space<vmem>>) semaphore(%arg16 : memref<!tpu.dma_semaphore, #tpu.memory_space<semaphore_mem>>)
    %dma_wait3A_281 = arith.constant 8 : i32
    %dma_wait3A_282 = arith.constant 0 : i32
    %dma_wait3A_283 = tpu.memref_slice %arg7[%dma_wait3A_281, %dma_wait3A_282] : memref<10x1024xi32, #tpu.memory_space<vmem>> -> memref<1x1024xi32, #tpu.memory_space<vmem>>
    %dma_wait3A_284 = tpu.memref_squeeze %dma_wait3A_283 : memref<1x1024xi32, #tpu.memory_space<vmem>> -> memref<1024xi32, #tpu.memory_space<vmem>>
    %dma_wait3A_285 = arith.constant 0 : i32
    %dma_wait3A_286 = arith.constant 0 : i32
    %dma_wait3A_287 = tpu.memref_slice %arg14[%dma_wait3A_285, %dma_wait3A_286] : memref<10240x16xf32, #tpu.memory_space<vmem_shared>> -> memref<10240x16xf32, #tpu.memory_space<vmem_shared>>
    tpu.wait_indirect_dma semaphore(%arg15 : memref<!tpu.dma_semaphore, #tpu.memory_space<semaphore_mem>>) src(%dma_wait3A_287 : memref<10240x16xf32, #tpu.memory_space<vmem_shared>>) dst(%arg9 : memref<1024x16xf32, #tpu.memory_space<vmem>>)
    %dma_start3A_288 = arith.constant 8 : i32
    %dma_start3A_289 = arith.constant 0 : i32
    %dma_start3A_290 = tpu.memref_slice %arg8[%dma_start3A_288, %dma_start3A_289] : memref<10x1024xi32, #tpu.memory_space<vmem>> -> memref<1x1024xi32, #tpu.memory_space<vmem>>
    %dma_start3A_291 = tpu.memref_squeeze %dma_start3A_290 : memref<1x1024xi32, #tpu.memory_space<vmem>> -> memref<1024xi32, #tpu.memory_space<vmem>>
    %dma_start3A_292 = arith.constant 0 : i32
    %dma_start3A_293 = arith.constant 0 : i32
    %dma_start3A_294 = tpu.memref_slice %arg13[%dma_start3A_292, %dma_start3A_293] : memref<10240x16xf32, #tpu.memory_space<vmem_shared>> -> memref<10240x16xf32, #tpu.memory_space<vmem_shared>>
    tpu.enqueue_indirect_dma source(%arg9 : memref<1024x16xf32, #tpu.memory_space<vmem>>) target(%dma_start3A_294 : memref<10240x16xf32, #tpu.memory_space<vmem_shared>>) offsets(%dma_start3A_291 : memref<1024xi32, #tpu.memory_space<vmem>>) semaphore(%arg19 : memref<!tpu.dma_semaphore, #tpu.memory_space<semaphore_mem>>) {add = true}
    %dma_wait3A_295 = arith.constant 9 : i32
    %dma_wait3A_296 = arith.constant 0 : i32
    %dma_wait3A_297 = tpu.memref_slice %arg7[%dma_wait3A_295, %dma_wait3A_296] : memref<10x1024xi32, #tpu.memory_space<vmem>> -> memref<1x1024xi32, #tpu.memory_space<vmem>>
    %dma_wait3A_298 = tpu.memref_squeeze %dma_wait3A_297 : memref<1x1024xi32, #tpu.memory_space<vmem>> -> memref<1024xi32, #tpu.memory_space<vmem>>
    %dma_wait3A_299 = arith.constant 0 : i32
    %dma_wait3A_300 = arith.constant 0 : i32
    %dma_wait3A_301 = tpu.memref_slice %arg14[%dma_wait3A_299, %dma_wait3A_300] : memref<10240x16xf32, #tpu.memory_space<vmem_shared>> -> memref<10240x16xf32, #tpu.memory_space<vmem_shared>>
    tpu.wait_indirect_dma semaphore(%arg16 : memref<!tpu.dma_semaphore, #tpu.memory_space<semaphore_mem>>) src(%dma_wait3A_301 : memref<10240x16xf32, #tpu.memory_space<vmem_shared>>) dst(%arg10 : memref<1024x16xf32, #tpu.memory_space<vmem>>)
    %dma_start3A_302 = arith.constant 9 : i32
    %dma_start3A_303 = arith.constant 0 : i32
    %dma_start3A_304 = tpu.memref_slice %arg8[%dma_start3A_302, %dma_start3A_303] : memref<10x1024xi32, #tpu.memory_space<vmem>> -> memref<1x1024xi32, #tpu.memory_space<vmem>>
    %dma_start3A_305 = tpu.memref_squeeze %dma_start3A_304 : memref<1x1024xi32, #tpu.memory_space<vmem>> -> memref<1024xi32, #tpu.memory_space<vmem>>
    %dma_start3A_306 = arith.constant 0 : i32
    %dma_start3A_307 = arith.constant 0 : i32
    %dma_start3A_308 = tpu.memref_slice %arg13[%dma_start3A_306, %dma_start3A_307] : memref<10240x16xf32, #tpu.memory_space<vmem_shared>> -> memref<10240x16xf32, #tpu.memory_space<vmem_shared>>
    tpu.enqueue_indirect_dma source(%arg10 : memref<1024x16xf32, #tpu.memory_space<vmem>>) target(%dma_start3A_308 : memref<10240x16xf32, #tpu.memory_space<vmem_shared>>) offsets(%dma_start3A_305 : memref<1024xi32, #tpu.memory_space<vmem>>) semaphore(%arg20 : memref<!tpu.dma_semaphore, #tpu.memory_space<semaphore_mem>>) {add = true}
    %dma_wait3A_309 = arith.constant 6 : i32
    %dma_wait3A_310 = arith.constant 0 : i32
    %dma_wait3A_311 = tpu.memref_slice %arg8[%dma_wait3A_309, %dma_wait3A_310] : memref<10x1024xi32, #tpu.memory_space<vmem>> -> memref<1x1024xi32, #tpu.memory_space<vmem>>
    %dma_wait3A_312 = tpu.memref_squeeze %dma_wait3A_311 : memref<1x1024xi32, #tpu.memory_space<vmem>> -> memref<1024xi32, #tpu.memory_space<vmem>>
    %dma_wait3A_313 = arith.constant 0 : i32
    %dma_wait3A_314 = arith.constant 0 : i32
    %dma_wait3A_315 = tpu.memref_slice %arg13[%dma_wait3A_313, %dma_wait3A_314] : memref<10240x16xf32, #tpu.memory_space<vmem_shared>> -> memref<10240x16xf32, #tpu.memory_space<vmem_shared>>
    tpu.wait_indirect_dma semaphore(%arg21 : memref<!tpu.dma_semaphore, #tpu.memory_space<semaphore_mem>>) src(%arg11 : memref<1024x16xf32, #tpu.memory_space<vmem>>) dst(%dma_wait3A_315 : memref<10240x16xf32, #tpu.memory_space<vmem_shared>>)
    %dma_wait3A_316 = arith.constant 7 : i32
    %dma_wait3A_317 = arith.constant 0 : i32
    %dma_wait3A_318 = tpu.memref_slice %arg8[%dma_wait3A_316, %dma_wait3A_317] : memref<10x1024xi32, #tpu.memory_space<vmem>> -> memref<1x1024xi32, #tpu.memory_space<vmem>>
    %dma_wait3A_319 = tpu.memref_squeeze %dma_wait3A_318 : memref<1x1024xi32, #tpu.memory_space<vmem>> -> memref<1024xi32, #tpu.memory_space<vmem>>
    %dma_wait3A_320 = arith.constant 0 : i32
    %dma_wait3A_321 = arith.constant 0 : i32
    %dma_wait3A_322 = tpu.memref_slice %arg13[%dma_wait3A_320, %dma_wait3A_321] : memref<10240x16xf32, #tpu.memory_space<vmem_shared>> -> memref<10240x16xf32, #tpu.memory_space<vmem_shared>>
    tpu.wait_indirect_dma semaphore(%arg22 : memref<!tpu.dma_semaphore, #tpu.memory_space<semaphore_mem>>) src(%arg12 : memref<1024x16xf32, #tpu.memory_space<vmem>>) dst(%dma_wait3A_322 : memref<10240x16xf32, #tpu.memory_space<vmem_shared>>)
    %dma_wait3A_323 = arith.constant 8 : i32
    %dma_wait3A_324 = arith.constant 0 : i32
    %dma_wait3A_325 = tpu.memref_slice %arg8[%dma_wait3A_323, %dma_wait3A_324] : memref<10x1024xi32, #tpu.memory_space<vmem>> -> memref<1x1024xi32, #tpu.memory_space<vmem>>
    %dma_wait3A_326 = tpu.memref_squeeze %dma_wait3A_325 : memref<1x1024xi32, #tpu.memory_space<vmem>> -> memref<1024xi32, #tpu.memory_space<vmem>>
    %dma_wait3A_327 = arith.constant 0 : i32
    %dma_wait3A_328 = arith.constant 0 : i32
    %dma_wait3A_329 = tpu.memref_slice %arg13[%dma_wait3A_327, %dma_wait3A_328] : memref<10240x16xf32, #tpu.memory_space<vmem_shared>> -> memref<10240x16xf32, #tpu.memory_space<vmem_shared>>
    tpu.wait_indirect_dma semaphore(%arg19 : memref<!tpu.dma_semaphore, #tpu.memory_space<semaphore_mem>>) src(%arg9 : memref<1024x16xf32, #tpu.memory_space<vmem>>) dst(%dma_wait3A_329 : memref<10240x16xf32, #tpu.memory_space<vmem_shared>>)
    %dma_wait3A_330 = arith.constant 9 : i32
    %dma_wait3A_331 = arith.constant 0 : i32
    %dma_wait3A_332 = tpu.memref_slice %arg8[%dma_wait3A_330, %dma_wait3A_331] : memref<10x1024xi32, #tpu.memory_space<vmem>> -> memref<1x1024xi32, #tpu.memory_space<vmem>>
    %dma_wait3A_333 = tpu.memref_squeeze %dma_wait3A_332 : memref<1x1024xi32, #tpu.memory_space<vmem>> -> memref<1024xi32, #tpu.memory_space<vmem>>
    %dma_wait3A_334 = arith.constant 0 : i32
    %dma_wait3A_335 = arith.constant 0 : i32
    %dma_wait3A_336 = tpu.memref_slice %arg13[%dma_wait3A_334, %dma_wait3A_335] : memref<10240x16xf32, #tpu.memory_space<vmem_shared>> -> memref<10240x16xf32, #tpu.memory_space<vmem_shared>>
    tpu.wait_indirect_dma semaphore(%arg20 : memref<!tpu.dma_semaphore, #tpu.memory_space<semaphore_mem>>) src(%arg10 : memref<1024x16xf32, #tpu.memory_space<vmem>>) dst(%dma_wait3A_336 : memref<10240x16xf32, #tpu.memory_space<vmem_shared>>)
    %barrier3A_337 = arith.constant 0 : index
    tpu.barrier barrier_id(%barrier3A_337)
    %mul3A_338 = arith.constant 640 : i32
    %mul3A_339 = arith.muli %arg1, %mul3A_338 : i32
    %mul3A_340 = arith.constant 640 : i32
    %mul3A_341 = arith.muli %arg1, %mul3A_340 : i32
    "tpu.region"() ({
      %run_scoped3A = tpu.sem_alloc : memref<!tpu.dma_semaphore, #tpu.memory_space<semaphore_mem>>
      %dma_start3A_342 = arith.constant 0 : i32
      %dma_start3A_343 = arith.constant 0 : i32
      %dma_start3A_344 = tpu.memref_slice %arg6[%arg0, %dma_start3A_342, %dma_start3A_343] : memref<2x10240x16xf32, #tpu.memory_space<hbm>> -> memref<1x10240x16xf32, #tpu.memory_space<hbm>>
      %dma_start3A_345 = tpu.memref_squeeze %dma_start3A_344 : memref<1x10240x16xf32, #tpu.memory_space<hbm>> -> memref<10240x16xf32, #tpu.memory_space<hbm>>
      %dma_start3A_346 = arith.constant 0 : i32
      %dma_start3A_347 = tpu.memref_slice %dma_start3A_345[%mul3A_341, %dma_start3A_346] : memref<10240x16xf32, #tpu.memory_space<hbm>> -> memref<640x16xf32, #tpu.memory_space<hbm>>
      %dma_start3A_348 = arith.constant 0 : i32
      %dma_start3A_349 = tpu.memref_slice %arg13[%mul3A_339, %dma_start3A_348] : memref<10240x16xf32, #tpu.memory_space<vmem_shared>> -> memref<640x16xf32, #tpu.memory_space<vmem_shared>>
      tpu.enqueue_dma source(%dma_start3A_349 : memref<640x16xf32, #tpu.memory_space<vmem_shared>>) target(%dma_start3A_347 : memref<640x16xf32, #tpu.memory_space<hbm>>) target_semaphore(%run_scoped3A : memref<!tpu.dma_semaphore, #tpu.memory_space<semaphore_mem>>)
      %dma_wait3A_350 = arith.constant 0 : i32
      %dma_wait3A_351 = arith.constant 0 : i32
      %dma_wait3A_352 = tpu.memref_slice %arg6[%arg0, %dma_wait3A_350, %dma_wait3A_351] : memref<2x10240x16xf32, #tpu.memory_space<hbm>> -> memref<1x10240x16xf32, #tpu.memory_space<hbm>>
      %dma_wait3A_353 = tpu.memref_squeeze %dma_wait3A_352 : memref<1x10240x16xf32, #tpu.memory_space<hbm>> -> memref<10240x16xf32, #tpu.memory_space<hbm>>
      %dma_wait3A_354 = arith.constant 0 : i32
      %dma_wait3A_355 = tpu.memref_slice %dma_wait3A_353[%mul3A_341, %dma_wait3A_354] : memref<10240x16xf32, #tpu.memory_space<hbm>> -> memref<640x16xf32, #tpu.memory_space<hbm>>
      %dma_wait3A_356 = arith.constant 0 : i32
      %dma_wait3A_357 = tpu.memref_slice %arg13[%mul3A_339, %dma_wait3A_356] : memref<10240x16xf32, #tpu.memory_space<vmem_shared>> -> memref<640x16xf32, #tpu.memory_space<vmem_shared>>
      tpu.wait_dma2 semaphore(%run_scoped3A : memref<!tpu.dma_semaphore, #tpu.memory_space<semaphore_mem>>) src(%dma_wait3A_357 : memref<640x16xf32, #tpu.memory_space<vmem_shared>>) dst(%dma_wait3A_355 : memref<640x16xf32, #tpu.memory_space<hbm>>)
      tpu.yield
    }) : () -> ()
    return
  }
}

module attributes {stable_mosaic.version = 14 : i64} {
  func.func @_tc_stage1(%arg0: memref<10000x128xf32, #tpu.memory_space<vmem>>, %arg1: memref<128x16xf32, #tpu.memory_space<vmem>>, %arg2: memref<2x10240x16xf32, #tpu.memory_space<vmem>>, %arg3: memref<10000x16xf32, #tpu.memory_space<vmem>>, %arg4: memref<10000x16xf32, #tpu.memory_space<vmem>>) attributes {dimension_semantics = [], scalar_prefetch = 0 : i64, scratch_operands = 0 : i64, tpu.core_type = #tpu.core_type<tc>} {
    %get3A = arith.constant 0 : index
    %get3A_0 = arith.constant 0 : index
    %get3A_1 = arith.constant 0 : index
    %get3A_2 = vector.load %arg2[%get3A, %get3A_0, %get3A_1] : memref<2x10240x16xf32, #tpu.memory_space<vmem>>, vector<1x10240x16xf32>
    %get3A_3 = vector.shape_cast %get3A_2 : vector<1x10240x16xf32> to vector<10240x16xf32>
    %get3A_4 = arith.constant 1 : index
    %get3A_5 = arith.constant 0 : index
    %get3A_6 = arith.constant 0 : index
    %get3A_7 = vector.load %arg2[%get3A_4, %get3A_5, %get3A_6] : memref<2x10240x16xf32, #tpu.memory_space<vmem>>, vector<1x10240x16xf32>
    %get3A_8 = vector.shape_cast %get3A_7 : vector<1x10240x16xf32> to vector<10240x16xf32>
    %add3A = arith.addf %get3A_3, %get3A_8 : vector<10240x16xf32>
    %slice3A = vector.extract_strided_slice %add3A {offsets = [0, 0], sizes = [10000, 16], strides = [1, 1]} : vector<10240x16xf32> to vector<10000x16xf32>
    %add3A_9 = arith.constant 1.000000e+00 : f32
    %add3A_10 = vector.broadcast %add3A_9 : f32 to vector<10000x16xf32>
    %add3A_11 = arith.addf %slice3A, %add3A_10 : vector<10000x16xf32>
    %rsqrt3A = math.rsqrt %add3A_11 : vector<10000x16xf32>
    %get3A_12 = arith.constant 0 : index
    %get3A_13 = arith.constant 0 : index
    %get3A_14 = vector.load %arg0[%get3A_12, %get3A_13] : memref<10000x128xf32, #tpu.memory_space<vmem>>, vector<10000x128xf32>
    %get3A_15 = arith.constant 0 : index
    %get3A_16 = arith.constant 0 : index
    %get3A_17 = vector.load %arg1[%get3A_15, %get3A_16] : memref<128x16xf32, #tpu.memory_space<vmem>>, vector<128x16xf32>
    %dot_general3A = arith.constant dense<0.000000e+00> : vector<10000x16xf32>
    %dot_general3A_18 = tpu.matmul %get3A_14, %get3A_17, %dot_general3A {dimension_numbers = #tpu.dot_dimension_numbers<[1], [0], [0], [1], [0, 0, 1, 1], [], []>, transpose_lhs_hint = false} : vector<10000x128xf32>, vector<128x16xf32>, vector<10000x16xf32> -> vector<10000x16xf32>
    %mul3A = arith.mulf %dot_general3A_18, %rsqrt3A : vector<10000x16xf32>
    %swap3A = arith.constant 0 : index
    %swap3A_19 = arith.constant 0 : index
    %swap3A_20 = vector.load %arg3[%swap3A, %swap3A_19] : memref<10000x16xf32, #tpu.memory_space<vmem>>, vector<10000x16xf32>
    tpu.vector_store %arg3[%swap3A, %swap3A_19], %mul3A {strides = array<i32>} : memref<10000x16xf32, #tpu.memory_space<vmem>>, vector<10000x16xf32>,
    %swap3A_21 = arith.constant 0 : index
    %swap3A_22 = arith.constant 0 : index
    %swap3A_23 = vector.load %arg4[%swap3A_21, %swap3A_22] : memref<10000x16xf32, #tpu.memory_space<vmem>>, vector<10000x16xf32>
    tpu.vector_store %arg4[%swap3A_21, %swap3A_22], %rsqrt3A {strides = array<i32>} : memref<10000x16xf32, #tpu.memory_space<vmem>>, vector<10000x16xf32>,
    return
  }
}

module attributes {stable_mosaic.version = 14 : i64} {
  func.func @_tc_stage2(%arg0: memref<2x10240x16xf32, #tpu.memory_space<vmem>>, %arg1: memref<10000x16xf32, #tpu.memory_space<vmem>>, %arg2: memref<16xf32, #tpu.memory_space<vmem>>, %arg3: memref<16x16xf32, #tpu.memory_space<vmem>>, %arg4: memref<10000x16xf32, #tpu.memory_space<vmem>>) attributes {dimension_semantics = [], scalar_prefetch = 0 : i64, scratch_operands = 0 : i64, tpu.core_type = #tpu.core_type<tc>} {
    %get3A = arith.constant 0 : index
    %get3A_0 = arith.constant 0 : index
    %get3A_1 = vector.load %arg1[%get3A, %get3A_0] : memref<10000x16xf32, #tpu.memory_space<vmem>>, vector<10000x16xf32>
    %get3A_2 = arith.constant 0 : index
    %get3A_3 = arith.constant 0 : index
    %get3A_4 = arith.constant 0 : index
    %get3A_5 = vector.load %arg0[%get3A_2, %get3A_3, %get3A_4] : memref<2x10240x16xf32, #tpu.memory_space<vmem>>, vector<1x10240x16xf32>
    %get3A_6 = vector.shape_cast %get3A_5 : vector<1x10240x16xf32> to vector<10240x16xf32>
    %get3A_7 = arith.constant 1 : index
    %get3A_8 = arith.constant 0 : index
    %get3A_9 = arith.constant 0 : index
    %get3A_10 = vector.load %arg0[%get3A_7, %get3A_8, %get3A_9] : memref<2x10240x16xf32, #tpu.memory_space<vmem>>, vector<1x10240x16xf32>
    %get3A_11 = vector.shape_cast %get3A_10 : vector<1x10240x16xf32> to vector<10240x16xf32>
    %add3A = arith.addf %get3A_6, %get3A_11 : vector<10240x16xf32>
    %slice3A = vector.extract_strided_slice %add3A {offsets = [0, 0], sizes = [10000, 16], strides = [1, 1]} : vector<10240x16xf32> to vector<10000x16xf32>
    %mul3A = arith.mulf %slice3A, %get3A_1 : vector<10000x16xf32>
    %get3A_12 = arith.constant 0 : index
    %get3A_13 = vector.load %arg2[%get3A_12] : memref<16xf32, #tpu.memory_space<vmem>>, vector<16xf32>
    %broadcast_in_dim3A = vector.shape_cast %get3A_13 : vector<16xf32> to vector<1x16xf32>
    %add3A_14 = vector.broadcast %broadcast_in_dim3A : vector<1x16xf32> to vector<10000x16xf32>
    %add3A_15 = arith.addf %mul3A, %add3A_14 : vector<10000x16xf32>
    %max3A = arith.constant 0.000000e+00 : f32
    %max3A_16 = vector.broadcast %max3A : f32 to vector<10000x16xf32>
    %max3A_17 = arith.maximumf %add3A_15, %max3A_16 : vector<10000x16xf32>
    %get3A_18 = arith.constant 0 : index
    %get3A_19 = arith.constant 0 : index
    %get3A_20 = vector.load %arg3[%get3A_18, %get3A_19] : memref<16x16xf32, #tpu.memory_space<vmem>>, vector<16x16xf32>
    %dot_general3A = arith.constant dense<0.000000e+00> : vector<10000x16xf32>
    %dot_general3A_21 = tpu.matmul %max3A_17, %get3A_20, %dot_general3A {dimension_numbers = #tpu.dot_dimension_numbers<[1], [0], [0], [1], [0, 0, 1, 1], [], []>, transpose_lhs_hint = false} : vector<10000x16xf32>, vector<16x16xf32>, vector<10000x16xf32> -> vector<10000x16xf32>
    %mul3A_22 = arith.mulf %dot_general3A_21, %get3A_1 : vector<10000x16xf32>
    %swap3A = arith.constant 0 : index
    %swap3A_23 = arith.constant 0 : index
    %swap3A_24 = vector.load %arg4[%swap3A, %swap3A_23] : memref<10000x16xf32, #tpu.memory_space<vmem>>, vector<10000x16xf32>
    tpu.vector_store %arg4[%swap3A, %swap3A_23], %mul3A_22 {strides = array<i32>} : memref<10000x16xf32, #tpu.memory_space<vmem>>, vector<10000x16xf32>,
    return
  }
}

module attributes {stable_mosaic.version = 14 : i64} {
  func.func @_tc_stage3(%arg0: memref<2x10240x16xf32, #tpu.memory_space<vmem>>, %arg1: memref<10000x16xf32, #tpu.memory_space<vmem>>, %arg2: memref<16xf32, #tpu.memory_space<vmem>>, %arg3: memref<10000x16xf32, #tpu.memory_space<vmem>>) attributes {dimension_semantics = [], scalar_prefetch = 0 : i64, scratch_operands = 0 : i64, tpu.core_type = #tpu.core_type<tc>} {
    %get3A = arith.constant 0 : index
    %get3A_0 = arith.constant 0 : index
    %get3A_1 = arith.constant 0 : index
    %get3A_2 = vector.load %arg0[%get3A, %get3A_0, %get3A_1] : memref<2x10240x16xf32, #tpu.memory_space<vmem>>, vector<1x10240x16xf32>
    %get3A_3 = vector.shape_cast %get3A_2 : vector<1x10240x16xf32> to vector<10240x16xf32>
    %get3A_4 = arith.constant 1 : index
    %get3A_5 = arith.constant 0 : index
    %get3A_6 = arith.constant 0 : index
    %get3A_7 = vector.load %arg0[%get3A_4, %get3A_5, %get3A_6] : memref<2x10240x16xf32, #tpu.memory_space<vmem>>, vector<1x10240x16xf32>
    %get3A_8 = vector.shape_cast %get3A_7 : vector<1x10240x16xf32> to vector<10240x16xf32>
    %add3A = arith.addf %get3A_3, %get3A_8 : vector<10240x16xf32>
    %slice3A = vector.extract_strided_slice %add3A {offsets = [0, 0], sizes = [10000, 16], strides = [1, 1]} : vector<10240x16xf32> to vector<10000x16xf32>
    %get3A_9 = arith.constant 0 : index
    %get3A_10 = arith.constant 0 : index
    %get3A_11 = vector.load %arg1[%get3A_9, %get3A_10] : memref<10000x16xf32, #tpu.memory_space<vmem>>, vector<10000x16xf32>
    %mul3A = arith.mulf %slice3A, %get3A_11 : vector<10000x16xf32>
    %get3A_12 = arith.constant 0 : index
    %get3A_13 = vector.load %arg2[%get3A_12] : memref<16xf32, #tpu.memory_space<vmem>>, vector<16xf32>
    %broadcast_in_dim3A = vector.shape_cast %get3A_13 : vector<16xf32> to vector<1x16xf32>
    %add3A_14 = vector.broadcast %broadcast_in_dim3A : vector<1x16xf32> to vector<10000x16xf32>
    %add3A_15 = arith.addf %mul3A, %add3A_14 : vector<10000x16xf32>
    %swap3A = arith.constant 0 : index
    %swap3A_16 = arith.constant 0 : index
    %swap3A_17 = vector.load %arg3[%swap3A, %swap3A_16] : memref<10000x16xf32, #tpu.memory_space<vmem>>, vector<10000x16xf32>
    tpu.vector_store %arg3[%swap3A, %swap3A_16], %add3A_15 {strides = array<i32>} : memref<10000x16xf32, #tpu.memory_space<vmem>>, vector<10000x16xf32>,
    return
  }
}

</mosaic_0001>

<sc_bundles>
// kernel: kernel.11.cloned.1.call-start
scs
__scs_entry_jumppad:
0x0: {  	(pc) =	sbr.rel $0x88, $3  }
0x1: {  	(tag) =	ssettag $0x0;
	lr =	simm.s32 $0x1  }
0x2: {  	[smem:$0x3F9B] =	sst lr;
	_ =	strace $0xD0000000  }
0x3: {  	_ = 	snop  }
0x4: {  	_ = 	snop  }
0x5: {  	_ = 	snop  }
0x6: {  	_ = 	snop  }
0x7: {  	_ = 	snop  }
__scs_overlays_trampoline_lowered:
0x8: {  	[smem:$0x3FAA] =	sst s0  }
0x9: {  	[smem:$0x3FAB] =	sst s1  }
0xa: {  	[smem:$0x3FAC] =	sst s2  }
0xb: {  	[smem:$0x3FAD] =	sst s3  }
0xc: {  	[smem:$0x3FAE] =	sst s4  }
0xd: {  	[smem:$0x3FAF] =	sst s5  }
0xe: {  	[smem:$0x3FB0] =	sst s6  }
0xf: {  	[smem:$0x3FB1] =	sst s7  }
0x10: {  	[smem:$0x3FB2] =	sst s8  }
0x11: {  	[smem:$0x3FB3] =	sst s9;
	s0 =	simm.s32 @!p0 $0x0  }
0x12: {  	s1 =	sld [smem:$0x3F99];
	s0 =	simm.s32 @p0 $0x1  }
0x13: {  	[smem:$0x3FB4] =	sst s0;
	s0 =	simm.s32 @!p1 $0x0  }
0x14: {  	s2 =	sld [smem:$0x3F98];
	s0 =	simm.s32 @p1 $0x1  }
0x15: {  	[smem:$0x3FB5] =	sst s0;
	s0 =	simm.s32 @!p2 $0x0  }
0x16: {  	s3 =	sld [smem:$0x3FDB];
	s0 =	simm.s32 @p2 $0x1  }
0x17: {  	s4 =	simm.s32 $0x1BF5;
	[smem:$0x3FB7] =	sst s0  }
0x18: {  	s0 =	sld [smem:$0x3F9A];
	_ =	swait.ge [sflag:s4], $0x0  }
0x19: {  	s7 =	sld [smem:$0x3F9B]  }
0x1a: {  	s8 =	sadd.s32 $0xFFFFE003, lr  }
0x1b: {  	s9 =	sadd.s32 $0xFFFFFEF7, lr;
	s5 =	simm.s32 $0xFFFFFFFF;
	p2 =	slt.u32 s8, $0xFFFFF086  }
0x1c: {  	p1 =	slt.u32 s9, $0xF7A;
	s5 =	simm.s32 @!p2 $0x0  }
0x1d: {  	s5 =	simm.s32 @p1 $0x1;
	p0 =	seq.s32 s7, s2  }
0x1e: {  	s7 =	smul.u32 @!p0 $0xF7A, s2;
	p2 =	seq.s32 @!p0 s5, $0x0  }
0x1f: {  	s9 =	smul.u32 $0xF7A, s1;
	s8 =	simm.s32 @!p0 $0x1BF5;
	p2 =	por !p2, p0  }
0x20: {  	[sflag:s8] =	ssyncset.s32 @!p0 $0xFFFFF086;
	s6 =	sadd.s32 @!p0 s3, s7;
	s7 =	simm.s32 @!p0 $0x108  }
0x21: {  	s3 =	sadd.s32 s3, s9;
	s6 =	sadd.s32 @!p0 $0x88, s6;
	s7 =	simm.s32 @p2 $0x1082  }
0x22: {  	[simem:s7], [sflag:s8] =	dma.local @!p0 [hbm:s6], $0xF7A  }
0x23: {  	s9 =	sor.u32 $0xD0000000, s2;
	s6 =	simm.s32 $0x108;
	_ =	swait.ge @!p0 [sflag:s8], $0x0  }
0x24: {  	s3 =	sadd.s32 $0x88, s3;
	s6 =	simm.s32 @!p1 $0x1082;
	[sflag:s4] =	ssyncset.s32 $0xFFFFF086  }
0x25: {  	[simem:s6], [sflag:s4] =	dma.local [hbm:s3], $0xF7A  }
0x26: {  	[smem:$0x3F9B] =	sst s1;
	(tag) =	ssettag s2;
	_ =	strace s9  }
0x27: {  	s1 =	sld [smem:$0x3FAB]  }
0x28: {  	s2 =	sld [smem:$0x3FAC]  }
0x29: {  	s4 =	sld [smem:$0x3FAE]  }
0x2a: {  	p0 =	seq.s32 s5, $0x0;
	s5 =	sld [smem:$0x3FAF]  }
0x2b: {  	s6 =	sld [smem:$0x3FB0]  }
0x2c: {  	s7 =	sld [smem:$0x3FB1]  }
0x2d: {  	s3 =	simm.s32 $0x108;
	s8 =	sld [smem:$0x3FB2]  }
0x2e: {  	s3 =	simm.s32 @!p0 $0x1082;
	s9 =	sld [smem:$0x3FB3]  }
0x2f: {  	lr =	sadd.s32 s0, s3;
	s0 =	sld [smem:$0x3FAA]  }
0x30: {  	s3 =	sld [smem:$0x3FAD]  }
0x31: {  	[smem:$0x3FB6] =	sst s10  }
0x32: {  	s10 =	sld [smem:$0x3FB4];
	_ =	sdelay $0x3  }
0x33: {  	p0 =	seq.s32 s10, $0x1;
	s10 =	sld [smem:$0x3FB6];
	_ =	sdelay $0x3  }
0x34: {  	[smem:$0x3FB6] =	sst s10  }
0x35: {  	s10 =	sld [smem:$0x3FB5];
	_ =	sdelay $0x3  }
0x36: {  	p1 =	seq.s32 s10, $0x1;
	s10 =	sld [smem:$0x3FB6];
	_ =	sdelay $0x3  }
0x37: {  	[smem:$0x3FB6] =	sst s10  }
0x38: {  	s10 =	sld [smem:$0x3FB7]  }
0x39: {  	_ = 	snop;
	(pc) =	sbr.ind lr, $3  }
0x3a: {  	_ = 	snop  }
0x3b: {  	_ = 	snop  }
0x3c: {  	p2 =	seq.s32 s10, $0x1;
	s10 =	sld [smem:$0x3FB6]  }
0x3d: {  	_ =	shalt  }
0x3e: {  	_ =	shalt  }
0x3f: {  	_ =	shalt  }
0x40: {  	_ =	shalt  }
0x41: {  	_ =	shalt  }
0x42: {  	_ =	shalt  }
0x43: {  	_ =	shalt  }
0x44: {  	_ =	shalt  }
0x45: {  	_ =	shalt  }
0x46: {  	_ =	shalt  }
0x47: {  	_ =	shalt  }
0x48: {  	_ =	shalt  }
0x49: {  	_ =	shalt  }
0x4a: {  	_ =	shalt  }
0x4b: {  	_ =	shalt  }
0x4c: {  	_ =	shalt  }
0x4d: {  	_ =	shalt  }
0x4e: {  	_ =	shalt  }
0x4f: {  	_ =	shalt  }
0x50: {  	_ =	shalt  }
0x51: {  	_ =	shalt  }
0x52: {  	_ =	shalt  }
0x53: {  	_ =	shalt  }
0x54: {  	_ =	shalt  }
0x55: {  	_ =	shalt  }
0x56: {  	_ =	shalt  }
0x57: {  	_ =	shalt  }
0x58: {  	_ =	shalt  }
0x59: {  	_ =	shalt  }
0x5a: {  	_ =	shalt  }
0x5b: {  	_ =	shalt  }
0x5c: {  	_ =	shalt  }
0x5d: {  	_ =	shalt  }
0x5e: {  	_ =	shalt  }
0x5f: {  	_ =	shalt  }
0x60: {  	_ =	shalt  }
0x61: {  	_ =	shalt  }
0x62: {  	_ =	shalt  }
0x63: {  	_ =	shalt  }
0x64: {  	_ =	shalt  }
0x65: {  	_ =	shalt  }
0x66: {  	_ =	shalt  }
0x67: {  	_ =	shalt  }
0x68: {  	_ =	shalt  }
0x69: {  	_ =	shalt  }
0x6a: {  	_ =	shalt  }
0x6b: {  	_ =	shalt  }
0x6c: {  	_ =	shalt  }
0x6d: {  	_ =	shalt  }
0x6e: {  	_ =	shalt  }
0x6f: {  	_ =	shalt  }
0x70: {  	_ =	shalt  }
0x71: {  	_ =	shalt  }
0x72: {  	_ =	shalt  }
0x73: {  	_ =	shalt  }
0x74: {  	_ =	shalt  }
0x75: {  	_ =	shalt  }
0x76: {  	_ =	shalt  }
0x77: {  	_ =	shalt  }
0x78: {  	_ =	shalt  }
0x79: {  	_ =	shalt  }
0x7a: {  	_ =	shalt  }
0x7b: {  	_ =	shalt  }
0x7c: {  	_ =	shalt  }
0x7d: {  	_ =	shalt  }
0x7e: {  	_ =	shalt  }
0x7f: {  	_ =	shalt  }
0x80: {  	_ =	shalt  }
0x81: {  	_ =	shalt  }
0x82: {  	_ =	shalt  }
0x83: {  	_ =	shalt  }
0x84: {  	_ =	shalt  }
0x85: {  	_ =	shalt  }
0x86: {  	_ =	shalt  }
0x87: {  	_ =	shalt  }
.Lfunc_end0:
.L_simem_size_0:
called_computation.1_lowered:
.L_overlay_start_0:
0x88: {  	s2 =	sld [smem:$0x3FD9]  }
0x89: {  	s3 =	sld [smem:$0x3FFE];
	_ =	sdelay $0x1  }
0x8a: {  	s1 =	srdreg.scid  }
0x8b: {  	s0 =	sand.u32 $0x1, s1  }
0x8c: {  	s17 =	sshll.u32 s0, $0xA;
	s2 =	sadd.s32 s3, s2  }
0x8d: {  	s2 =	sadd.s32 s2, s17  }
0x8e: {  	[smem:$0x3FC2] =	sst s2  }
0x8f: {  	_ = 	snop  }
0x90: {  	s2 =	sld [smem:$0x3FD0];
	(tm) =	ssettm $0x1  }
0x91: {  	s18 =	sld [smem:$0x3FFB];
	_ =	sdelay $0x3  }
0x92: {  	_ =	strace s18  }
0x93: {  	s3 =	sld [smem:$0x3FFC];
	_ =	sdelay $0x3  }
0x94: {  	_ =	strace s3  }
0x95: {  	s3 =	sld [smem:$0x3FFD];
	_ =	sdelay $0x3  }
0x96: {  	_ =	strace s3  }
0x97: {  	_ =	strace $0x8FFFFFFF  }
0x98: {  	s19 =	sld [smem:$0x3FDB];
	_ =	sdelay $0x1  }
0x99: {  	s4 =	simm.s32 $_scs_section_size  }
0x9a: {  	s5 =	simm.s32 $_size__tile_overlayer_lowered;
	s6 =	simm.s32 $_tile_overlayer_lowered  }
0x9b: {  	s22 =	simm.s32 $0x1BFF;
	s21 =	sshll.u32 s6, $0x1;
	s3 =	sadd.s32 s4, s19  }
0x9c: {  	s7 =	simm.s32 $0x0;
	s20 =	sshll.u32 s5, $0x1;
	s5 =	sadd.s32 s21, s3  }
0x9d: {  	[timem:s7], [sflag:s22] =	dma.local [hbm:s5], s20  }
0x9e: {  	_ =	swait.ge [sflag:s22], s20  }
0x9f: {  	s4 =	ssub.s32 $0x0, s20;
	[sflag:s22] =	ssyncset.done $0x0  }
0xa0: {  	[sflag:s22] =	ssyncadd.s32 s4;
	_ =	sdelay $0x1  }
0xa1: {  	s23 =	simm.s32 $0x1B8B  }
0xa2: {  	_ =	swait.ge [sflag:s23], $0x1  }
0xa3: {  	[sflag:s23] =	ssyncset.done $0x0  }
0xa4: {  	s25 =	simm.s32 $0x1B8E;
	s24 =	sld [smem:$0x3FFE];
	[sflag:s23] =	ssyncadd.s32 $0xFFFFFFFF  }
0xa5: {  	s26 =	simm.s32 $execute0_lowered;
	[smem:$0x3FD2] =	sst s25  }
0xa6: {  	s5 =	sshll.u32 s26, $0x1;
	_ =	strace $0x80000049;
	[dreg:$0x1] =	wrdreg $0xFFFFFFFF  }
0xa7: {  	s28 =	simm.s32 $_size_execute0_lowered;
	s3 =	sadd.s32 s3, s5;
	[dreg:$0x0] =	wrdreg $0x0  }
0xa8: {  	s5 =	sshll.u32 s28, $0x1;
	[dreg:$0x2] =	wrdreg s3  }
0xa9: {  	[dreg:$0x3] =	wrdreg s5  }
0xaa: {  	[dreg:$0x4] =	wrdreg $0xC0  }
0xab: {  	_ =	task [dreg:s7], $0x5FFFF  }
0xac: {  	[dreg:$0x1] =	wrdreg $0xFFFFFFFF  }
0xad: {  	[dreg:$0x0] =	wrdreg $0x60  }
0xae: {  	[dreg:$0x2] =	wrdreg s2  }
0xaf: {  	[dreg:$0x3] =	wrdreg s24  }
0xb0: {  	[dreg:$0x4] =	wrdreg $0x178000  }
0xb1: {  	[dreg:$0x5] =	wrdreg $0x150000  }
0xb2: {  	[dreg:$0x6] =	wrdreg $0x9  }
0xb3: {  	_ =	task.clear_ibuf [dreg:s7], $0x7FFFF;
	_ =	strace $0x90000049  }
0xb4: {  	s29 =	simm.s32 $0x9;
	_ =	strace $0x8000004B  }
0xb5: {  	_ =	swait.ge [sflag:s29], $0x1  }
0xb6: {  	[sflag:s29] =	ssyncadd.s32 $0xFFFFFFFF  }
0xb7: {  	_ =	strace $0x9000004B  }
0xb8: {  	_ =	sfence  }
0xb9: {  	s30 =	sld [smem:$0x0];
	_ =	sdelay $0x2  }
0xba: {  	s31 =	sshll.u32 s1, $0xD;
	s1 =	sshrl.u32 s1, $0x2  }
0xbb: {  	s3 =	sand.u32 $0x4000, s31;
	s1 =	sadd.s32 s1, s30  }
0xbc: {  	s0 =	sor.u32 s3, s0;
	s1 =	sshll.u32 s1, $0x11  }
0xbd: {  	s0 =	sor.u32 s1, s0  }
0xbe: {  	s0 =	sadd.s32 $0x8F2B, s0  }
0xbf: {  	[sflag:s0] =	ssyncadd.remote.s32 $0x1  }
0xc0: {  	_ =	sfence.sel $0xFFFF  }
0xc1: {  	[dreg:$0x0] =	wrdreg $0xFFFFFFFF;
	(pc) =	sbr.abs _section_cstart, $3  }
0xc2: {  	[dreg:$0x1] =	wrdreg $0xFFFFFFFF  }
0xc3: {  	_ =	task.clear_ibuf [dreg:s7], $0x2FFFF;
	_ =	strace $0x9FFFFFFF  }
0xc4: {  	(tm) =	ssettm $0x7FFFFFFF  }
0xc5: {  	_ =	shalt  }
tec
execute0_lowered:
.L_overlay_start_1:
0x0: {  	(tag) =	ssettag $0x1  }
0x1: {  	s0 =	rddreg [dreg:$0x0]  }
0x2: {  	s6 =	rddreg [dreg:$0x1]  }
0x3: {  	s2 =	rddreg [dreg:$0x2]  }
0x4: {  	s1 =	srdreg.scid;
	s3 =	rddreg [dreg:$0x3];
	s4 =	simm.s32 $0x0  }
0x5: {  	s28 =	simm.s32 $0x9000;
	s29 =	simm.s32 $0x1;
	s31 =	simm.s32 $0xD000  }
0x6: {  	s30 =	simm.s32 $0x4;
	s11 =	sand.u32 $0x1, s1;
	s1 =	stileid.u32  }
0x7: {  	[smem:$0x7FF] =	sst s4;
	s19 =	sadd.s32 $0xB600, s6;
	s16 =	sadd.s32 $0x25800, s2  }
0x8: {  	s22 =	sadd.s32 $0x27100, s2;
	s17 =	sadd.s32 $0x25800, s3;
	s18 =	sadd.s32 $0x27100, s3  }
0x9: {  	s5 =	sshll.u32 s11, $0x4;
	_ =	strace $0x8000004A;
	s7 =	smul.u32 $0x5000, s11  }
0xa: {  	s9 =	ssub.s32 $0x2, s11;
	s10 =	smul.u32 $0x2800, s1;
	[dreg:$0xd] =	wrdreg s19  }
0xb: {  	p0 =	seq.s32 s1, $0xF;
	p1 =	sne.s32 s11, $0x0;
	s23 =	sshrl.u32 s16, $0x3  }
0xc: {  	s24 =	sshrl.u32 s17, $0x3;
	s25 =	sshrl.u32 s18, $0x3;
	s11 =	simm.s32 $0x3  }
0xd: {  	s18 =	simm.s32 $0x6;
	s16 =	simm.s32 $0x7;
	[dreg:$0x8] =	wrdreg s23  }
0xe: {  	s17 =	simm.s32 $0xC;
	s5 =	sor.u32 s1, s5;
	[dreg:$0xa] =	wrdreg s24  }
0xf: {  	s20 =	sshrl.u32 s9, $0x1;
	[dreg:$0xb] =	wrdreg s25;
	s24 =	simm.s32 $0x400  }
0x10: {  	s5 =	smul.u32 $0x500, s5;
	s12 =	sadd.s32 s7, s6;
	s13 =	ssub.s32 s9, s20  }
0x11: {  	s14 =	sshrl.u32 s10, $0x3;
	s15 =	sadd.s32 s10, s2;
	s9 =	sadd.s32 s10, s3  }
0x12: {  	s20 =	simm.s32 $0x9;
	s10 =	simm.s32 $0x800;
	s21 =	sadd.s32 s0, s14  }
0x13: {  	s0 =	sadd.s32 $0x4B00, s0;
	s26 =	sshrl.u32 s15, $0x3;
	[dreg:$0x5] =	wrdreg s21  }
0x14: {  	s15 =	simm.s32 $0x8;
	s8 =	sadd.s32 s5, s6;
	[dreg:$0x6] =	wrdreg s0  }
0x15: {  	s5 =	sadd.s32 s19, s14;
	s19 =	sadd.s32 $0x10600, s12;
	s12 =	smax.u32 s13, $0x1  }
.Ltmp0:
0x16: {  	s13 =	simm.s32 $0x2800;
	s0 =	sshrl.u32 s22, $0x3;
	(pc) =	sbr.rel .LBB2_1-.Ltmp0, $4  }
0x17: {  	s21 =	simm.s32 $0xA;
	s22 =	simm.s32 $0xB;
	[dreg:$0xc] =	wrdreg s26  }
0x18: {  	s26 =	simm.s32 $0x5000;
	s6 =	sadd.s32 $0x1A600, s8;
	[dreg:$0x7] =	wrdreg s5  }
0x19: {  	s7 =	sadd.s32 $0x1600, s8;
	[dreg:$0x9] =	wrdreg s0;
	s23 =	sadd.s32 s14, s19  }
0x1a: {  	s0 =	simm.s32 $0x2;
	s19 =	simm.s32 $0x11000;
	s14 =	simm.s32 $0x5  }
.LBB2_6:
0x1b: {  	s8 =	sshll.u32 s1, $0x6  }
0x1c: {  	s25 =	sshrl.u32 s9, $0x3;
	s5 =	rddreg [dreg:$0x7];
	s8 =	sor.u32 $0x1C0B, s8  }
0x1d: {  	[spmem:s25], [sflag:s8] =	dma.local [hbm:s5], $0x500  }
.LBB2_7:
0x1e: {  	_ =	swait.ge [sflag:s20], $0x2800  }
0x1f: {  	[sflag:s20] =	ssyncset.done $0x0  }
0x20: {  	[sflag:s20] =	ssyncadd.s32 $0xFFFFD800  }
0x21: {  	_ =	swait.ge [sflag:s20], $0x2800  }
0x22: {  	[sflag:s20] =	ssyncset.done $0x0  }
0x23: {  	[sflag:s20] =	ssyncadd.s32 $0xFFFFD800  }
0x24: {  	_ =	swait.ge [sflag:s21], $0x500  }
0x25: {  	[sflag:s21] =	ssyncset.done $0x0  }
0x26: {  	[sflag:s21] =	ssyncadd.s32 $0xFFFFFB00  }
0x27: {  	_ =	swait.ge [sflag:s22], $0x500  }
0x28: {  	[sflag:s22] =	ssyncset.done $0x0  }
0x29: {  	[sflag:s22] =	ssyncadd.s32 $0xFFFFFB00  }
0x2a: {  	[bflag:$0x0] =	sbarrier.arrive $0xFFFF  }
0x2b: {  	[tilespmem:s26], [sflag:$0x1] =	stream.indirect.gather [spmem:s2], $0x10, s4, s24, $0xb8;
	[tilespmem:$0x1A000] =	vst v63  }
0x2c: {  	_ = 	snop  }
0x2d: {  	[tilespmem:s28], [sflag:$0x2] =	stream.indirect.gather [spmem:s2], $0x10, s24, s24, $0xb8;
	[tilespmem:$0x1A000] =	vst v63  }
0x2e: {  	_ =	swait.ge [sflag:s29], $0x4000  }
0x2f: {  	[sflag:s29] =	ssyncset.done $0x0  }
0x30: {  	[sflag:s29] =	ssyncadd.s32 $0xFFFFC000  }
0x31: {  	[spmem:s3] =	stream.indirect.scatter.add.f32 [tilespmem:s26], [sflag:$0x5], $0x10, s13, s24, $0xb8;
	[tilespmem:$0x1A000] =	vst v63  }
0x32: {  	_ = 	snop  }
0x33: {  	[tilespmem:s31], [sflag:$0x3] =	stream.indirect.gather [spmem:s2], $0x10, s10, s24, $0xb8;
	[tilespmem:$0x1A000] =	vst v63  }
0x34: {  	_ =	swait.ge [sflag:s0], $0x4000  }
0x35: {  	[sflag:s0] =	ssyncset.done $0x0  }
0x36: {  	s5 =	simm.s32 $0x2C00;
	[sflag:s0] =	ssyncadd.s32 $0xFFFFC000  }
0x37: {  	[spmem:s3] =	stream.indirect.scatter.add.f32 [tilespmem:s28], [sflag:$0x6], $0x10, s5, s24, $0xb8;
	[tilespmem:$0x1A000] =	vst v63  }
0x38: {  	s25 =	simm.s32 $0xC00  }
0x39: {  	[tilespmem:s19], [sflag:$0x4] =	stream.indirect.gather [spmem:s2], $0x10, s25, s24, $0xb8;
	[tilespmem:$0x1A000] =	vst v63  }
0x3a: {  	_ =	swait.ge [sflag:s11], $0x4000  }
0x3b: {  	[sflag:s11] =	ssyncset.done $0x0  }
0x3c: {  	s8 =	simm.s32 $0x3000;
	[sflag:s11] =	ssyncadd.s32 $0xFFFFC000  }
0x3d: {  	[spmem:s3] =	stream.indirect.scatter.add.f32 [tilespmem:s31], [sflag:$0x7], $0x10, s8, s24, $0xb8;
	[tilespmem:$0x1A000] =	vst v63  }
0x3e: {  	_ =	swait.ge [sflag:s14], $0x4000  }
0x3f: {  	[sflag:s14] =	ssyncset.done $0x0  }
0x40: {  	s25 =	simm.s32 $0x1000;
	[sflag:s14] =	ssyncadd.s32 $0xFFFFC000  }
0x41: {  	[tilespmem:s26], [sflag:$0x1] =	stream.indirect.gather [spmem:s2], $0x10, s25, s24, $0xb8;
	[tilespmem:$0x1A000] =	vst v63  }
0x42: {  	_ =	swait.ge [sflag:s30], $0x4000  }
0x43: {  	[sflag:s30] =	ssyncset.done $0x0  }
0x44: {  	s8 =	simm.s32 $0x3400;
	[sflag:s30] =	ssyncadd.s32 $0xFFFFC000  }
0x45: {  	[spmem:s3] =	stream.indirect.scatter.add.f32 [tilespmem:s19], [sflag:$0x8], $0x10, s8, s24, $0xb8;
	[tilespmem:$0x1A000] =	vst v63  }
0x46: {  	_ =	swait.ge [sflag:s18], $0x4000  }
0x47: {  	[sflag:s18] =	ssyncset.done $0x0  }
0x48: {  	s25 =	simm.s32 $0x1400;
	[sflag:s18] =	ssyncadd.s32 $0xFFFFC000  }
0x49: {  	[tilespmem:s28], [sflag:$0x2] =	stream.indirect.gather [spmem:s2], $0x10, s25, s24, $0xb8;
	[tilespmem:$0x1A000] =	vst v63  }
0x4a: {  	_ =	swait.ge [sflag:s29], $0x4000  }
0x4b: {  	[sflag:s29] =	ssyncset.done $0x0  }
0x4c: {  	s8 =	simm.s32 $0x3800;
	[sflag:s29] =	ssyncadd.s32 $0xFFFFC000  }
0x4d: {  	[spmem:s3] =	stream.indirect.scatter.add.f32 [tilespmem:s26], [sflag:$0x5], $0x10, s8, s24, $0xb8;
	[tilespmem:$0x1A000] =	vst v63  }
0x4e: {  	_ =	swait.ge [sflag:s16], $0x4000  }
0x4f: {  	[sflag:s16] =	ssyncset.done $0x0  }
0x50: {  	s25 =	simm.s32 $0x1800;
	[sflag:s16] =	ssyncadd.s32 $0xFFFFC000  }
0x51: {  	[tilespmem:s31], [sflag:$0x3] =	stream.indirect.gather [spmem:s2], $0x10, s25, s24, $0xb8;
	[tilespmem:$0x1A000] =	vst v63  }
0x52: {  	_ =	swait.ge [sflag:s0], $0x4000  }
0x53: {  	[sflag:s0] =	ssyncset.done $0x0  }
0x54: {  	s8 =	simm.s32 $0x3C00;
	[sflag:s0] =	ssyncadd.s32 $0xFFFFC000  }
0x55: {  	[spmem:s3] =	stream.indirect.scatter.add.f32 [tilespmem:s28], [sflag:$0x6], $0x10, s8, s24, $0xb8;
	[tilespmem:$0x1A000] =	vst v63  }
0x56: {  	_ =	swait.ge [sflag:s15], $0x4000  }
0x57: {  	[sflag:s15] =	ssyncset.done $0x0  }
0x58: {  	s25 =	simm.s32 $0x1C00;
	[sflag:s15] =	ssyncadd.s32 $0xFFFFC000  }
0x59: {  	[tilespmem:s19], [sflag:$0x4] =	stream.indirect.gather [spmem:s2], $0x10, s25, s24, $0xb8;
	[tilespmem:$0x1A000] =	vst v63  }
0x5a: {  	_ =	swait.ge [sflag:s11], $0x4000  }
0x5b: {  	[sflag:s11] =	ssyncset.done $0x0  }
0x5c: {  	s8 =	simm.s32 $0x4000;
	[sflag:s11] =	ssyncadd.s32 $0xFFFFC000  }
0x5d: {  	[spmem:s3] =	stream.indirect.scatter.add.f32 [tilespmem:s31], [sflag:$0x7], $0x10, s8, s24, $0xb8;
	[tilespmem:$0x1A000] =	vst v63  }
0x5e: {  	_ =	swait.ge [sflag:s14], $0x4000  }
0x5f: {  	[sflag:s14] =	ssyncset.done $0x0  }
0x60: {  	s25 =	simm.s32 $0x2000;
	[sflag:s14] =	ssyncadd.s32 $0xFFFFC000  }
0x61: {  	[tilespmem:s26], [sflag:$0x1] =	stream.indirect.gather [spmem:s2], $0x10, s25, s24, $0xb8;
	[tilespmem:$0x1A000] =	vst v63  }
0x62: {  	_ =	swait.ge [sflag:s30], $0x4000  }
0x63: {  	[sflag:s30] =	ssyncset.done $0x0  }
0x64: {  	s8 =	simm.s32 $0x4400;
	[sflag:s30] =	ssyncadd.s32 $0xFFFFC000  }
0x65: {  	[spmem:s3] =	stream.indirect.scatter.add.f32 [tilespmem:s19], [sflag:$0x8], $0x10, s8, s24, $0xb8;
	[tilespmem:$0x1A000] =	vst v63  }
0x66: {  	_ =	swait.ge [sflag:s18], $0x4000  }
0x67: {  	[sflag:s18] =	ssyncset.done $0x0  }
0x68: {  	s25 =	simm.s32 $0x2400;
	[sflag:s18] =	ssyncadd.s32 $0xFFFFC000  }
0x69: {  	[tilespmem:s28], [sflag:$0x2] =	stream.indirect.gather [spmem:s2], $0x10, s25, s24, $0xb8;
	[tilespmem:$0x1A000] =	vst v63  }
0x6a: {  	_ =	swait.ge [sflag:s29], $0x4000  }
0x6b: {  	[sflag:s29] =	ssyncset.done $0x0  }
0x6c: {  	s8 =	simm.s32 $0x4800;
	[sflag:s29] =	ssyncadd.s32 $0xFFFFC000  }
0x6d: {  	[spmem:s3] =	stream.indirect.scatter.add.f32 [tilespmem:s26], [sflag:$0x5], $0x10, s8, s24, $0xb8;
	[tilespmem:$0x1A000] =	vst v63  }
0x6e: {  	_ =	swait.ge [sflag:s0], $0x4000  }
0x6f: {  	[sflag:s0] =	ssyncset.done $0x0  }
0x70: {  	s25 =	simm.s32 $0x4C00;
	[sflag:s0] =	ssyncadd.s32 $0xFFFFC000  }
0x71: {  	[spmem:s3] =	stream.indirect.scatter.add.f32 [tilespmem:s28], [sflag:$0x6], $0x10, s25, s24, $0xb8;
	[tilespmem:$0x1A000] =	vst v63  }
0x72: {  	_ =	swait.ge [sflag:s16], $0x4000  }
0x73: {  	[sflag:s16] =	ssyncset.done $0x0  }
0x74: {  	[sflag:s16] =	ssyncadd.s32 $0xFFFFC000  }
0x75: {  	_ =	swait.ge [sflag:s15], $0x4000  }
0x76: {  	[sflag:s15] =	ssyncset.done $0x0  }
0x77: {  	[sflag:s15] =	ssyncadd.s32 $0xFFFFC000  }
0x78: {  	_ =	swait.ge [sflag:s14], $0x4000  }
0x79: {  	[sflag:s14] =	ssyncset.done $0x0  }
0x7a: {  	[sflag:s14] =	ssyncadd.s32 $0xFFFFC000  }
0x7b: {  	_ =	swait.ge [sflag:s18], $0x4000  }
0x7c: {  	s12 =	sadd.s32 $0xFFFFFFFF, s12;
	s8 =	sshll.u32 s1, $0x6;
	[sflag:s18] =	ssyncset.done $0x0  }
0x7d: {  	p2 =	sne.s32 s12, $0x0;
	s8 =	sor.u32 $0x1C0C, s8;
	[sflag:s18] =	ssyncadd.s32 $0xFFFFC000  }
.Ltmp1:
0x7e: {  	s25 =	sshrl.u32 s9, $0x3;
	[bflag:$0x0] =	sbarrier.arrive $0xFFFF;
	(pc) =	sbr.rel @!p2 .LBB2_8-.Ltmp1, $4  }
0x7f: {  	[hbm:s23], [sflag:s8] =	dma.local [spmem:s25], $0x500  }
0x80: {  	_ =	swait.ge [sflag:s17], $0x500  }
0x81: {  	[sflag:s17] =	ssyncset.done $0x0  }
0x82: {  	[sflag:s17] =	ssyncadd.s32 $0xFFFFFB00  }
.LBB2_1:
.Ltmp2:
0x83: {  	(pc) =	sbr.rel @!p0 .LBB2_2-.Ltmp2, $4  }
0x84: {  	_ = 	snop  }
0x85: {  	[tilespmem:s4], [sflag:$0x9] =	stream.linear.gather [hbm4b:s6+s4], $0x2800, $0x38;
	[tilespmem:$0x1A000] =	vst v63  }
0x86: {  	_ = 	snop  }
0x87: {  	[tilespmem:s13], [sflag:$0x9] =	stream.linear.gather [hbm4b:s7+s4], $0x2800, $0x38;
	[tilespmem:$0x1A000] =	vst v63  }
0x88: {  	s5 =	rddreg [dreg:$0x6]  }
.Ltmp3:
0x89: {  	s8 =	rddreg [dreg:$0x8];
	s25 =	simm.s32 $0x1FCA;
	(pc) =	sbr.rel @p1 .LBB2_6-.Ltmp3, $4  }
0x8a: {  	[spmem:s8], [sflag:s25] =	dma.local [hbm:s5], $0x320  }
0x8b: {  	s5 =	rddreg [dreg:$0x9]  }
0x8c: {  	s8 =	rddreg [dreg:$0xd]  }
0x8d: {  	[spmem:s5], [sflag:s25] =	dma.local [hbm:s8], $0x1E0  }
0x8e: {  	s5 =	rddreg [dreg:$0x6]  }
.Ltmp4:
0x8f: {  	s8 =	rddreg [dreg:$0xa];
	s25 =	simm.s32 $0x1FCB;
	(pc) =	sbr.rel .LBB2_7-.Ltmp4, $4  }
0x90: {  	[spmem:s8], [sflag:s25] =	dma.local [hbm:s5], $0x320  }
0x91: {  	s5 =	rddreg [dreg:$0xb]  }
0x92: {  	s8 =	rddreg [dreg:$0xd]  }
0x93: {  	[spmem:s5], [sflag:s25] =	dma.local [hbm:s8], $0x1E0  }
.LBB2_2:
.Ltmp5:
0x94: {  	(pc) =	sbr.rel @p1 .LBB2_6-.Ltmp5, $4  }
0x95: {  	s25 =	sshll.u32 s1, $0x6;
	s5 =	rddreg [dreg:$0x5]  }
0x96: {  	s10 =	rddreg [dreg:$0xc];
	s8 =	sor.u32 $0x1C0A, s25  }
0x97: {  	[spmem:s10], [sflag:s8] =	dma.local [hbm:s5], $0x500  }
0x98: {  	s10 =	simm.s32 $0x800  }
.Ltmp6:
0x99: {  	(pc) =	sbr.rel .LBB2_7-.Ltmp6, $3  }
0x9a: {  	_ =	sdelay $0x1  }
0x9b: {  	s8 =	sor.u32 $0x1C0B, s25;
	s25 =	sshrl.u32 s9, $0x3;
	s5 =	rddreg [dreg:$0x5]  }
0x9c: {  	[spmem:s25], [sflag:s8] =	dma.local [hbm:s5], $0x500  }
.LBB2_8:
0x9d: {  	_ =	sfence.sel $0x180000  }
0x9e: {  	[bflag:$0x0] =	sbarrier.arrive $0xFFFF  }
0x9f: {  	_ =	strace $0x9000004A  }
0xa0: {  	[bflag:$0x2] =	sbarrier.arrive $0xFFFF  }
0xa1: {  	p0 =	sne.s32 s1, $0x0;
	s0 =	rddreg [dreg:$0x4]  }
0xa2: {  	s0 =	sadd.s32 @!p0 $0x100000, s0  }
0xa3: {  	[sflag:s0] =	ssyncadd.tile.s32 @!p0 $0x1;
	_ =	shalt  }
.Lfunc_end2:
_tile_overlayer_lowered:
.L_overlay_start_2:
0xa4: {  	(tag) =	ssettag $0x2  }
0xa5: {  	s0 =	rddreg [dreg:$0x0];
	s2 =	stileid.u32  }
0xa6: {  	s1 =	rddreg [dreg:$0x1];
	p0 =	sne.s32 s2, $0x0  }
0xa7: {  	s3 =	rddreg [dreg:$0x2];
	[bflag:$0x3] =	sbarrier.arrive $0xFFFF;
	s2 =	simm.s32 @!p0 $0x1C0C  }
0xa8: {  	[timem:s3], [sflag:s2] =	dma.local @!p0 [hbm:s0], s1  }
0xa9: {  	s0 =	simm.s32 @!p0 $0xC  }
0xaa: {  	_ =	swait.ge @!p0 [sflag:s0], s1  }
0xab: {  	s1 =	ssub.s32 @!p0 $0x0, s1;
	[sflag:s0] =	ssyncset.done @!p0 $0x0  }
0xac: {  	[sflag:s0] =	ssyncadd.s32 @!p0 s1  }
0xad: {  	[bflag:$0x3] =	sbarrier.arrive $0xFFFF  }
0xae: {  	_ =	shalt  }

// kernel: kernel.14.cloned.1.call-start
scs
__scs_entry_jumppad:
0x0: {  	(pc) =	sbr.rel $0x88, $3  }
0x1: {  	(tag) =	ssettag $0x0;
	lr =	simm.s32 $0x1  }
0x2: {  	[smem:$0x3F9B] =	sst lr;
	_ =	strace $0xD0000000  }
0x3: {  	_ = 	snop  }
0x4: {  	_ = 	snop  }
0x5: {  	_ = 	snop  }
0x6: {  	_ = 	snop  }
0x7: {  	_ = 	snop  }
__scs_overlays_trampoline_lowered:
0x8: {  	[smem:$0x3FAA] =	sst s0  }
0x9: {  	[smem:$0x3FAB] =	sst s1  }
0xa: {  	[smem:$0x3FAC] =	sst s2  }
0xb: {  	[smem:$0x3FAD] =	sst s3  }
0xc: {  	[smem:$0x3FAE] =	sst s4  }
0xd: {  	[smem:$0x3FAF] =	sst s5  }
0xe: {  	[smem:$0x3FB0] =	sst s6  }
0xf: {  	[smem:$0x3FB1] =	sst s7  }
0x10: {  	[smem:$0x3FB2] =	sst s8  }
0x11: {  	[smem:$0x3FB3] =	sst s9;
	s0 =	simm.s32 @!p0 $0x0  }
0x12: {  	s1 =	sld [smem:$0x3F99];
	s0 =	simm.s32 @p0 $0x1  }
0x13: {  	[smem:$0x3FB4] =	sst s0;
	s0 =	simm.s32 @!p1 $0x0  }
0x14: {  	s2 =	sld [smem:$0x3F98];
	s0 =	simm.s32 @p1 $0x1  }
0x15: {  	[smem:$0x3FB5] =	sst s0;
	s0 =	simm.s32 @!p2 $0x0  }
0x16: {  	s3 =	sld [smem:$0x3FDB];
	s0 =	simm.s32 @p2 $0x1  }
0x17: {  	s4 =	simm.s32 $0x1BF5;
	[smem:$0x3FB7] =	sst s0  }
0x18: {  	s0 =	sld [smem:$0x3F9A];
	_ =	swait.ge [sflag:s4], $0x0  }
0x19: {  	s7 =	sld [smem:$0x3F9B]  }
0x1a: {  	s8 =	sadd.s32 $0xFFFFE003, lr  }
0x1b: {  	s9 =	sadd.s32 $0xFFFFFEF7, lr;
	s5 =	simm.s32 $0xFFFFFFFF;
	p2 =	slt.u32 s8, $0xFFFFF086  }
0x1c: {  	p1 =	slt.u32 s9, $0xF7A;
	s5 =	simm.s32 @!p2 $0x0  }
0x1d: {  	s5 =	simm.s32 @p1 $0x1;
	p0 =	seq.s32 s7, s2  }
0x1e: {  	s7 =	smul.u32 @!p0 $0xF7A, s2;
	p2 =	seq.s32 @!p0 s5, $0x0  }
0x1f: {  	s9 =	smul.u32 $0xF7A, s1;
	s8 =	simm.s32 @!p0 $0x1BF5;
	p2 =	por !p2, p0  }
0x20: {  	[sflag:s8] =	ssyncset.s32 @!p0 $0xFFFFF086;
	s6 =	sadd.s32 @!p0 s3, s7;
	s7 =	simm.s32 @!p0 $0x108  }
0x21: {  	s3 =	sadd.s32 s3, s9;
	s6 =	sadd.s32 @!p0 $0x88, s6;
	s7 =	simm.s32 @p2 $0x1082  }
0x22: {  	[simem:s7], [sflag:s8] =	dma.local @!p0 [hbm:s6], $0xF7A  }
0x23: {  	s9 =	sor.u32 $0xD0000000, s2;
	s6 =	simm.s32 $0x108;
	_ =	swait.ge @!p0 [sflag:s8], $0x0  }
0x24: {  	s3 =	sadd.s32 $0x88, s3;
	s6 =	simm.s32 @!p1 $0x1082;
	[sflag:s4] =	ssyncset.s32 $0xFFFFF086  }
0x25: {  	[simem:s6], [sflag:s4] =	dma.local [hbm:s3], $0xF7A  }
0x26: {  	[smem:$0x3F9B] =	sst s1;
	(tag) =	ssettag s2;
	_ =	strace s9  }
0x27: {  	s1 =	sld [smem:$0x3FAB]  }
0x28: {  	s2 =	sld [smem:$0x3FAC]  }
0x29: {  	s4 =	sld [smem:$0x3FAE]  }
0x2a: {  	p0 =	seq.s32 s5, $0x0;
	s5 =	sld [smem:$0x3FAF]  }
0x2b: {  	s6 =	sld [smem:$0x3FB0]  }
0x2c: {  	s7 =	sld [smem:$0x3FB1]  }
0x2d: {  	s3 =	simm.s32 $0x108;
	s8 =	sld [smem:$0x3FB2]  }
0x2e: {  	s3 =	simm.s32 @!p0 $0x1082;
	s9 =	sld [smem:$0x3FB3]  }
0x2f: {  	lr =	sadd.s32 s0, s3;
	s0 =	sld [smem:$0x3FAA]  }
0x30: {  	s3 =	sld [smem:$0x3FAD]  }
0x31: {  	[smem:$0x3FB6] =	sst s10  }
0x32: {  	s10 =	sld [smem:$0x3FB4];
	_ =	sdelay $0x3  }
0x33: {  	p0 =	seq.s32 s10, $0x1;
	s10 =	sld [smem:$0x3FB6];
	_ =	sdelay $0x3  }
0x34: {  	[smem:$0x3FB6] =	sst s10  }
0x35: {  	s10 =	sld [smem:$0x3FB5];
	_ =	sdelay $0x3  }
0x36: {  	p1 =	seq.s32 s10, $0x1;
	s10 =	sld [smem:$0x3FB6];
	_ =	sdelay $0x3  }
0x37: {  	[smem:$0x3FB6] =	sst s10  }
0x38: {  	s10 =	sld [smem:$0x3FB7]  }
0x39: {  	_ = 	snop;
	(pc) =	sbr.ind lr, $3  }
0x3a: {  	_ = 	snop  }
0x3b: {  	_ = 	snop  }
0x3c: {  	p2 =	seq.s32 s10, $0x1;
	s10 =	sld [smem:$0x3FB6]  }
0x3d: {  	_ =	shalt  }
0x3e: {  	_ =	shalt  }
0x3f: {  	_ =	shalt  }
0x40: {  	_ =	shalt  }
0x41: {  	_ =	shalt  }
0x42: {  	_ =	shalt  }
0x43: {  	_ =	shalt  }
0x44: {  	_ =	shalt  }
0x45: {  	_ =	shalt  }
0x46: {  	_ =	shalt  }
0x47: {  	_ =	shalt  }
0x48: {  	_ =	shalt  }
0x49: {  	_ =	shalt  }
0x4a: {  	_ =	shalt  }
0x4b: {  	_ =	shalt  }
0x4c: {  	_ =	shalt  }
0x4d: {  	_ =	shalt  }
0x4e: {  	_ =	shalt  }
0x4f: {  	_ =	shalt  }
0x50: {  	_ =	shalt  }
0x51: {  	_ =	shalt  }
0x52: {  	_ =	shalt  }
0x53: {  	_ =	shalt  }
0x54: {  	_ =	shalt  }
0x55: {  	_ =	shalt  }
0x56: {  	_ =	shalt  }
0x57: {  	_ =	shalt  }
0x58: {  	_ =	shalt  }
0x59: {  	_ =	shalt  }
0x5a: {  	_ =	shalt  }
0x5b: {  	_ =	shalt  }
0x5c: {  	_ =	shalt  }
0x5d: {  	_ =	shalt  }
0x5e: {  	_ =	shalt  }
0x5f: {  	_ =	shalt  }
0x60: {  	_ =	shalt  }
0x61: {  	_ =	shalt  }
0x62: {  	_ =	shalt  }
0x63: {  	_ =	shalt  }
0x64: {  	_ =	shalt  }
0x65: {  	_ =	shalt  }
0x66: {  	_ =	shalt  }
0x67: {  	_ =	shalt  }
0x68: {  	_ =	shalt  }
0x69: {  	_ =	shalt  }
0x6a: {  	_ =	shalt  }
0x6b: {  	_ =	shalt  }
0x6c: {  	_ =	shalt  }
0x6d: {  	_ =	shalt  }
0x6e: {  	_ =	shalt  }
0x6f: {  	_ =	shalt  }
0x70: {  	_ =	shalt  }
0x71: {  	_ =	shalt  }
0x72: {  	_ =	shalt  }
0x73: {  	_ =	shalt  }
0x74: {  	_ =	shalt  }
0x75: {  	_ =	shalt  }
0x76: {  	_ =	shalt  }
0x77: {  	_ =	shalt  }
0x78: {  	_ =	shalt  }
0x79: {  	_ =	shalt  }
0x7a: {  	_ =	shalt  }
0x7b: {  	_ =	shalt  }
0x7c: {  	_ =	shalt  }
0x7d: {  	_ =	shalt  }
0x7e: {  	_ =	shalt  }
0x7f: {  	_ =	shalt  }
0x80: {  	_ =	shalt  }
0x81: {  	_ =	shalt  }
0x82: {  	_ =	shalt  }
0x83: {  	_ =	shalt  }
0x84: {  	_ =	shalt  }
0x85: {  	_ =	shalt  }
0x86: {  	_ =	shalt  }
0x87: {  	_ =	shalt  }
.Lfunc_end0:
.L_simem_size_0:
called_computation.2_lowered:
.L_overlay_start_0:
0x88: {  	s2 =	sld [smem:$0x3FD9]  }
0x89: {  	s3 =	sld [smem:$0x3FFE];
	_ =	sdelay $0x1  }
0x8a: {  	s1 =	srdreg.scid  }
0x8b: {  	s0 =	sand.u32 $0x1, s1  }
0x8c: {  	s17 =	sshll.u32 s0, $0xA;
	s2 =	sadd.s32 s3, s2  }
0x8d: {  	s2 =	sadd.s32 s2, s17  }
0x8e: {  	[smem:$0x3FC2] =	sst s2  }
0x8f: {  	_ = 	snop  }
0x90: {  	s2 =	sld [smem:$0x3FD0];
	(tm) =	ssettm $0x1  }
0x91: {  	s18 =	sld [smem:$0x3FFB];
	_ =	sdelay $0x3  }
0x92: {  	_ =	strace s18  }
0x93: {  	s3 =	sld [smem:$0x3FFC];
	_ =	sdelay $0x3  }
0x94: {  	_ =	strace s3  }
0x95: {  	s3 =	sld [smem:$0x3FFD];
	_ =	sdelay $0x3  }
0x96: {  	_ =	strace s3  }
0x97: {  	_ =	strace $0x8FFFFFFF  }
0x98: {  	s19 =	sld [smem:$0x3FDB];
	_ =	sdelay $0x1  }
0x99: {  	s4 =	simm.s32 $_scs_section_size  }
0x9a: {  	s5 =	simm.s32 $_size__tile_overlayer_lowered;
	s6 =	simm.s32 $_tile_overlayer_lowered  }
0x9b: {  	s22 =	simm.s32 $0x1BFF;
	s21 =	sshll.u32 s6, $0x1;
	s3 =	sadd.s32 s4, s19  }
0x9c: {  	s7 =	simm.s32 $0x0;
	s20 =	sshll.u32 s5, $0x1;
	s5 =	sadd.s32 s21, s3  }
0x9d: {  	[timem:s7], [sflag:s22] =	dma.local [hbm:s5], s20  }
0x9e: {  	_ =	swait.ge [sflag:s22], s20  }
0x9f: {  	s4 =	ssub.s32 $0x0, s20;
	[sflag:s22] =	ssyncset.done $0x0  }
0xa0: {  	[sflag:s22] =	ssyncadd.s32 s4;
	_ =	sdelay $0x1  }
0xa1: {  	s23 =	simm.s32 $0x1B8B  }
0xa2: {  	_ =	swait.ge [sflag:s23], $0x1  }
0xa3: {  	[sflag:s23] =	ssyncset.done $0x0  }
0xa4: {  	s25 =	simm.s32 $0x1B8E;
	s24 =	sld [smem:$0x3FFE];
	[sflag:s23] =	ssyncadd.s32 $0xFFFFFFFF  }
0xa5: {  	s26 =	simm.s32 $execute0_lowered;
	[smem:$0x3FD2] =	sst s25  }
0xa6: {  	s5 =	sshll.u32 s26, $0x1;
	_ =	strace $0x8000004C;
	[dreg:$0x1] =	wrdreg $0xFFFFFFFF  }
0xa7: {  	s28 =	simm.s32 $_size_execute0_lowered;
	s3 =	sadd.s32 s3, s5;
	[dreg:$0x0] =	wrdreg $0x0  }
0xa8: {  	s5 =	sshll.u32 s28, $0x1;
	[dreg:$0x2] =	wrdreg s3  }
0xa9: {  	[dreg:$0x3] =	wrdreg s5  }
0xaa: {  	[dreg:$0x4] =	wrdreg $0xC0  }
0xab: {  	_ =	task [dreg:s7], $0x5FFFF  }
0xac: {  	[dreg:$0x1] =	wrdreg $0xFFFFFFFF  }
0xad: {  	[dreg:$0x0] =	wrdreg $0x60  }
0xae: {  	[dreg:$0x2] =	wrdreg s2  }
0xaf: {  	[dreg:$0x3] =	wrdreg s24  }
0xb0: {  	[dreg:$0x4] =	wrdreg $0x178000  }
0xb1: {  	[dreg:$0x5] =	wrdreg $0x150000  }
0xb2: {  	[dreg:$0x6] =	wrdreg $0x9  }
0xb3: {  	_ =	task.clear_ibuf [dreg:s7], $0x7FFFF;
	_ =	strace $0x9000004C  }
0xb4: {  	s29 =	simm.s32 $0x9;
	_ =	strace $0x8000004E  }
0xb5: {  	_ =	swait.ge [sflag:s29], $0x1  }
0xb6: {  	[sflag:s29] =	ssyncadd.s32 $0xFFFFFFFF  }
0xb7: {  	_ =	strace $0x9000004E  }
0xb8: {  	_ =	sfence  }
0xb9: {  	s30 =	sld [smem:$0x0];
	_ =	sdelay $0x2  }
0xba: {  	s31 =	sshll.u32 s1, $0xD;
	s1 =	sshrl.u32 s1, $0x2  }
0xbb: {  	s3 =	sand.u32 $0x4000, s31;
	s1 =	sadd.s32 s1, s30  }
0xbc: {  	s0 =	sor.u32 s3, s0;
	s1 =	sshll.u32 s1, $0x11  }
0xbd: {  	s0 =	sor.u32 s1, s0  }
0xbe: {  	s0 =	sadd.s32 $0x8F2B, s0  }
0xbf: {  	[sflag:s0] =	ssyncadd.remote.s32 $0x1  }
0xc0: {  	_ =	sfence.sel $0xFFFF  }
0xc1: {  	[dreg:$0x0] =	wrdreg $0xFFFFFFFF;
	(pc) =	sbr.abs _section_cstart, $3  }
0xc2: {  	[dreg:$0x1] =	wrdreg $0xFFFFFFFF  }
0xc3: {  	_ =	task.clear_ibuf [dreg:s7], $0x2FFFF;
	_ =	strace $0x9FFFFFFF  }
0xc4: {  	(tm) =	ssettm $0x7FFFFFFF  }
0xc5: {  	_ =	shalt  }
tec
execute0_lowered:
.L_overlay_start_1:
0x0: {  	(tag) =	ssettag $0x1  }
0x1: {  	s0 =	rddreg [dreg:$0x0]  }
0x2: {  	s6 =	rddreg [dreg:$0x1]  }
0x3: {  	s2 =	rddreg [dreg:$0x2]  }
0x4: {  	s1 =	srdreg.scid;
	s3 =	rddreg [dreg:$0x3];
	s4 =	simm.s32 $0x0  }
0x5: {  	s28 =	simm.s32 $0x9000;
	s29 =	simm.s32 $0x1;
	s31 =	simm.s32 $0xD000  }
0x6: {  	s30 =	simm.s32 $0x4;
	s11 =	sand.u32 $0x1, s1;
	s1 =	stileid.u32  }
0x7: {  	[smem:$0x7FF] =	sst s4;
	s19 =	sadd.s32 $0xB600, s6;
	s16 =	sadd.s32 $0x25800, s2  }
0x8: {  	s22 =	sadd.s32 $0x27100, s2;
	s17 =	sadd.s32 $0x25800, s3;
	s18 =	sadd.s32 $0x27100, s3  }
0x9: {  	s5 =	sshll.u32 s11, $0x4;
	_ =	strace $0x8000004D;
	s7 =	smul.u32 $0x5000, s11  }
0xa: {  	s9 =	ssub.s32 $0x2, s11;
	s10 =	smul.u32 $0x2800, s1;
	[dreg:$0xd] =	wrdreg s19  }
0xb: {  	p0 =	seq.s32 s1, $0xF;
	p1 =	sne.s32 s11, $0x0;
	s23 =	sshrl.u32 s16, $0x3  }
0xc: {  	s24 =	sshrl.u32 s17, $0x3;
	s25 =	sshrl.u32 s18, $0x3;
	s11 =	simm.s32 $0x3  }
0xd: {  	s18 =	simm.s32 $0x6;
	s16 =	simm.s32 $0x7;
	[dreg:$0x8] =	wrdreg s23  }
0xe: {  	s17 =	simm.s32 $0xC;
	s5 =	sor.u32 s1, s5;
	[dreg:$0xa] =	wrdreg s24  }
0xf: {  	s20 =	sshrl.u32 s9, $0x1;
	[dreg:$0xb] =	wrdreg s25;
	s24 =	simm.s32 $0x400  }
0x10: {  	s5 =	smul.u32 $0x500, s5;
	s12 =	sadd.s32 s7, s6;
	s13 =	ssub.s32 s9, s20  }
0x11: {  	s14 =	sshrl.u32 s10, $0x3;
	s15 =	sadd.s32 s10, s2;
	s9 =	sadd.s32 s10, s3  }
0x12: {  	s20 =	simm.s32 $0x9;
	s10 =	simm.s32 $0x800;
	s21 =	sadd.s32 s0, s14  }
0x13: {  	s0 =	sadd.s32 $0x4B00, s0;
	s26 =	sshrl.u32 s15, $0x3;
	[dreg:$0x5] =	wrdreg s21  }
0x14: {  	s15 =	simm.s32 $0x8;
	s8 =	sadd.s32 s5, s6;
	[dreg:$0x6] =	wrdreg s0  }
0x15: {  	s5 =	sadd.s32 s19, s14;
	s19 =	sadd.s32 $0x10600, s12;
	s12 =	smax.u32 s13, $0x1  }
.Ltmp0:
0x16: {  	s13 =	simm.s32 $0x2800;
	s0 =	sshrl.u32 s22, $0x3;
	(pc) =	sbr.rel .LBB2_1-.Ltmp0, $4  }
0x17: {  	s21 =	simm.s32 $0xA;
	s22 =	simm.s32 $0xB;
	[dreg:$0xc] =	wrdreg s26  }
0x18: {  	s26 =	simm.s32 $0x5000;
	s6 =	sadd.s32 $0x1A600, s8;
	[dreg:$0x7] =	wrdreg s5  }
0x19: {  	s7 =	sadd.s32 $0x1600, s8;
	[dreg:$0x9] =	wrdreg s0;
	s23 =	sadd.s32 s14, s19  }
0x1a: {  	s0 =	simm.s32 $0x2;
	s19 =	simm.s32 $0x11000;
	s14 =	simm.s32 $0x5  }
.LBB2_6:
0x1b: {  	s8 =	sshll.u32 s1, $0x6  }
0x1c: {  	s25 =	sshrl.u32 s9, $0x3;
	s5 =	rddreg [dreg:$0x7];
	s8 =	sor.u32 $0x1C0B, s8  }
0x1d: {  	[spmem:s25], [sflag:s8] =	dma.local [hbm:s5], $0x500  }
.LBB2_7:
0x1e: {  	_ =	swait.ge [sflag:s20], $0x2800  }
0x1f: {  	[sflag:s20] =	ssyncset.done $0x0  }
0x20: {  	[sflag:s20] =	ssyncadd.s32 $0xFFFFD800  }
0x21: {  	_ =	swait.ge [sflag:s20], $0x2800  }
0x22: {  	[sflag:s20] =	ssyncset.done $0x0  }
0x23: {  	[sflag:s20] =	ssyncadd.s32 $0xFFFFD800  }
0x24: {  	_ =	swait.ge [sflag:s21], $0x500  }
0x25: {  	[sflag:s21] =	ssyncset.done $0x0  }
0x26: {  	[sflag:s21] =	ssyncadd.s32 $0xFFFFFB00  }
0x27: {  	_ =	swait.ge [sflag:s22], $0x500  }
0x28: {  	[sflag:s22] =	ssyncset.done $0x0  }
0x29: {  	[sflag:s22] =	ssyncadd.s32 $0xFFFFFB00  }
0x2a: {  	[bflag:$0x0] =	sbarrier.arrive $0xFFFF  }
0x2b: {  	[tilespmem:s26], [sflag:$0x1] =	stream.indirect.gather [spmem:s2], $0x10, s4, s24, $0xb8;
	[tilespmem:$0x1A000] =	vst v63  }
0x2c: {  	_ = 	snop  }
0x2d: {  	[tilespmem:s28], [sflag:$0x2] =	stream.indirect.gather [spmem:s2], $0x10, s24, s24, $0xb8;
	[tilespmem:$0x1A000] =	vst v63  }
0x2e: {  	_ =	swait.ge [sflag:s29], $0x4000  }
0x2f: {  	[sflag:s29] =	ssyncset.done $0x0  }
0x30: {  	[sflag:s29] =	ssyncadd.s32 $0xFFFFC000  }
0x31: {  	[spmem:s3] =	stream.indirect.scatter.add.f32 [tilespmem:s26], [sflag:$0x5], $0x10, s13, s24, $0xb8;
	[tilespmem:$0x1A000] =	vst v63  }
0x32: {  	_ = 	snop  }
0x33: {  	[tilespmem:s31], [sflag:$0x3] =	stream.indirect.gather [spmem:s2], $0x10, s10, s24, $0xb8;
	[tilespmem:$0x1A000] =	vst v63  }
0x34: {  	_ =	swait.ge [sflag:s0], $0x4000  }
0x35: {  	[sflag:s0] =	ssyncset.done $0x0  }
0x36: {  	s5 =	simm.s32 $0x2C00;
	[sflag:s0] =	ssyncadd.s32 $0xFFFFC000  }
0x37: {  	[spmem:s3] =	stream.indirect.scatter.add.f32 [tilespmem:s28], [sflag:$0x6], $0x10, s5, s24, $0xb8;
	[tilespmem:$0x1A000] =	vst v63  }
0x38: {  	s25 =	simm.s32 $0xC00  }
0x39: {  	[tilespmem:s19], [sflag:$0x4] =	stream.indirect.gather [spmem:s2], $0x10, s25, s24, $0xb8;
	[tilespmem:$0x1A000] =	vst v63  }
0x3a: {  	_ =	swait.ge [sflag:s11], $0x4000  }
0x3b: {  	[sflag:s11] =	ssyncset.done $0x0  }
0x3c: {  	s8 =	simm.s32 $0x3000;
	[sflag:s11] =	ssyncadd.s32 $0xFFFFC000  }
0x3d: {  	[spmem:s3] =	stream.indirect.scatter.add.f32 [tilespmem:s31], [sflag:$0x7], $0x10, s8, s24, $0xb8;
	[tilespmem:$0x1A000] =	vst v63  }
0x3e: {  	_ =	swait.ge [sflag:s14], $0x4000  }
0x3f: {  	[sflag:s14] =	ssyncset.done $0x0  }
0x40: {  	s25 =	simm.s32 $0x1000;
	[sflag:s14] =	ssyncadd.s32 $0xFFFFC000  }
0x41: {  	[tilespmem:s26], [sflag:$0x1] =	stream.indirect.gather [spmem:s2], $0x10, s25, s24, $0xb8;
	[tilespmem:$0x1A000] =	vst v63  }
0x42: {  	_ =	swait.ge [sflag:s30], $0x4000  }
0x43: {  	[sflag:s30] =	ssyncset.done $0x0  }
0x44: {  	s8 =	simm.s32 $0x3400;
	[sflag:s30] =	ssyncadd.s32 $0xFFFFC000  }
0x45: {  	[spmem:s3] =	stream.indirect.scatter.add.f32 [tilespmem:s19], [sflag:$0x8], $0x10, s8, s24, $0xb8;
	[tilespmem:$0x1A000] =	vst v63  }
0x46: {  	_ =	swait.ge [sflag:s18], $0x4000  }
0x47: {  	[sflag:s18] =	ssyncset.done $0x0  }
0x48: {  	s25 =	simm.s32 $0x1400;
	[sflag:s18] =	ssyncadd.s32 $0xFFFFC000  }
0x49: {  	[tilespmem:s28], [sflag:$0x2] =	stream.indirect.gather [spmem:s2], $0x10, s25, s24, $0xb8;
	[tilespmem:$0x1A000] =	vst v63  }
0x4a: {  	_ =	swait.ge [sflag:s29], $0x4000  }
0x4b: {  	[sflag:s29] =	ssyncset.done $0x0  }
0x4c: {  	s8 =	simm.s32 $0x3800;
	[sflag:s29] =	ssyncadd.s32 $0xFFFFC000  }
0x4d: {  	[spmem:s3] =	stream.indirect.scatter.add.f32 [tilespmem:s26], [sflag:$0x5], $0x10, s8, s24, $0xb8;
	[tilespmem:$0x1A000] =	vst v63  }
0x4e: {  	_ =	swait.ge [sflag:s16], $0x4000  }
0x4f: {  	[sflag:s16] =	ssyncset.done $0x0  }
0x50: {  	s25 =	simm.s32 $0x1800;
	[sflag:s16] =	ssyncadd.s32 $0xFFFFC000  }
0x51: {  	[tilespmem:s31], [sflag:$0x3] =	stream.indirect.gather [spmem:s2], $0x10, s25, s24, $0xb8;
	[tilespmem:$0x1A000] =	vst v63  }
0x52: {  	_ =	swait.ge [sflag:s0], $0x4000  }
0x53: {  	[sflag:s0] =	ssyncset.done $0x0  }
0x54: {  	s8 =	simm.s32 $0x3C00;
	[sflag:s0] =	ssyncadd.s32 $0xFFFFC000  }
0x55: {  	[spmem:s3] =	stream.indirect.scatter.add.f32 [tilespmem:s28], [sflag:$0x6], $0x10, s8, s24, $0xb8;
	[tilespmem:$0x1A000] =	vst v63  }
0x56: {  	_ =	swait.ge [sflag:s15], $0x4000  }
0x57: {  	[sflag:s15] =	ssyncset.done $0x0  }
0x58: {  	s25 =	simm.s32 $0x1C00;
	[sflag:s15] =	ssyncadd.s32 $0xFFFFC000  }
0x59: {  	[tilespmem:s19], [sflag:$0x4] =	stream.indirect.gather [spmem:s2], $0x10, s25, s24, $0xb8;
	[tilespmem:$0x1A000] =	vst v63  }
0x5a: {  	_ =	swait.ge [sflag:s11], $0x4000  }
0x5b: {  	[sflag:s11] =	ssyncset.done $0x0  }
0x5c: {  	s8 =	simm.s32 $0x4000;
	[sflag:s11] =	ssyncadd.s32 $0xFFFFC000  }
0x5d: {  	[spmem:s3] =	stream.indirect.scatter.add.f32 [tilespmem:s31], [sflag:$0x7], $0x10, s8, s24, $0xb8;
	[tilespmem:$0x1A000] =	vst v63  }
0x5e: {  	_ =	swait.ge [sflag:s14], $0x4000  }
0x5f: {  	[sflag:s14] =	ssyncset.done $0x0  }
0x60: {  	s25 =	simm.s32 $0x2000;
	[sflag:s14] =	ssyncadd.s32 $0xFFFFC000  }
0x61: {  	[tilespmem:s26], [sflag:$0x1] =	stream.indirect.gather [spmem:s2], $0x10, s25, s24, $0xb8;
	[tilespmem:$0x1A000] =	vst v63  }
0x62: {  	_ =	swait.ge [sflag:s30], $0x4000  }
0x63: {  	[sflag:s30] =	ssyncset.done $0x0  }
0x64: {  	s8 =	simm.s32 $0x4400;
	[sflag:s30] =	ssyncadd.s32 $0xFFFFC000  }
0x65: {  	[spmem:s3] =	stream.indirect.scatter.add.f32 [tilespmem:s19], [sflag:$0x8], $0x10, s8, s24, $0xb8;
	[tilespmem:$0x1A000] =	vst v63  }
0x66: {  	_ =	swait.ge [sflag:s18], $0x4000  }
0x67: {  	[sflag:s18] =	ssyncset.done $0x0  }
0x68: {  	s25 =	simm.s32 $0x2400;
	[sflag:s18] =	ssyncadd.s32 $0xFFFFC000  }
0x69: {  	[tilespmem:s28], [sflag:$0x2] =	stream.indirect.gather [spmem:s2], $0x10, s25, s24, $0xb8;
	[tilespmem:$0x1A000] =	vst v63  }
0x6a: {  	_ =	swait.ge [sflag:s29], $0x4000  }
0x6b: {  	[sflag:s29] =	ssyncset.done $0x0  }
0x6c: {  	s8 =	simm.s32 $0x4800;
	[sflag:s29] =	ssyncadd.s32 $0xFFFFC000  }
0x6d: {  	[spmem:s3] =	stream.indirect.scatter.add.f32 [tilespmem:s26], [sflag:$0x5], $0x10, s8, s24, $0xb8;
	[tilespmem:$0x1A000] =	vst v63  }
0x6e: {  	_ =	swait.ge [sflag:s0], $0x4000  }
0x6f: {  	[sflag:s0] =	ssyncset.done $0x0  }
0x70: {  	s25 =	simm.s32 $0x4C00;
	[sflag:s0] =	ssyncadd.s32 $0xFFFFC000  }
0x71: {  	[spmem:s3] =	stream.indirect.scatter.add.f32 [tilespmem:s28], [sflag:$0x6], $0x10, s25, s24, $0xb8;
	[tilespmem:$0x1A000] =	vst v63  }
0x72: {  	_ =	swait.ge [sflag:s16], $0x4000  }
0x73: {  	[sflag:s16] =	ssyncset.done $0x0  }
0x74: {  	[sflag:s16] =	ssyncadd.s32 $0xFFFFC000  }
0x75: {  	_ =	swait.ge [sflag:s15], $0x4000  }
0x76: {  	[sflag:s15] =	ssyncset.done $0x0  }
0x77: {  	[sflag:s15] =	ssyncadd.s32 $0xFFFFC000  }
0x78: {  	_ =	swait.ge [sflag:s14], $0x4000  }
0x79: {  	[sflag:s14] =	ssyncset.done $0x0  }
0x7a: {  	[sflag:s14] =	ssyncadd.s32 $0xFFFFC000  }
0x7b: {  	_ =	swait.ge [sflag:s18], $0x4000  }
0x7c: {  	s12 =	sadd.s32 $0xFFFFFFFF, s12;
	s8 =	sshll.u32 s1, $0x6;
	[sflag:s18] =	ssyncset.done $0x0  }
0x7d: {  	p2 =	sne.s32 s12, $0x0;
	s8 =	sor.u32 $0x1C0C, s8;
	[sflag:s18] =	ssyncadd.s32 $0xFFFFC000  }
.Ltmp1:
0x7e: {  	s25 =	sshrl.u32 s9, $0x3;
	[bflag:$0x0] =	sbarrier.arrive $0xFFFF;
	(pc) =	sbr.rel @!p2 .LBB2_8-.Ltmp1, $4  }
0x7f: {  	[hbm:s23], [sflag:s8] =	dma.local [spmem:s25], $0x500  }
0x80: {  	_ =	swait.ge [sflag:s17], $0x500  }
0x81: {  	[sflag:s17] =	ssyncset.done $0x0  }
0x82: {  	[sflag:s17] =	ssyncadd.s32 $0xFFFFFB00  }
.LBB2_1:
.Ltmp2:
0x83: {  	(pc) =	sbr.rel @!p0 .LBB2_2-.Ltmp2, $4  }
0x84: {  	_ = 	snop  }
0x85: {  	[tilespmem:s4], [sflag:$0x9] =	stream.linear.gather [hbm4b:s6+s4], $0x2800, $0x38;
	[tilespmem:$0x1A000] =	vst v63  }
0x86: {  	_ = 	snop  }
0x87: {  	[tilespmem:s13], [sflag:$0x9] =	stream.linear.gather [hbm4b:s7+s4], $0x2800, $0x38;
	[tilespmem:$0x1A000] =	vst v63  }
0x88: {  	s5 =	rddreg [dreg:$0x6]  }
.Ltmp3:
0x89: {  	s8 =	rddreg [dreg:$0x8];
	s25 =	simm.s32 $0x1FCA;
	(pc) =	sbr.rel @p1 .LBB2_6-.Ltmp3, $4  }
0x8a: {  	[spmem:s8], [sflag:s25] =	dma.local [hbm:s5], $0x320  }
0x8b: {  	s5 =	rddreg [dreg:$0x9]  }
0x8c: {  	s8 =	rddreg [dreg:$0xd]  }
0x8d: {  	[spmem:s5], [sflag:s25] =	dma.local [hbm:s8], $0x1E0  }
0x8e: {  	s5 =	rddreg [dreg:$0x6]  }
.Ltmp4:
0x8f: {  	s8 =	rddreg [dreg:$0xa];
	s25 =	simm.s32 $0x1FCB;
	(pc) =	sbr.rel .LBB2_7-.Ltmp4, $4  }
0x90: {  	[spmem:s8], [sflag:s25] =	dma.local [hbm:s5], $0x320  }
0x91: {  	s5 =	rddreg [dreg:$0xb]  }
0x92: {  	s8 =	rddreg [dreg:$0xd]  }
0x93: {  	[spmem:s5], [sflag:s25] =	dma.local [hbm:s8], $0x1E0  }
.LBB2_2:
.Ltmp5:
0x94: {  	(pc) =	sbr.rel @p1 .LBB2_6-.Ltmp5, $4  }
0x95: {  	s25 =	sshll.u32 s1, $0x6;
	s5 =	rddreg [dreg:$0x5]  }
0x96: {  	s10 =	rddreg [dreg:$0xc];
	s8 =	sor.u32 $0x1C0A, s25  }
0x97: {  	[spmem:s10], [sflag:s8] =	dma.local [hbm:s5], $0x500  }
0x98: {  	s10 =	simm.s32 $0x800  }
.Ltmp6:
0x99: {  	(pc) =	sbr.rel .LBB2_7-.Ltmp6, $3  }
0x9a: {  	_ =	sdelay $0x1  }
0x9b: {  	s8 =	sor.u32 $0x1C0B, s25;
	s25 =	sshrl.u32 s9, $0x3;
	s5 =	rddreg [dreg:$0x5]  }
0x9c: {  	[spmem:s25], [sflag:s8] =	dma.local [hbm:s5], $0x500  }
.LBB2_8:
0x9d: {  	_ =	sfence.sel $0x180000  }
0x9e: {  	[bflag:$0x0] =	sbarrier.arrive $0xFFFF  }
0x9f: {  	_ =	strace $0x9000004D  }
0xa0: {  	[bflag:$0x2] =	sbarrier.arrive $0xFFFF  }
0xa1: {  	p0 =	sne.s32 s1, $0x0;
	s0 =	rddreg [dreg:$0x4]  }
0xa2: {  	s0 =	sadd.s32 @!p0 $0x100000, s0  }
0xa3: {  	[sflag:s0] =	ssyncadd.tile.s32 @!p0 $0x1;
	_ =	shalt  }
.Lfunc_end2:
_tile_overlayer_lowered:
.L_overlay_start_2:
0xa4: {  	(tag) =	ssettag $0x2  }
0xa5: {  	s0 =	rddreg [dreg:$0x0];
	s2 =	stileid.u32  }
0xa6: {  	s1 =	rddreg [dreg:$0x1];
	p0 =	sne.s32 s2, $0x0  }
0xa7: {  	s3 =	rddreg [dreg:$0x2];
	[bflag:$0x3] =	sbarrier.arrive $0xFFFF;
	s2 =	simm.s32 @!p0 $0x1C0C  }
0xa8: {  	[timem:s3], [sflag:s2] =	dma.local @!p0 [hbm:s0], s1  }
0xa9: {  	s0 =	simm.s32 @!p0 $0xC  }
0xaa: {  	_ =	swait.ge @!p0 [sflag:s0], s1  }
0xab: {  	s1 =	ssub.s32 @!p0 $0x0, s1;
	[sflag:s0] =	ssyncset.done @!p0 $0x0  }
0xac: {  	[sflag:s0] =	ssyncadd.s32 @!p0 s1  }
0xad: {  	[bflag:$0x3] =	sbarrier.arrive $0xFFFF  }
0xae: {  	_ =	shalt  }

// kernel: kernel.8.cloned.1.call-start
scs
__scs_entry_jumppad:
0x0: {  	(pc) =	sbr.rel $0x88, $3  }
0x1: {  	(tag) =	ssettag $0x0;
	lr =	simm.s32 $0x1  }
0x2: {  	[smem:$0x3F9B] =	sst lr;
	_ =	strace $0xD0000000  }
0x3: {  	_ = 	snop  }
0x4: {  	_ = 	snop  }
0x5: {  	_ = 	snop  }
0x6: {  	_ = 	snop  }
0x7: {  	_ = 	snop  }
__scs_overlays_trampoline_lowered:
0x8: {  	[smem:$0x3FAA] =	sst s0  }
0x9: {  	[smem:$0x3FAB] =	sst s1  }
0xa: {  	[smem:$0x3FAC] =	sst s2  }
0xb: {  	[smem:$0x3FAD] =	sst s3  }
0xc: {  	[smem:$0x3FAE] =	sst s4  }
0xd: {  	[smem:$0x3FAF] =	sst s5  }
0xe: {  	[smem:$0x3FB0] =	sst s6  }
0xf: {  	[smem:$0x3FB1] =	sst s7  }
0x10: {  	[smem:$0x3FB2] =	sst s8  }
0x11: {  	[smem:$0x3FB3] =	sst s9;
	s0 =	simm.s32 @!p0 $0x0  }
0x12: {  	s1 =	sld [smem:$0x3F99];
	s0 =	simm.s32 @p0 $0x1  }
0x13: {  	[smem:$0x3FB4] =	sst s0;
	s0 =	simm.s32 @!p1 $0x0  }
0x14: {  	s2 =	sld [smem:$0x3F98];
	s0 =	simm.s32 @p1 $0x1  }
0x15: {  	[smem:$0x3FB5] =	sst s0;
	s0 =	simm.s32 @!p2 $0x0  }
0x16: {  	s3 =	sld [smem:$0x3FDB];
	s0 =	simm.s32 @p2 $0x1  }
0x17: {  	s4 =	simm.s32 $0x1BF5;
	[smem:$0x3FB7] =	sst s0  }
0x18: {  	s0 =	sld [smem:$0x3F9A];
	_ =	swait.ge [sflag:s4], $0x0  }
0x19: {  	s7 =	sld [smem:$0x3F9B]  }
0x1a: {  	s8 =	sadd.s32 $0xFFFFE003, lr  }
0x1b: {  	s9 =	sadd.s32 $0xFFFFFEF7, lr;
	s5 =	simm.s32 $0xFFFFFFFF;
	p2 =	slt.u32 s8, $0xFFFFF086  }
0x1c: {  	p1 =	slt.u32 s9, $0xF7A;
	s5 =	simm.s32 @!p2 $0x0  }
0x1d: {  	s5 =	simm.s32 @p1 $0x1;
	p0 =	seq.s32 s7, s2  }
0x1e: {  	s7 =	smul.u32 @!p0 $0xF7A, s2;
	p2 =	seq.s32 @!p0 s5, $0x0  }
0x1f: {  	s9 =	smul.u32 $0xF7A, s1;
	s8 =	simm.s32 @!p0 $0x1BF5;
	p2 =	por !p2, p0  }
0x20: {  	[sflag:s8] =	ssyncset.s32 @!p0 $0xFFFFF086;
	s6 =	sadd.s32 @!p0 s3, s7;
	s7 =	simm.s32 @!p0 $0x108  }
0x21: {  	s3 =	sadd.s32 s3, s9;
	s6 =	sadd.s32 @!p0 $0x88, s6;
	s7 =	simm.s32 @p2 $0x1082  }
0x22: {  	[simem:s7], [sflag:s8] =	dma.local @!p0 [hbm:s6], $0xF7A  }
0x23: {  	s9 =	sor.u32 $0xD0000000, s2;
	s6 =	simm.s32 $0x108;
	_ =	swait.ge @!p0 [sflag:s8], $0x0  }
0x24: {  	s3 =	sadd.s32 $0x88, s3;
	s6 =	simm.s32 @!p1 $0x1082;
	[sflag:s4] =	ssyncset.s32 $0xFFFFF086  }
0x25: {  	[simem:s6], [sflag:s4] =	dma.local [hbm:s3], $0xF7A  }
0x26: {  	[smem:$0x3F9B] =	sst s1;
	(tag) =	ssettag s2;
	_ =	strace s9  }
0x27: {  	s1 =	sld [smem:$0x3FAB]  }
0x28: {  	s2 =	sld [smem:$0x3FAC]  }
0x29: {  	s4 =	sld [smem:$0x3FAE]  }
0x2a: {  	p0 =	seq.s32 s5, $0x0;
	s5 =	sld [smem:$0x3FAF]  }
0x2b: {  	s6 =	sld [smem:$0x3FB0]  }
0x2c: {  	s7 =	sld [smem:$0x3FB1]  }
0x2d: {  	s3 =	simm.s32 $0x108;
	s8 =	sld [smem:$0x3FB2]  }
0x2e: {  	s3 =	simm.s32 @!p0 $0x1082;
	s9 =	sld [smem:$0x3FB3]  }
0x2f: {  	lr =	sadd.s32 s0, s3;
	s0 =	sld [smem:$0x3FAA]  }
0x30: {  	s3 =	sld [smem:$0x3FAD]  }
0x31: {  	[smem:$0x3FB6] =	sst s10  }
0x32: {  	s10 =	sld [smem:$0x3FB4];
	_ =	sdelay $0x3  }
0x33: {  	p0 =	seq.s32 s10, $0x1;
	s10 =	sld [smem:$0x3FB6];
	_ =	sdelay $0x3  }
0x34: {  	[smem:$0x3FB6] =	sst s10  }
0x35: {  	s10 =	sld [smem:$0x3FB5];
	_ =	sdelay $0x3  }
0x36: {  	p1 =	seq.s32 s10, $0x1;
	s10 =	sld [smem:$0x3FB6];
	_ =	sdelay $0x3  }
0x37: {  	[smem:$0x3FB6] =	sst s10  }
0x38: {  	s10 =	sld [smem:$0x3FB7]  }
0x39: {  	_ = 	snop;
	(pc) =	sbr.ind lr, $3  }
0x3a: {  	_ = 	snop  }
0x3b: {  	_ = 	snop  }
0x3c: {  	p2 =	seq.s32 s10, $0x1;
	s10 =	sld [smem:$0x3FB6]  }
0x3d: {  	_ =	shalt  }
0x3e: {  	_ =	shalt  }
0x3f: {  	_ =	shalt  }
0x40: {  	_ =	shalt  }
0x41: {  	_ =	shalt  }
0x42: {  	_ =	shalt  }
0x43: {  	_ =	shalt  }
0x44: {  	_ =	shalt  }
0x45: {  	_ =	shalt  }
0x46: {  	_ =	shalt  }
0x47: {  	_ =	shalt  }
0x48: {  	_ =	shalt  }
0x49: {  	_ =	shalt  }
0x4a: {  	_ =	shalt  }
0x4b: {  	_ =	shalt  }
0x4c: {  	_ =	shalt  }
0x4d: {  	_ =	shalt  }
0x4e: {  	_ =	shalt  }
0x4f: {  	_ =	shalt  }
0x50: {  	_ =	shalt  }
0x51: {  	_ =	shalt  }
0x52: {  	_ =	shalt  }
0x53: {  	_ =	shalt  }
0x54: {  	_ =	shalt  }
0x55: {  	_ =	shalt  }
0x56: {  	_ =	shalt  }
0x57: {  	_ =	shalt  }
0x58: {  	_ =	shalt  }
0x59: {  	_ =	shalt  }
0x5a: {  	_ =	shalt  }
0x5b: {  	_ =	shalt  }
0x5c: {  	_ =	shalt  }
0x5d: {  	_ =	shalt  }
0x5e: {  	_ =	shalt  }
0x5f: {  	_ =	shalt  }
0x60: {  	_ =	shalt  }
0x61: {  	_ =	shalt  }
0x62: {  	_ =	shalt  }
0x63: {  	_ =	shalt  }
0x64: {  	_ =	shalt  }
0x65: {  	_ =	shalt  }
0x66: {  	_ =	shalt  }
0x67: {  	_ =	shalt  }
0x68: {  	_ =	shalt  }
0x69: {  	_ =	shalt  }
0x6a: {  	_ =	shalt  }
0x6b: {  	_ =	shalt  }
0x6c: {  	_ =	shalt  }
0x6d: {  	_ =	shalt  }
0x6e: {  	_ =	shalt  }
0x6f: {  	_ =	shalt  }
0x70: {  	_ =	shalt  }
0x71: {  	_ =	shalt  }
0x72: {  	_ =	shalt  }
0x73: {  	_ =	shalt  }
0x74: {  	_ =	shalt  }
0x75: {  	_ =	shalt  }
0x76: {  	_ =	shalt  }
0x77: {  	_ =	shalt  }
0x78: {  	_ =	shalt  }
0x79: {  	_ =	shalt  }
0x7a: {  	_ =	shalt  }
0x7b: {  	_ =	shalt  }
0x7c: {  	_ =	shalt  }
0x7d: {  	_ =	shalt  }
0x7e: {  	_ =	shalt  }
0x7f: {  	_ =	shalt  }
0x80: {  	_ =	shalt  }
0x81: {  	_ =	shalt  }
0x82: {  	_ =	shalt  }
0x83: {  	_ =	shalt  }
0x84: {  	_ =	shalt  }
0x85: {  	_ =	shalt  }
0x86: {  	_ =	shalt  }
0x87: {  	_ =	shalt  }
.Lfunc_end0:
.L_simem_size_0:
called_computation_lowered:
.L_overlay_start_0:
0x88: {  	s2 =	sld [smem:$0x3FD9]  }
0x89: {  	s3 =	sld [smem:$0x3FFE];
	_ =	sdelay $0x1  }
0x8a: {  	s1 =	srdreg.scid  }
0x8b: {  	s0 =	sand.u32 $0x1, s1  }
0x8c: {  	s16 =	sshll.u32 s0, $0xA;
	s2 =	sadd.s32 s3, s2  }
0x8d: {  	s2 =	sadd.s32 s2, s16  }
0x8e: {  	[smem:$0x3FC2] =	sst s2  }
0x8f: {  	_ = 	snop  }
0x90: {  	(tm) =	ssettm $0x1  }
0x91: {  	s17 =	sld [smem:$0x3FFB];
	_ =	sdelay $0x3  }
0x92: {  	_ =	strace s17  }
0x93: {  	s2 =	sld [smem:$0x3FFC];
	_ =	sdelay $0x3  }
0x94: {  	_ =	strace s2  }
0x95: {  	s2 =	sld [smem:$0x3FFD];
	_ =	sdelay $0x3  }
0x96: {  	_ =	strace s2  }
0x97: {  	_ =	strace $0x8FFFFFFF  }
0x98: {  	s18 =	sld [smem:$0x3FDB];
	_ =	sdelay $0x1  }
0x99: {  	s19 =	simm.s32 $_scs_section_size  }
0x9a: {  	s4 =	simm.s32 $_size__tile_overlayer_lowered;
	s5 =	simm.s32 $_tile_overlayer_lowered  }
0x9b: {  	s22 =	simm.s32 $0x1BFF;
	s21 =	sshll.u32 s5, $0x1;
	s2 =	sadd.s32 s19, s18  }
0x9c: {  	s6 =	simm.s32 $0x0;
	s20 =	sshll.u32 s4, $0x1;
	s4 =	sadd.s32 s21, s2  }
0x9d: {  	[timem:s6], [sflag:s22] =	dma.local [hbm:s4], s20  }
0x9e: {  	_ =	swait.ge [sflag:s22], s20  }
0x9f: {  	s3 =	ssub.s32 $0x0, s20;
	[sflag:s22] =	ssyncset.done $0x0  }
0xa0: {  	[sflag:s22] =	ssyncadd.s32 s3;
	_ =	sdelay $0x1  }
0xa1: {  	s23 =	simm.s32 $0x1B8B  }
0xa2: {  	_ =	swait.ge [sflag:s23], $0x1  }
0xa3: {  	[sflag:s23] =	ssyncset.done $0x0  }
0xa4: {  	s25 =	simm.s32 $0x1B8E;
	s24 =	sld [smem:$0x3FFE];
	[sflag:s23] =	ssyncadd.s32 $0xFFFFFFFF  }
0xa5: {  	s26 =	simm.s32 $execute0_lowered;
	[smem:$0x3FD2] =	sst s25  }
0xa6: {  	s4 =	sshll.u32 s26, $0x1;
	_ =	strace $0x80000046;
	[dreg:$0x1] =	wrdreg $0xFFFFFFFF  }
0xa7: {  	s28 =	simm.s32 $_size_execute0_lowered;
	s2 =	sadd.s32 s2, s4;
	[dreg:$0x0] =	wrdreg $0x0  }
0xa8: {  	s4 =	sshll.u32 s28, $0x1;
	[dreg:$0x2] =	wrdreg s2  }
0xa9: {  	[dreg:$0x3] =	wrdreg s4  }
0xaa: {  	[dreg:$0x4] =	wrdreg $0xC0  }
0xab: {  	_ =	task [dreg:s6], $0x5FFFF  }
0xac: {  	[dreg:$0x1] =	wrdreg $0xFFFFFFFF  }
0xad: {  	[dreg:$0x0] =	wrdreg $0x60  }
0xae: {  	[dreg:$0x2] =	wrdreg s24  }
0xaf: {  	[dreg:$0x3] =	wrdreg $0x7D000  }
0xb0: {  	[dreg:$0x4] =	wrdreg $0x9  }
0xb1: {  	_ =	task.clear_ibuf [dreg:s6], $0x5FFFF;
	_ =	strace $0x90000046  }
0xb2: {  	s29 =	simm.s32 $0x9;
	_ =	strace $0x80000048  }
0xb3: {  	_ =	swait.ge [sflag:s29], $0x1  }
0xb4: {  	[sflag:s29] =	ssyncadd.s32 $0xFFFFFFFF  }
0xb5: {  	_ =	strace $0x90000048  }
0xb6: {  	_ =	sfence  }
0xb7: {  	s30 =	sld [smem:$0x0];
	_ =	sdelay $0x2  }
0xb8: {  	s31 =	sshll.u32 s1, $0xD;
	s1 =	sshrl.u32 s1, $0x2  }
0xb9: {  	s3 =	sand.u32 $0x4000, s31;
	s1 =	sadd.s32 s1, s30  }
0xba: {  	s0 =	sor.u32 s3, s0;
	s1 =	sshll.u32 s1, $0x11  }
0xbb: {  	s0 =	sor.u32 s1, s0  }
0xbc: {  	s0 =	sadd.s32 $0x8F2B, s0  }
0xbd: {  	[sflag:s0] =	ssyncadd.remote.s32 $0x1  }
0xbe: {  	_ =	sfence.sel $0xFFFF  }
0xbf: {  	[dreg:$0x0] =	wrdreg $0xFFFFFFFF;
	(pc) =	sbr.abs _section_cstart, $3  }
0xc0: {  	[dreg:$0x1] =	wrdreg $0xFFFFFFFF  }
0xc1: {  	_ =	task.clear_ibuf [dreg:s6], $0x2FFFF;
	_ =	strace $0x9FFFFFFF  }
0xc2: {  	(tm) =	ssettm $0x7FFFFFFF  }
0xc3: {  	_ =	shalt  }
tec
execute0_lowered:
.L_overlay_start_1:
0x0: {  	(tag) =	ssettag $0x1  }
0x1: {  	s0 =	srdreg.scid;
	s4 =	rddreg [dreg:$0x0]  }
0x2: {  	s1 =	rddreg [dreg:$0x1];
	s6 =	stileid.u32  }
0x3: {  	s2 =	simm.s32 $0x0;
	s10 =	simm.s32 $0x280;
	s11 =	simm.s32 $0x5000  }
0x4: {  	s12 =	simm.s32 $0x5280;
	s13 =	simm.s32 $0x2;
	s16 =	simm.s32 $0x0  }
0x5: {  	s3 =	sand.u32 $0x1, s0;
	s0 =	rddreg [dreg:$0x2];
	s9 =	smul.u32 $0xA00, s6  }
0x6: {  	[smem:$0x7FF] =	sst s2;
	p0 =	sne.s32 s6, $0x0;
	s15 =	smul.u32 $0x500, s6  }
0x7: {  	s5 =	sshll.u32 s3, $0x4;
	_ =	strace $0x80000047;
	s7 =	smul.u32 $0x5000, s3  }
0x8: {  	s8 =	ssub.s32 $0x2, s3;
	s3 =	sadd.s32 $0xB600, s4;
	s5 =	sor.u32 s6, s5  }
0x9: {  	s30 =	sshrl.u32 s8, $0x1;
	s31 =	sshrl.u32 s9, $0x2;
	s9 =	simm.s32 $0x2800  }
0xa: {  	s5 =	smul.u32 $0x500, s5;
	s7 =	sadd.s32 s7, s4;
	s8 =	ssub.s32 s8, s30  }
0xb: {  	s14 =	sadd.s32 $0x10600, s7;
	s6 =	smax.u32 s8, $0x1;
	s7 =	sshrl.u32 @!p0 s1, $0x3  }
0xc: {  	s8 =	simm.s32 $0x1;
	s5 =	sadd.s32 s5, s4;
	s14 =	sadd.s32 s15, s14  }
0xd: {  	v0 =	vimm.f32 $0.0e+00;
	v1 =	vlaneseq.u32;
	v2 =	vimm.f32 $1.000000000e+00;
	s15 =	simm.s32 $0x5500;
	s4 =	sadd.s32 $0x1600, s5;
	s5 =	sadd.s32 s31, s1  }
.LBB2_1:
0xe: {  	[tilespmem:s2], [sflag:$0x1] =	stream.linear.gather [hbm4b:s4+s2], $0x2800, $0x38;
	[tilespmem:$0x7F80] =	vst v63  }
0xf: {  	s17 =	simm.s32 $0x0  }
.LBB2_2:
0x10: {  	p1 =	sne.s32 s17, $0x9FC0  }
.Ltmp0:
0x11: {  	_ = 	snop;
	(pc) =	sbr.rel @p1 .LBB2_2-.Ltmp0, $3  }
0x12: {  	_ =	sdelay $0x1  }
0x13: {  	s18 =	sshra.s32 s17, $0x2  }
0x14: {  	s17 =	sadd.s32 $0x40, s17;
	[tilespmem:s18+$0x2800] =	vst v0  }
0x15: {  	s18 =	simm.s32 $0x0  }
0x16: {  	s17 =	simm.s32 $0x5000;
	v3 =	vor.u32 s18, v1  }
0x17: {  	s18 =	simm.s32 $0x10;
	[tilespmem:s17+$0x0] =	vst v3  }
.LBB2_4:
0x18: {  	p1 =	sne.s32 s18, $0x270  }
.Ltmp1:
0x19: {  	_ = 	snop;
	(pc) =	sbr.rel @p1 .LBB2_4-.Ltmp1, $3  }
0x1a: {  	_ =	sdelay $0x1  }
0x1b: {  	v3 =	vor.u32 s18, v1;
	s18 =	sadd.s32 $0x10, s18;
	s17 =	sadd.s32 $0x10, s17  }
0x1c: {  	[tilespmem:s17+$0x0] =	vst v3  }
0x1d: {  	s17 =	simm.s32 @!p0 $0x1C02  }
0x1e: {  	[spmem:s7], [sflag:s17] =	dma.local @!p0 [hbm:s3], $0x500  }
0x1f: {  	s17 =	simm.s32 @!p0 $0x2  }
0x20: {  	_ =	swait.ge @!p0 [sflag:s17], $0x500  }
0x21: {  	[sflag:s17] =	ssyncset.done @!p0 $0x0  }
0x22: {  	[sflag:s17] =	ssyncadd.s32 @!p0 $0xFFFFFB00  }
0x23: {  	_ =	swait.ge [sflag:s8], $0x2800  }
0x24: {  	[sflag:s8] =	ssyncset.done $0x0  }
0x25: {  	s17 =	simm.s32 $0x0;
	[sflag:s8] =	ssyncadd.s32 $0xFFFFD800  }
.LBB2_6:
0x26: {  	s18 =	sshra.s32 s17, $0x2  }
0x27: {  	v3 =	vld [tilespmem:s18+$0x0];
	_ =	sdelay $0x7  }
0x28: {  	[tilespmem:v3+s9+$0x0] =	vst.idx.add.f32.msk $0xffff, v2  }
0x29: {  	v3 =	vld [tilespmem:s18+$0x10];
	_ =	sdelay $0x7  }
0x2a: {  	[tilespmem:v3+s9+$0x0] =	vst.idx.add.f32.msk $0xffff, v2  }
0x2b: {  	v3 =	vld [tilespmem:s18+$0x20];
	_ =	sdelay $0x7  }
0x2c: {  	[tilespmem:v3+s9+$0x0] =	vst.idx.add.f32.msk $0xffff, v2  }
0x2d: {  	v3 =	vld [tilespmem:s18+$0x30];
	_ =	sdelay $0x7  }
0x2e: {  	[tilespmem:v3+s9+$0x0] =	vst.idx.add.f32.msk $0xffff, v2  }
0x2f: {  	v3 =	vld [tilespmem:s18+$0x40];
	_ =	sdelay $0x7  }
0x30: {  	[tilespmem:v3+s9+$0x0] =	vst.idx.add.f32.msk $0xffff, v2  }
0x31: {  	v3 =	vld [tilespmem:s18+$0x50];
	_ =	sdelay $0x7  }
0x32: {  	[tilespmem:v3+s9+$0x0] =	vst.idx.add.f32.msk $0xffff, v2  }
0x33: {  	v3 =	vld [tilespmem:s18+$0x60];
	_ =	sdelay $0x7  }
0x34: {  	[tilespmem:v3+s9+$0x0] =	vst.idx.add.f32.msk $0xffff, v2  }
0x35: {  	v3 =	vld [tilespmem:s18+$0x70];
	_ =	sdelay $0x7  }
0x36: {  	[tilespmem:v3+s9+$0x0] =	vst.idx.add.f32.msk $0xffff, v2  }
0x37: {  	v3 =	vld [tilespmem:s18+$0x80];
	_ =	sdelay $0x7  }
0x38: {  	[tilespmem:v3+s9+$0x0] =	vst.idx.add.f32.msk $0xffff, v2  }
0x39: {  	v3 =	vld [tilespmem:s18+$0x90];
	_ =	sdelay $0x7  }
0x3a: {  	[tilespmem:v3+s9+$0x0] =	vst.idx.add.f32.msk $0xffff, v2  }
0x3b: {  	v3 =	vld [tilespmem:s18+$0xA0];
	_ =	sdelay $0x7  }
0x3c: {  	[tilespmem:v3+s9+$0x0] =	vst.idx.add.f32.msk $0xffff, v2  }
0x3d: {  	v3 =	vld [tilespmem:s18+$0xB0];
	_ =	sdelay $0x7  }
0x3e: {  	[tilespmem:v3+s9+$0x0] =	vst.idx.add.f32.msk $0xffff, v2  }
0x3f: {  	v3 =	vld [tilespmem:s18+$0xC0];
	_ =	sdelay $0x7  }
0x40: {  	[tilespmem:v3+s9+$0x0] =	vst.idx.add.f32.msk $0xffff, v2  }
0x41: {  	v3 =	vld [tilespmem:s18+$0xD0];
	_ =	sdelay $0x7  }
0x42: {  	[tilespmem:v3+s9+$0x0] =	vst.idx.add.f32.msk $0xffff, v2  }
0x43: {  	v3 =	vld [tilespmem:s18+$0xE0];
	_ =	sdelay $0x7  }
0x44: {  	[tilespmem:v3+s9+$0x0] =	vst.idx.add.f32.msk $0xffff, v2  }
0x45: {  	v3 =	vld [tilespmem:s18+$0xF0];
	_ =	sdelay $0x7  }
0x46: {  	[tilespmem:v3+s9+$0x0] =	vst.idx.add.f32.msk $0xffff, v2  }
0x47: {  	v3 =	vld [tilespmem:s18+$0x100];
	_ =	sdelay $0x7  }
0x48: {  	[tilespmem:v3+s9+$0x0] =	vst.idx.add.f32.msk $0xffff, v2  }
0x49: {  	v3 =	vld [tilespmem:s18+$0x110];
	_ =	sdelay $0x7  }
0x4a: {  	[tilespmem:v3+s9+$0x0] =	vst.idx.add.f32.msk $0xffff, v2  }
0x4b: {  	v3 =	vld [tilespmem:s18+$0x120];
	_ =	sdelay $0x7  }
0x4c: {  	[tilespmem:v3+s9+$0x0] =	vst.idx.add.f32.msk $0xffff, v2  }
0x4d: {  	v3 =	vld [tilespmem:s18+$0x130];
	_ =	sdelay $0x7  }
0x4e: {  	[tilespmem:v3+s9+$0x0] =	vst.idx.add.f32.msk $0xffff, v2  }
0x4f: {  	v3 =	vld [tilespmem:s18+$0x140];
	_ =	sdelay $0x7  }
0x50: {  	[tilespmem:v3+s9+$0x0] =	vst.idx.add.f32.msk $0xffff, v2  }
0x51: {  	v3 =	vld [tilespmem:s18+$0x150];
	_ =	sdelay $0x7  }
0x52: {  	[tilespmem:v3+s9+$0x0] =	vst.idx.add.f32.msk $0xffff, v2  }
0x53: {  	v3 =	vld [tilespmem:s18+$0x160];
	_ =	sdelay $0x7  }
0x54: {  	[tilespmem:v3+s9+$0x0] =	vst.idx.add.f32.msk $0xffff, v2  }
0x55: {  	v3 =	vld [tilespmem:s18+$0x170];
	_ =	sdelay $0x7  }
0x56: {  	[tilespmem:v3+s9+$0x0] =	vst.idx.add.f32.msk $0xffff, v2  }
0x57: {  	v3 =	vld [tilespmem:s18+$0x180];
	_ =	sdelay $0x7  }
0x58: {  	[tilespmem:v3+s9+$0x0] =	vst.idx.add.f32.msk $0xffff, v2  }
0x59: {  	v3 =	vld [tilespmem:s18+$0x190];
	_ =	sdelay $0x7  }
0x5a: {  	[tilespmem:v3+s9+$0x0] =	vst.idx.add.f32.msk $0xffff, v2  }
0x5b: {  	v3 =	vld [tilespmem:s18+$0x1A0];
	_ =	sdelay $0x7  }
0x5c: {  	[tilespmem:v3+s9+$0x0] =	vst.idx.add.f32.msk $0xffff, v2  }
0x5d: {  	v3 =	vld [tilespmem:s18+$0x1B0];
	_ =	sdelay $0x7  }
0x5e: {  	[tilespmem:v3+s9+$0x0] =	vst.idx.add.f32.msk $0xffff, v2  }
0x5f: {  	v3 =	vld [tilespmem:s18+$0x1C0];
	_ =	sdelay $0x7  }
0x60: {  	[tilespmem:v3+s9+$0x0] =	vst.idx.add.f32.msk $0xffff, v2  }
0x61: {  	v3 =	vld [tilespmem:s18+$0x1D0];
	_ =	sdelay $0x7  }
0x62: {  	[tilespmem:v3+s9+$0x0] =	vst.idx.add.f32.msk $0xffff, v2  }
0x63: {  	v3 =	vld [tilespmem:s18+$0x1E0];
	_ =	sdelay $0x7  }
0x64: {  	[tilespmem:v3+s9+$0x0] =	vst.idx.add.f32.msk $0xffff, v2  }
0x65: {  	v3 =	vld [tilespmem:s18+$0x1F0];
	_ =	sdelay $0x7  }
0x66: {  	[tilespmem:v3+s9+$0x0] =	vst.idx.add.f32.msk $0xffff, v2  }
0x67: {  	v3 =	vld [tilespmem:s18+$0x200];
	_ =	sdelay $0x7  }
0x68: {  	[tilespmem:v3+s9+$0x0] =	vst.idx.add.f32.msk $0xffff, v2  }
0x69: {  	v3 =	vld [tilespmem:s18+$0x210];
	_ =	sdelay $0x7  }
0x6a: {  	[tilespmem:v3+s9+$0x0] =	vst.idx.add.f32.msk $0xffff, v2  }
0x6b: {  	v3 =	vld [tilespmem:s18+$0x220];
	_ =	sdelay $0x7  }
0x6c: {  	[tilespmem:v3+s9+$0x0] =	vst.idx.add.f32.msk $0xffff, v2  }
0x6d: {  	v3 =	vld [tilespmem:s18+$0x230];
	_ =	sdelay $0x7  }
0x6e: {  	[tilespmem:v3+s9+$0x0] =	vst.idx.add.f32.msk $0xffff, v2  }
0x6f: {  	v3 =	vld [tilespmem:s18+$0x240];
	_ =	sdelay $0x7  }
0x70: {  	[tilespmem:v3+s9+$0x0] =	vst.idx.add.f32.msk $0xffff, v2  }
0x71: {  	v3 =	vld [tilespmem:s18+$0x250];
	_ =	sdelay $0x7  }
0x72: {  	[tilespmem:v3+s9+$0x0] =	vst.idx.add.f32.msk $0xffff, v2  }
0x73: {  	v3 =	vld [tilespmem:s18+$0x260];
	_ =	sdelay $0x7  }
0x74: {  	[tilespmem:v3+s9+$0x0] =	vst.idx.add.f32.msk $0xffff, v2  }
0x75: {  	v3 =	vld [tilespmem:s18+$0x270];
	_ =	sdelay $0x7  }
0x76: {  	[tilespmem:v3+s9+$0x0] =	vst.idx.add.f32.msk $0xffff, v2  }
0x77: {  	v3 =	vld [tilespmem:s18+$0x280];
	_ =	sdelay $0x7  }
0x78: {  	[tilespmem:v3+s9+$0x0] =	vst.idx.add.f32.msk $0xffff, v2  }
0x79: {  	v3 =	vld [tilespmem:s18+$0x290];
	_ =	sdelay $0x7  }
0x7a: {  	[tilespmem:v3+s9+$0x0] =	vst.idx.add.f32.msk $0xffff, v2  }
0x7b: {  	v3 =	vld [tilespmem:s18+$0x2A0];
	_ =	sdelay $0x7  }
0x7c: {  	[tilespmem:v3+s9+$0x0] =	vst.idx.add.f32.msk $0xffff, v2  }
0x7d: {  	v3 =	vld [tilespmem:s18+$0x2B0];
	_ =	sdelay $0x7  }
0x7e: {  	[tilespmem:v3+s9+$0x0] =	vst.idx.add.f32.msk $0xffff, v2  }
0x7f: {  	v3 =	vld [tilespmem:s18+$0x2C0];
	_ =	sdelay $0x7  }
0x80: {  	[tilespmem:v3+s9+$0x0] =	vst.idx.add.f32.msk $0xffff, v2  }
0x81: {  	v3 =	vld [tilespmem:s18+$0x2D0];
	_ =	sdelay $0x7  }
0x82: {  	[tilespmem:v3+s9+$0x0] =	vst.idx.add.f32.msk $0xffff, v2  }
0x83: {  	v3 =	vld [tilespmem:s18+$0x2E0];
	_ =	sdelay $0x7  }
0x84: {  	[tilespmem:v3+s9+$0x0] =	vst.idx.add.f32.msk $0xffff, v2  }
0x85: {  	v3 =	vld [tilespmem:s18+$0x2F0];
	_ =	sdelay $0x7  }
0x86: {  	[tilespmem:v3+s9+$0x0] =	vst.idx.add.f32.msk $0xffff, v2  }
0x87: {  	v3 =	vld [tilespmem:s18+$0x300];
	_ =	sdelay $0x7  }
0x88: {  	[tilespmem:v3+s9+$0x0] =	vst.idx.add.f32.msk $0xffff, v2  }
0x89: {  	v3 =	vld [tilespmem:s18+$0x310];
	_ =	sdelay $0x7  }
0x8a: {  	[tilespmem:v3+s9+$0x0] =	vst.idx.add.f32.msk $0xffff, v2  }
0x8b: {  	v3 =	vld [tilespmem:s18+$0x320];
	_ =	sdelay $0x7  }
0x8c: {  	[tilespmem:v3+s9+$0x0] =	vst.idx.add.f32.msk $0xffff, v2  }
0x8d: {  	v3 =	vld [tilespmem:s18+$0x330];
	_ =	sdelay $0x7  }
0x8e: {  	[tilespmem:v3+s9+$0x0] =	vst.idx.add.f32.msk $0xffff, v2  }
0x8f: {  	v3 =	vld [tilespmem:s18+$0x340];
	_ =	sdelay $0x7  }
0x90: {  	[tilespmem:v3+s9+$0x0] =	vst.idx.add.f32.msk $0xffff, v2  }
0x91: {  	v3 =	vld [tilespmem:s18+$0x350];
	_ =	sdelay $0x7  }
0x92: {  	[tilespmem:v3+s9+$0x0] =	vst.idx.add.f32.msk $0xffff, v2  }
0x93: {  	v3 =	vld [tilespmem:s18+$0x360];
	_ =	sdelay $0x7  }
0x94: {  	[tilespmem:v3+s9+$0x0] =	vst.idx.add.f32.msk $0xffff, v2  }
0x95: {  	v3 =	vld [tilespmem:s18+$0x370];
	_ =	sdelay $0x7  }
0x96: {  	[tilespmem:v3+s9+$0x0] =	vst.idx.add.f32.msk $0xffff, v2  }
0x97: {  	v3 =	vld [tilespmem:s18+$0x380];
	_ =	sdelay $0x7  }
0x98: {  	[tilespmem:v3+s9+$0x0] =	vst.idx.add.f32.msk $0xffff, v2  }
0x99: {  	v3 =	vld [tilespmem:s18+$0x390];
	_ =	sdelay $0x7  }
0x9a: {  	[tilespmem:v3+s9+$0x0] =	vst.idx.add.f32.msk $0xffff, v2  }
0x9b: {  	v3 =	vld [tilespmem:s18+$0x3A0];
	_ =	sdelay $0x7  }
0x9c: {  	[tilespmem:v3+s9+$0x0] =	vst.idx.add.f32.msk $0xffff, v2  }
0x9d: {  	v3 =	vld [tilespmem:s18+$0x3B0];
	_ =	sdelay $0x7  }
0x9e: {  	[tilespmem:v3+s9+$0x0] =	vst.idx.add.f32.msk $0xffff, v2  }
0x9f: {  	v3 =	vld [tilespmem:s18+$0x3C0];
	_ =	sdelay $0x7  }
0xa0: {  	[tilespmem:v3+s9+$0x0] =	vst.idx.add.f32.msk $0xffff, v2  }
0xa1: {  	v3 =	vld [tilespmem:s18+$0x3D0];
	_ =	sdelay $0x7  }
0xa2: {  	[tilespmem:v3+s9+$0x0] =	vst.idx.add.f32.msk $0xffff, v2  }
0xa3: {  	v3 =	vld [tilespmem:s18+$0x3E0];
	_ =	sdelay $0x7  }
0xa4: {  	[tilespmem:v3+s9+$0x0] =	vst.idx.add.f32.msk $0xffff, v2  }
0xa5: {  	v3 =	vld [tilespmem:s18+$0x3F0];
	_ =	sdelay $0x2  }
0xa6: {  	p1 =	sne.s32 s17, $0x9000  }
.Ltmp2:
0xa7: {  	_ = 	snop;
	(pc) =	sbr.rel @p1 .LBB2_6-.Ltmp2, $2  }
0xa8: {  	_ =	sdelay $0x2  }
0xa9: {  	s17 =	sadd.s32 $0x1000, s17;
	[tilespmem:v3+s9+$0x0] =	vst.idx.add.f32.msk $0xffff, v2  }
0xaa: {  	[bflag:$0x0] =	sbarrier.arrive $0xFFFF;
	s17 =	simm.s32 $0x0  }
0xab: {  	[spmem:s1] =	stream.indirect.scatter.add.f32 [tilespmem:s9], [sflag:$0x1], $0x10, s11, s10, $0xb8;
	v3 =	vmov s17;
	[tilespmem:$0x7F80] =	vst v63  }
0xac: {  	s17 =	sand.u32 $0xFFFFFFF0, s17;
	_ =	swait.ge [sflag:s8], $0x2800;
	v3 =	vand.u32 $0xF, v3  }
0xad: {  	[sflag:s8] =	ssyncset.done $0x0;
	v3 =	vor.u32 s17, v3  }
0xae: {  	[sflag:s8] =	ssyncadd.s32 $0xFFFFD800;
	v3 =	vbroadcast v3, $0x0  }
0xaf: {  	s31 =	simm.s32 $0x1;
	[bflag:$0x0] =	sbarrier.arrive $0xFFFF  }
0xb0: {  	[tilespmem:s12], [sflag:$0x2] =	stream.linear.gather [spmem:s5], $0x280, $0x38;
	[tilespmem:$0x7F80] =	vst v63  }
0xb1: {  	v4 =	vmov s31;
	_ =	swait.ge [sflag:s13], $0x280  }
0xb2: {  	v4 =	vand.u32 $0xF, v4;
	s17 =	sand.u32 $0xFFFFFFF0, s31;
	[sflag:s13] =	ssyncset.done $0x0  }
0xb3: {  	v5 =	vor.u32 s17, v4;
	[sflag:s13] =	ssyncadd.s32 $0xFFFFFD80  }
0xb4: {  	v4 =	vld.idx.msk [tilespmem:v3+s12+$0x0], $0xffff;
	v3 =	vbroadcast v5, $0x0;
	_ =	sdelay $0x2  }
0xb5: {  	s18 =	simm.s32 $0x2  }
0xb6: {  	s19 =	simm.s32 $0x3;
	s17 =	simm.s32 $0x5500;
	v5 =	vmov s18  }
.LBB2_8:
0xb7: {  	p1 =	sne.s32 s19, $0x27F;
	s20 =	sand.u32 $0xFFFFFFF0, s18;
	v5 =	vand.u32 $0xF, v5;
	[tilespmem:s17+$0x0] =	vst v4;
	s18 =	smov.u32 s19  }
0xb8: {  	v5 =	vor.u32 s20, v5;
	v4 =	vld.idx.msk [tilespmem:v3+s12+$0x0], $0xffff  }
.Ltmp3:
0xb9: {  	v3 =	vbroadcast v5, $0x0;
	(pc) =	sbr.rel @p1 .LBB2_8-.Ltmp3, $2  }
0xba: {  	_ =	sdelay $0x2  }
0xbb: {  	s19 =	sadd.s32 $0x1, s19;
	s17 =	sadd.s32 $0x10, s17;
	v5 =	vmov s18  }
0xbc: {  	_ =	sdelay $0x1  }
0xbd: {  	s18 =	sand.u32 $0xFFFFFFF0, s18;
	v5 =	vand.u32 $0xF, v5  }
0xbe: {  	[tilespmem:s17+$0x0] =	vst v4;
	v63 =	vor.u32 s18, v5  }
0xbf: {  	v3 =	vld.idx.msk [tilespmem:v3+s12+$0x0], $0xffff;
	v4 =	vbroadcast v63, $0x0;
	_ =	sdelay $0x3  }
0xc0: {  	s31 =	sadd.s32 $0x10, s17  }
0xc1: {  	[tilespmem:s31+$0x0] =	vst v3  }
0xc2: {  	v3 =	vld.idx.msk [tilespmem:v4+s12+$0x0], $0xffff;
	_ =	sdelay $0x2  }
0xc3: {  	s16 =	sadd.s32 $0x1, s16  }
0xc4: {  	s17 =	sadd.s32 $0x10, s31;
	p1 =	sne.s32 s16, s6  }
.Ltmp4:
0xc5: {  	[tilespmem:s17+$0x0] =	vst v3;
	(pc) =	sbr.rel @p1 .LBB2_1-.Ltmp4, $4  }
0xc6: {  	[hbm4b:s14+s2] =	stream.linear.scatter [tilespmem:s15], [sflag:$0x2], $0x2800, $0x38;
	[tilespmem:$0x7F80] =	vst v63  }
0xc7: {  	_ =	swait.ge [sflag:s13], $0x2800  }
0xc8: {  	[sflag:s13] =	ssyncset.done $0x0  }
0xc9: {  	[sflag:s13] =	ssyncadd.s32 $0xFFFFD800  }
0xca: {  	_ =	sfence.sel $0x180000  }
0xcb: {  	[bflag:$0x0] =	sbarrier.arrive $0xFFFF  }
0xcc: {  	_ =	strace $0x90000047  }
0xcd: {  	s0 =	sadd.s32 @!p0 $0x100000, s0;
	[bflag:$0x2] =	sbarrier.arrive $0xFFFF  }
0xce: {  	[sflag:s0] =	ssyncadd.tile.s32 @!p0 $0x1;
	_ =	shalt  }
.Lfunc_end2:
_tile_overlayer_lowered:
.L_overlay_start_2:
0xcf: {  	(tag) =	ssettag $0x2  }
0xd0: {  	s0 =	rddreg [dreg:$0x0];
	s2 =	stileid.u32  }
0xd1: {  	s1 =	rddreg [dreg:$0x1];
	p0 =	sne.s32 s2, $0x0  }
0xd2: {  	s3 =	rddreg [dreg:$0x2];
	[bflag:$0x3] =	sbarrier.arrive $0xFFFF;
	s2 =	simm.s32 @!p0 $0x1C02  }
0xd3: {  	[timem:s3], [sflag:s2] =	dma.local @!p0 [hbm:s0], s1  }
0xd4: {  	s0 =	simm.s32 @!p0 $0x2  }
0xd5: {  	_ =	swait.ge @!p0 [sflag:s0], s1  }
0xd6: {  	s1 =	ssub.s32 @!p0 $0x0, s1;
	[sflag:s0] =	ssyncset.done @!p0 $0x0  }
0xd7: {  	[sflag:s0] =	ssyncadd.s32 @!p0 s1  }
0xd8: {  	[bflag:$0x3] =	sbarrier.arrive $0xFFFF  }
0xd9: {  	_ =	shalt  }

</sc_bundles>
